<compile_context>
chip_gen: v7x
topology: tpu7x:2x2x1
jax: 0.10.2.dev20260603
libtpu: 0.0.44.dev20260713+nightly
codegen_flags: <defaults>
</compile_context>

<pallas_src>
import functools

import jax
import jax.numpy as jnp
from jax import lax
from jax.experimental import pallas as pl
from jax.experimental.pallas import tpu as pltpu
from jax.experimental.pallas import tpu_sc as plsc

_CHUNK = 40
_NBUF = 5
_DP = 128


@functools.lru_cache(maxsize=None)
def _build(B, S, D):
    info = plsc.get_sparse_core_info()
    nc, ns = info.num_cores, info.num_subcores
    nw = nc * ns
    N = B * S
    n_w = N // nw
    n_chunks = n_w // _CHUNK
    assert N % nw == 0 and n_w % S == 0
    assert S == _CHUNK * _NBUF
    assert n_chunks % _NBUF == 0 and n_chunks >= 2 * _NBUF

    mesh = plsc.VectorSubcoreMesh(core_axis_name="c", subcore_axis_name="s")

    @functools.partial(
        pl.kernel,
        mesh=mesh,
        out_type=jax.ShapeDtypeStruct((B, S, _DP), jnp.float32),
        compiler_params=pltpu.CompilerParams(use_tc_tiling_on_sc=True),
        scratch_types=[
            pltpu.VMEM((n_w,), jnp.int32),
            pltpu.VMEM((_NBUF, _CHUNK, _DP), jnp.float32),
            pltpu.VMEM_SHARED((S, _DP), jnp.float32),
            pltpu.SemaphoreType.DMA((_NBUF,)),
            pltpu.SemaphoreType.DMA((_NBUF,)),
        ],
    )
    def k(seq_hbm, tok_hbm, pos_hbm, out_hbm, idx_v, buf_v, spos, gsem, wsem):
        cid = lax.axis_index("c")
        sid = lax.axis_index("s")
        wid = sid * nc + cid
        base = wid * n_w
        sb = base // S
        pltpu.sync_copy(seq_hbm.at[pl.ds(base, n_w)], idx_v)

        @pl.when(sid == 0)
        def _():
            pltpu.sync_copy(pos_hbm, spos)
        plsc.subcore_barrier()

        def g_start(g, b):
            pltpu.sync_copy(spos.at[pl.ds(b * _CHUNK, _CHUNK), :], buf_v.at[b])
            pltpu.async_copy(
                tok_hbm.at[idx_v.at[pl.ds(g * S + b * _CHUNK, _CHUNK)]],
                buf_v.at[b], gsem.at[b], add=True)

        def g_wait(g, b):
            pltpu.make_async_copy(
                tok_hbm.at[idx_v.at[pl.ds(g * S + b * _CHUNK, _CHUNK)]],
                buf_v.at[b], gsem.at[b]).wait()

        def w_copy(g, b):
            return pltpu.make_async_copy(
                buf_v.at[b],
                out_hbm.at[sb + g, pl.ds(b * _CHUNK, _CHUNK), :],
                wsem.at[b])

        def step(i, b, first, launch):
            g_wait(i // _NBUF, b)
            w_copy(i // _NBUF, b).start()
            if launch:
                j = i + _NBUF - 1
                s = (b + _NBUF - 1) % _NBUF
                if not first:
                    w_copy((i - 1) // _NBUF, s).wait()
                g_start(j // _NBUF, s)

        for b in range(_NBUF - 1):
            g_start(0, b)

        for b in range(_NBUF):
            step(b, b, first=(b == 0), launch=True)

        def group(g, carry):
            for b in range(_NBUF):
                step(g * _NBUF + b, b, first=False, launch=True)
            return carry
        lax.fori_loop(1, n_chunks // _NBUF - 1, group, 0)

        for b in range(_NBUF):
            step(n_chunks - _NBUF + b, b, first=False, launch=(b == 0))

        for b in range(_NBUF):
            w_copy(n_chunks // _NBUF - 1, b).wait()

    return k


def kernel(seq, token_table, pos_table):
    B, S = seq.shape
    _, D = token_table.shape
    tok_p = jnp.pad(token_table, ((0, 0), (0, _DP - D)))
    pos_p = jnp.pad(pos_table, ((0, 0), (0, _DP - D)))
    out_p = _build(B, S, D)(seq.reshape(B * S), tok_p, pos_p)
    return out_p[:, :, :D]

# --- scband reference (transcript-rebuilt; emitter-appended) ---
"""Pipeline reference for scband-seq-embedding-73418170957862 (READ-ONLY COPY).

The authoritative reference and input builder live on the scoring server;
editing this copy changes nothing except your own understanding.
"""

import jax, jax.numpy as jnp
import numpy as np

VOCAB_SIZE = 1000000
MAX_LENGTH = 200
DEPTH = 64
BATCH = 4096
SEQ_LEN = 200


def setup_inputs(seed: int = 0) -> dict:
    key = jax.random.key(seed)
    k_seq, k_tok, k_pos = jax.random.split(key, 3)
    seq = jax.random.randint(k_seq, (BATCH, SEQ_LEN), 0, VOCAB_SIZE, dtype=jnp.int64 if jax.config.jax_enable_x64 else jnp.int32)
    token_table = jax.random.normal(k_tok, (VOCAB_SIZE, DEPTH), dtype=jnp.float32) * 0.05
    pos_table = jax.random.normal(k_pos, (MAX_LENGTH, DEPTH), dtype=jnp.float32) * 0.05
    return {"seq": seq, "token_table": token_table, "pos_table": pos_table}


def reference(seq, token_table, pos_table):
    # token embedding lookup (mask_zero only affects downstream masking, not values)
    tok = jnp.take(token_table, seq, axis=0)            # [B, S, D]
    # positional embedding: arange over sequence dimension, broadcast over batch
    pos_idx = jnp.arange(seq.shape[1])                  # [S]
    pos = jnp.take(pos_table, pos_idx, axis=0)[None, :, :]  # [1, S, D]
    return tok + pos

if __name__ == "__main__":
    import jax
    _d = setup_inputs()
    print(jax.jit(kernel)(*tuple(_d.values())))

</pallas_src>

<mosaic_0001>
#map = affine_map<(d0, d1) -> (0)>
#map1 = affine_map<(d0, d1) -> (0, 0)>
#map2 = affine_map<(d0, d1) -> (0, 0, 0)>
module attributes {stable_mosaic.version = 14 : i64} {
  func.func @k(%arg0: i32, %arg1: i32, %arg2: memref<819200xi32, #tpu.memory_space<hbm>>, %arg3: memref<1000000x128xf32, #tpu.memory_space<hbm>>, %arg4: memref<200x128xf32, #tpu.memory_space<hbm>>, %arg5: memref<4096x200x128xf32, #tpu.memory_space<hbm>>, %arg6: memref<25600xi32, #tpu.memory_space<vmem>>, %arg7: memref<5x40x128xf32, #tpu.memory_space<vmem>>, %arg8: memref<200x128xf32, #tpu.memory_space<vmem_shared>>, %arg9: memref<5x!tpu.dma_semaphore, #tpu.memory_space<semaphore_mem>>, %arg10: memref<5x!tpu.dma_semaphore, #tpu.memory_space<semaphore_mem>>) attributes {dimension_semantics = [#tpu.dimension_semantics<core_parallel>, #tpu.dimension_semantics<subcore_parallel>], iteration_bounds = array<i64: 2, 16>, scalar_prefetch = 0 : i64, scratch_operands = 5 : i64, tpu.core_type = #tpu.core_type<sc_vector_subcore>, window_params = [{transform_indices = #map}, {transform_indices = #map1}, {transform_indices = #map1}, {transform_indices = #map2}]} {
    %mul3A = arith.constant 2 : i32
    %mul3A_0 = arith.muli %arg1, %mul3A : i32
    %add3A = arith.addi %mul3A_0, %arg0 : i32
    %mul3A_1 = arith.constant 25600 : i32
    %mul3A_2 = arith.muli %add3A, %mul3A_1 : i32
    %jit3A = arith.constant 200 : i32
    %div3A = arith.divsi %mul3A_2, %jit3A : i32
    %sign3A = arith.constant 0 : i32
    %sign3A_3 = arith.cmpi sgt, %mul3A_2, %sign3A : i32
    %sign3A_4 = arith.extui %sign3A_3 : i1 to i32
    %sign3A_5 = arith.constant 0 : i32
    %sign3A_6 = arith.cmpi slt, %mul3A_2, %sign3A_5 : i32
    %sign3A_7 = arith.extui %sign3A_6 : i1 to i32
    %sign3A_8 = arith.subi %sign3A_4, %sign3A_7 : i32
    %sign3A_9 = arith.constant 0 : i32
    %sign3A_10 = arith.cmpi sgt, %jit3A, %sign3A_9 : i32
    %sign3A_11 = arith.extui %sign3A_10 : i1 to i32
    %sign3A_12 = arith.constant 0 : i32
    %sign3A_13 = arith.cmpi slt, %jit3A, %sign3A_12 : i32
    %sign3A_14 = arith.extui %sign3A_13 : i1 to i32
    %sign3A_15 = arith.subi %sign3A_11, %sign3A_14 : i32
    %ne3A = arith.cmpi ne, %sign3A_8, %sign3A_15 : i32
    %rem3A = arith.remsi %mul3A_2, %jit3A : i32
    %ne3A_16 = arith.constant 0 : i32
    %ne3A_17 = arith.cmpi ne, %rem3A, %ne3A_16 : i32
    %and3A = arith.andi %ne3A, %ne3A_17 : i1
    %sub3A = arith.constant 1 : i32
    %sub3A_18 = arith.subi %div3A, %sub3A : i32
    %select_n3A = arith.select %and3A, %sub3A_18, %div3A : i32
    "tpu.region"() ({
      %run_scoped3A_733 = tpu.sem_alloc : memref<!tpu.dma_semaphore, #tpu.memory_space<semaphore_mem>>
      %dma_start3A_734 = tpu.memref_slice %arg2[%mul3A_2] : memref<819200xi32, #tpu.memory_space<hbm>> -> memref<25600xi32, #tpu.memory_space<hbm>>
      %dma_start3A_735 = tpu.memref_slice %arg2[%mul3A_2] : memref<819200xi32, #tpu.memory_space<hbm>> -> memref<25600xi32, #tpu.memory_space<hbm>>
      tpu.enqueue_dma source(%dma_start3A_735 : memref<25600xi32, #tpu.memory_space<hbm>>) target(%arg6 : memref<25600xi32, #tpu.memory_space<vmem>>) target_semaphore(%run_scoped3A_733 : memref<!tpu.dma_semaphore, #tpu.memory_space<semaphore_mem>>)
      %dma_wait3A_736 = tpu.memref_slice %arg2[%mul3A_2] : memref<819200xi32, #tpu.memory_space<hbm>> -> memref<25600xi32, #tpu.memory_space<hbm>>
      %dma_wait3A_737 = tpu.memref_slice %arg2[%mul3A_2] : memref<819200xi32, #tpu.memory_space<hbm>> -> memref<25600xi32, #tpu.memory_space<hbm>>
      tpu.wait_dma2 semaphore(%run_scoped3A_733 : memref<!tpu.dma_semaphore, #tpu.memory_space<semaphore_mem>>) src(%dma_wait3A_737 : memref<25600xi32, #tpu.memory_space<hbm>>) dst(%arg6 : memref<25600xi32, #tpu.memory_space<vmem>>)
      tpu.yield
    }) : () -> ()
    %eq3A = arith.constant 0 : i32
    %eq3A_19 = arith.cmpi eq, %arg1, %eq3A : i32
    %convert_element_type3A = arith.extui %eq3A_19 : i1 to i32
    %cond3A = arith.constant 0 : i32
    %cond3A_20 = arith.cmpi ne, %convert_element_type3A, %cond3A : i32
    scf.if %cond3A_20 {
      "tpu.region"() ({
        %run_scoped3A_733 = tpu.sem_alloc : memref<!tpu.dma_semaphore, #tpu.memory_space<semaphore_mem>>
        tpu.enqueue_dma source(%arg4 : memref<200x128xf32, #tpu.memory_space<hbm>>) target(%arg8 : memref<200x128xf32, #tpu.memory_space<vmem_shared>>) target_semaphore(%run_scoped3A_733 : memref<!tpu.dma_semaphore, #tpu.memory_space<semaphore_mem>>)
        tpu.wait_dma2 semaphore(%run_scoped3A_733 : memref<!tpu.dma_semaphore, #tpu.memory_space<semaphore_mem>>) src(%arg4 : memref<200x128xf32, #tpu.memory_space<hbm>>) dst(%arg8 : memref<200x128xf32, #tpu.memory_space<vmem_shared>>)
        tpu.yield
      }) : () -> ()
    } else {
    }
    %barrier3A = arith.constant 0 : index
    tpu.barrier barrier_id(%barrier3A)
    %run_scoped3A = arith.constant 0 : i32
    "tpu.region"() ({
      %run_scoped3A_733 = tpu.sem_alloc : memref<!tpu.dma_semaphore, #tpu.memory_space<semaphore_mem>>
      %dma_start3A_734 = arith.constant 0 : i32
      %dma_start3A_735 = arith.constant 0 : i32
      %dma_start3A_736 = tpu.memref_slice %arg7[%run_scoped3A, %dma_start3A_734, %dma_start3A_735] : memref<5x40x128xf32, #tpu.memory_space<vmem>> -> memref<1x40x128xf32, #tpu.memory_space<vmem>>
      %dma_start3A_737 = tpu.memref_squeeze %dma_start3A_736 : memref<1x40x128xf32, #tpu.memory_space<vmem>> -> memref<40x128xf32, #tpu.memory_space<vmem>>
      %dma_start3A_738 = arith.constant 0 : i32
      %dma_start3A_739 = arith.constant 0 : i32
      %dma_start3A_740 = tpu.memref_slice %arg8[%dma_start3A_738, %dma_start3A_739] : memref<200x128xf32, #tpu.memory_space<vmem_shared>> -> memref<40x128xf32, #tpu.memory_space<vmem_shared>>
      %dma_start3A_741 = arith.constant 0 : i32
      %dma_start3A_742 = arith.constant 0 : i32
      %dma_start3A_743 = tpu.memref_slice %arg7[%run_scoped3A, %dma_start3A_741, %dma_start3A_742] : memref<5x40x128xf32, #tpu.memory_space<vmem>> -> memref<1x40x128xf32, #tpu.memory_space<vmem>>
      %dma_start3A_744 = tpu.memref_squeeze %dma_start3A_743 : memref<1x40x128xf32, #tpu.memory_space<vmem>> -> memref<40x128xf32, #tpu.memory_space<vmem>>
      %dma_start3A_745 = arith.constant 0 : i32
      %dma_start3A_746 = arith.constant 0 : i32
      %dma_start3A_747 = tpu.memref_slice %arg8[%dma_start3A_745, %dma_start3A_746] : memref<200x128xf32, #tpu.memory_space<vmem_shared>> -> memref<40x128xf32, #tpu.memory_space<vmem_shared>>
      tpu.enqueue_dma source(%dma_start3A_747 : memref<40x128xf32, #tpu.memory_space<vmem_shared>>) target(%dma_start3A_744 : memref<40x128xf32, #tpu.memory_space<vmem>>) target_semaphore(%run_scoped3A_733 : memref<!tpu.dma_semaphore, #tpu.memory_space<semaphore_mem>>)
      %dma_wait3A_748 = arith.constant 0 : i32
      %dma_wait3A_749 = arith.constant 0 : i32
      %dma_wait3A_750 = tpu.memref_slice %arg7[%run_scoped3A, %dma_wait3A_748, %dma_wait3A_749] : memref<5x40x128xf32, #tpu.memory_space<vmem>> -> memref<1x40x128xf32, #tpu.memory_space<vmem>>
      %dma_wait3A_751 = tpu.memref_squeeze %dma_wait3A_750 : memref<1x40x128xf32, #tpu.memory_space<vmem>> -> memref<40x128xf32, #tpu.memory_space<vmem>>
      %dma_wait3A_752 = arith.constant 0 : i32
      %dma_wait3A_753 = arith.constant 0 : i32
      %dma_wait3A_754 = tpu.memref_slice %arg8[%dma_wait3A_752, %dma_wait3A_753] : memref<200x128xf32, #tpu.memory_space<vmem_shared>> -> memref<40x128xf32, #tpu.memory_space<vmem_shared>>
      %dma_wait3A_755 = arith.constant 0 : i32
      %dma_wait3A_756 = arith.constant 0 : i32
      %dma_wait3A_757 = tpu.memref_slice %arg7[%run_scoped3A, %dma_wait3A_755, %dma_wait3A_756] : memref<5x40x128xf32, #tpu.memory_space<vmem>> -> memref<1x40x128xf32, #tpu.memory_space<vmem>>
      %dma_wait3A_758 = tpu.memref_squeeze %dma_wait3A_757 : memref<1x40x128xf32, #tpu.memory_space<vmem>> -> memref<40x128xf32, #tpu.memory_space<vmem>>
      %dma_wait3A_759 = arith.constant 0 : i32
      %dma_wait3A_760 = arith.constant 0 : i32
      %dma_wait3A_761 = tpu.memref_slice %arg8[%dma_wait3A_759, %dma_wait3A_760] : memref<200x128xf32, #tpu.memory_space<vmem_shared>> -> memref<40x128xf32, #tpu.memory_space<vmem_shared>>
      tpu.wait_dma2 semaphore(%run_scoped3A_733 : memref<!tpu.dma_semaphore, #tpu.memory_space<semaphore_mem>>) src(%dma_wait3A_761 : memref<40x128xf32, #tpu.memory_space<vmem_shared>>) dst(%dma_wait3A_758 : memref<40x128xf32, #tpu.memory_space<vmem>>)
      tpu.yield
    }) : () -> ()
    %dma_start3A = arith.constant 0 : i32
    %dma_start3A_21 = arith.constant 0 : i32
    %dma_start3A_22 = arith.constant 0 : i32
    %dma_start3A_23 = arith.constant 0 : i32
    %dma_start3A_24 = tpu.memref_slice %arg7[%dma_start3A, %dma_start3A_22, %dma_start3A_23] : memref<5x40x128xf32, #tpu.memory_space<vmem>> -> memref<1x40x128xf32, #tpu.memory_space<vmem>>
    %dma_start3A_25 = tpu.memref_squeeze %dma_start3A_24 : memref<1x40x128xf32, #tpu.memory_space<vmem>> -> memref<40x128xf32, #tpu.memory_space<vmem>>
    %dma_start3A_26 = arith.constant 0 : i32
    %dma_start3A_27 = tpu.memref_slice %arg6[%dma_start3A_26] : memref<25600xi32, #tpu.memory_space<vmem>> -> memref<40xi32, #tpu.memory_space<vmem>>
    %dma_start3A_28 = arith.constant 0 : i32
    %dma_start3A_29 = arith.constant 0 : i32
    %dma_start3A_30 = tpu.memref_slice %arg3[%dma_start3A_28, %dma_start3A_29] : memref<1000000x128xf32, #tpu.memory_space<hbm>> -> memref<1000000x128xf32, #tpu.memory_space<hbm>>
    %dma_start3A_31 = tpu.memref_slice %arg9[%dma_start3A_21] : memref<5x!tpu.dma_semaphore, #tpu.memory_space<semaphore_mem>> -> memref<1x!tpu.dma_semaphore, #tpu.memory_space<semaphore_mem>>
    %dma_start3A_32 = tpu.memref_squeeze %dma_start3A_31 : memref<1x!tpu.dma_semaphore, #tpu.memory_space<semaphore_mem>> -> memref<!tpu.dma_semaphore, #tpu.memory_space<semaphore_mem>>
    tpu.enqueue_indirect_dma source(%dma_start3A_30 : memref<1000000x128xf32, #tpu.memory_space<hbm>>) target(%dma_start3A_25 : memref<40x128xf32, #tpu.memory_space<vmem>>) offsets(%dma_start3A_27 : memref<40xi32, #tpu.memory_space<vmem>>) semaphore(%dma_start3A_32 : memref<!tpu.dma_semaphore, #tpu.memory_space<semaphore_mem>>) {add = true}
    %run_scoped3A_33 = arith.constant 1 : i32
    "tpu.region"() ({
      %run_scoped3A_733 = tpu.sem_alloc : memref<!tpu.dma_semaphore, #tpu.memory_space<semaphore_mem>>
      %dma_start3A_734 = arith.constant 0 : i32
      %dma_start3A_735 = arith.constant 0 : i32
      %dma_start3A_736 = tpu.memref_slice %arg7[%run_scoped3A_33, %dma_start3A_734, %dma_start3A_735] : memref<5x40x128xf32, #tpu.memory_space<vmem>> -> memref<1x40x128xf32, #tpu.memory_space<vmem>>
      %dma_start3A_737 = tpu.memref_squeeze %dma_start3A_736 : memref<1x40x128xf32, #tpu.memory_space<vmem>> -> memref<40x128xf32, #tpu.memory_space<vmem>>
      %dma_start3A_738 = arith.constant 40 : i32
      %dma_start3A_739 = arith.constant 0 : i32
      %dma_start3A_740 = tpu.memref_slice %arg8[%dma_start3A_738, %dma_start3A_739] : memref<200x128xf32, #tpu.memory_space<vmem_shared>> -> memref<40x128xf32, #tpu.memory_space<vmem_shared>>
      %dma_start3A_741 = arith.constant 0 : i32
      %dma_start3A_742 = arith.constant 0 : i32
      %dma_start3A_743 = tpu.memref_slice %arg7[%run_scoped3A_33, %dma_start3A_741, %dma_start3A_742] : memref<5x40x128xf32, #tpu.memory_space<vmem>> -> memref<1x40x128xf32, #tpu.memory_space<vmem>>
      %dma_start3A_744 = tpu.memref_squeeze %dma_start3A_743 : memref<1x40x128xf32, #tpu.memory_space<vmem>> -> memref<40x128xf32, #tpu.memory_space<vmem>>
      %dma_start3A_745 = arith.constant 40 : i32
      %dma_start3A_746 = arith.constant 0 : i32
      %dma_start3A_747 = tpu.memref_slice %arg8[%dma_start3A_745, %dma_start3A_746] : memref<200x128xf32, #tpu.memory_space<vmem_shared>> -> memref<40x128xf32, #tpu.memory_space<vmem_shared>>
      tpu.enqueue_dma source(%dma_start3A_747 : memref<40x128xf32, #tpu.memory_space<vmem_shared>>) target(%dma_start3A_744 : memref<40x128xf32, #tpu.memory_space<vmem>>) target_semaphore(%run_scoped3A_733 : memref<!tpu.dma_semaphore, #tpu.memory_space<semaphore_mem>>)
      %dma_wait3A_748 = arith.constant 0 : i32
      %dma_wait3A_749 = arith.constant 0 : i32
      %dma_wait3A_750 = tpu.memref_slice %arg7[%run_scoped3A_33, %dma_wait3A_748, %dma_wait3A_749] : memref<5x40x128xf32, #tpu.memory_space<vmem>> -> memref<1x40x128xf32, #tpu.memory_space<vmem>>
      %dma_wait3A_751 = tpu.memref_squeeze %dma_wait3A_750 : memref<1x40x128xf32, #tpu.memory_space<vmem>> -> memref<40x128xf32, #tpu.memory_space<vmem>>
      %dma_wait3A_752 = arith.constant 40 : i32
      %dma_wait3A_753 = arith.constant 0 : i32
      %dma_wait3A_754 = tpu.memref_slice %arg8[%dma_wait3A_752, %dma_wait3A_753] : memref<200x128xf32, #tpu.memory_space<vmem_shared>> -> memref<40x128xf32, #tpu.memory_space<vmem_shared>>
      %dma_wait3A_755 = arith.constant 0 : i32
      %dma_wait3A_756 = arith.constant 0 : i32
      %dma_wait3A_757 = tpu.memref_slice %arg7[%run_scoped3A_33, %dma_wait3A_755, %dma_wait3A_756] : memref<5x40x128xf32, #tpu.memory_space<vmem>> -> memref<1x40x128xf32, #tpu.memory_space<vmem>>
      %dma_wait3A_758 = tpu.memref_squeeze %dma_wait3A_757 : memref<1x40x128xf32, #tpu.memory_space<vmem>> -> memref<40x128xf32, #tpu.memory_space<vmem>>
      %dma_wait3A_759 = arith.constant 40 : i32
      %dma_wait3A_760 = arith.constant 0 : i32
      %dma_wait3A_761 = tpu.memref_slice %arg8[%dma_wait3A_759, %dma_wait3A_760] : memref<200x128xf32, #tpu.memory_space<vmem_shared>> -> memref<40x128xf32, #tpu.memory_space<vmem_shared>>
      tpu.wait_dma2 semaphore(%run_scoped3A_733 : memref<!tpu.dma_semaphore, #tpu.memory_space<semaphore_mem>>) src(%dma_wait3A_761 : memref<40x128xf32, #tpu.memory_space<vmem_shared>>) dst(%dma_wait3A_758 : memref<40x128xf32, #tpu.memory_space<vmem>>)
      tpu.yield
    }) : () -> ()
    %dma_start3A_34 = arith.constant 1 : i32
    %dma_start3A_35 = arith.constant 1 : i32
    %dma_start3A_36 = arith.constant 0 : i32
    %dma_start3A_37 = arith.constant 0 : i32
    %dma_start3A_38 = tpu.memref_slice %arg7[%dma_start3A_34, %dma_start3A_36, %dma_start3A_37] : memref<5x40x128xf32, #tpu.memory_space<vmem>> -> memref<1x40x128xf32, #tpu.memory_space<vmem>>
    %dma_start3A_39 = tpu.memref_squeeze %dma_start3A_38 : memref<1x40x128xf32, #tpu.memory_space<vmem>> -> memref<40x128xf32, #tpu.memory_space<vmem>>
    %dma_start3A_40 = arith.constant 40 : i32
    %dma_start3A_41 = tpu.memref_slice %arg6[%dma_start3A_40] : memref<25600xi32, #tpu.memory_space<vmem>> -> memref<40xi32, #tpu.memory_space<vmem>>
    %dma_start3A_42 = arith.constant 0 : i32
    %dma_start3A_43 = arith.constant 0 : i32
    %dma_start3A_44 = tpu.memref_slice %arg3[%dma_start3A_42, %dma_start3A_43] : memref<1000000x128xf32, #tpu.memory_space<hbm>> -> memref<1000000x128xf32, #tpu.memory_space<hbm>>
    %dma_start3A_45 = tpu.memref_slice %arg9[%dma_start3A_35] : memref<5x!tpu.dma_semaphore, #tpu.memory_space<semaphore_mem>> -> memref<1x!tpu.dma_semaphore, #tpu.memory_space<semaphore_mem>>
    %dma_start3A_46 = tpu.memref_squeeze %dma_start3A_45 : memref<1x!tpu.dma_semaphore, #tpu.memory_space<semaphore_mem>> -> memref<!tpu.dma_semaphore, #tpu.memory_space<semaphore_mem>>
    tpu.enqueue_indirect_dma source(%dma_start3A_44 : memref<1000000x128xf32, #tpu.memory_space<hbm>>) target(%dma_start3A_39 : memref<40x128xf32, #tpu.memory_space<vmem>>) offsets(%dma_start3A_41 : memref<40xi32, #tpu.memory_space<vmem>>) semaphore(%dma_start3A_46 : memref<!tpu.dma_semaphore, #tpu.memory_space<semaphore_mem>>) {add = true}
    %run_scoped3A_47 = arith.constant 2 : i32
    "tpu.region"() ({
      %run_scoped3A_733 = tpu.sem_alloc : memref<!tpu.dma_semaphore, #tpu.memory_space<semaphore_mem>>
      %dma_start3A_734 = arith.constant 0 : i32
      %dma_start3A_735 = arith.constant 0 : i32
      %dma_start3A_736 = tpu.memref_slice %arg7[%run_scoped3A_47, %dma_start3A_734, %dma_start3A_735] : memref<5x40x128xf32, #tpu.memory_space<vmem>> -> memref<1x40x128xf32, #tpu.memory_space<vmem>>
      %dma_start3A_737 = tpu.memref_squeeze %dma_start3A_736 : memref<1x40x128xf32, #tpu.memory_space<vmem>> -> memref<40x128xf32, #tpu.memory_space<vmem>>
      %dma_start3A_738 = arith.constant 80 : i32
      %dma_start3A_739 = arith.constant 0 : i32
      %dma_start3A_740 = tpu.memref_slice %arg8[%dma_start3A_738, %dma_start3A_739] : memref<200x128xf32, #tpu.memory_space<vmem_shared>> -> memref<40x128xf32, #tpu.memory_space<vmem_shared>>
      %dma_start3A_741 = arith.constant 0 : i32
      %dma_start3A_742 = arith.constant 0 : i32
      %dma_start3A_743 = tpu.memref_slice %arg7[%run_scoped3A_47, %dma_start3A_741, %dma_start3A_742] : memref<5x40x128xf32, #tpu.memory_space<vmem>> -> memref<1x40x128xf32, #tpu.memory_space<vmem>>
      %dma_start3A_744 = tpu.memref_squeeze %dma_start3A_743 : memref<1x40x128xf32, #tpu.memory_space<vmem>> -> memref<40x128xf32, #tpu.memory_space<vmem>>
      %dma_start3A_745 = arith.constant 80 : i32
      %dma_start3A_746 = arith.constant 0 : i32
      %dma_start3A_747 = tpu.memref_slice %arg8[%dma_start3A_745, %dma_start3A_746] : memref<200x128xf32, #tpu.memory_space<vmem_shared>> -> memref<40x128xf32, #tpu.memory_space<vmem_shared>>
      tpu.enqueue_dma source(%dma_start3A_747 : memref<40x128xf32, #tpu.memory_space<vmem_shared>>) target(%dma_start3A_744 : memref<40x128xf32, #tpu.memory_space<vmem>>) target_semaphore(%run_scoped3A_733 : memref<!tpu.dma_semaphore, #tpu.memory_space<semaphore_mem>>)
      %dma_wait3A_748 = arith.constant 0 : i32
      %dma_wait3A_749 = arith.constant 0 : i32
      %dma_wait3A_750 = tpu.memref_slice %arg7[%run_scoped3A_47, %dma_wait3A_748, %dma_wait3A_749] : memref<5x40x128xf32, #tpu.memory_space<vmem>> -> memref<1x40x128xf32, #tpu.memory_space<vmem>>
      %dma_wait3A_751 = tpu.memref_squeeze %dma_wait3A_750 : memref<1x40x128xf32, #tpu.memory_space<vmem>> -> memref<40x128xf32, #tpu.memory_space<vmem>>
      %dma_wait3A_752 = arith.constant 80 : i32
      %dma_wait3A_753 = arith.constant 0 : i32
      %dma_wait3A_754 = tpu.memref_slice %arg8[%dma_wait3A_752, %dma_wait3A_753] : memref<200x128xf32, #tpu.memory_space<vmem_shared>> -> memref<40x128xf32, #tpu.memory_space<vmem_shared>>
      %dma_wait3A_755 = arith.constant 0 : i32
      %dma_wait3A_756 = arith.constant 0 : i32
      %dma_wait3A_757 = tpu.memref_slice %arg7[%run_scoped3A_47, %dma_wait3A_755, %dma_wait3A_756] : memref<5x40x128xf32, #tpu.memory_space<vmem>> -> memref<1x40x128xf32, #tpu.memory_space<vmem>>
      %dma_wait3A_758 = tpu.memref_squeeze %dma_wait3A_757 : memref<1x40x128xf32, #tpu.memory_space<vmem>> -> memref<40x128xf32, #tpu.memory_space<vmem>>
      %dma_wait3A_759 = arith.constant 80 : i32
      %dma_wait3A_760 = arith.constant 0 : i32
      %dma_wait3A_761 = tpu.memref_slice %arg8[%dma_wait3A_759, %dma_wait3A_760] : memref<200x128xf32, #tpu.memory_space<vmem_shared>> -> memref<40x128xf32, #tpu.memory_space<vmem_shared>>
      tpu.wait_dma2 semaphore(%run_scoped3A_733 : memref<!tpu.dma_semaphore, #tpu.memory_space<semaphore_mem>>) src(%dma_wait3A_761 : memref<40x128xf32, #tpu.memory_space<vmem_shared>>) dst(%dma_wait3A_758 : memref<40x128xf32, #tpu.memory_space<vmem>>)
      tpu.yield
    }) : () -> ()
    %dma_start3A_48 = arith.constant 2 : i32
    %dma_start3A_49 = arith.constant 2 : i32
    %dma_start3A_50 = arith.constant 0 : i32
    %dma_start3A_51 = arith.constant 0 : i32
    %dma_start3A_52 = tpu.memref_slice %arg7[%dma_start3A_48, %dma_start3A_50, %dma_start3A_51] : memref<5x40x128xf32, #tpu.memory_space<vmem>> -> memref<1x40x128xf32, #tpu.memory_space<vmem>>
    %dma_start3A_53 = tpu.memref_squeeze %dma_start3A_52 : memref<1x40x128xf32, #tpu.memory_space<vmem>> -> memref<40x128xf32, #tpu.memory_space<vmem>>
    %dma_start3A_54 = arith.constant 80 : i32
    %dma_start3A_55 = tpu.memref_slice %arg6[%dma_start3A_54] : memref<25600xi32, #tpu.memory_space<vmem>> -> memref<40xi32, #tpu.memory_space<vmem>>
    %dma_start3A_56 = arith.constant 0 : i32
    %dma_start3A_57 = arith.constant 0 : i32
    %dma_start3A_58 = tpu.memref_slice %arg3[%dma_start3A_56, %dma_start3A_57] : memref<1000000x128xf32, #tpu.memory_space<hbm>> -> memref<1000000x128xf32, #tpu.memory_space<hbm>>
    %dma_start3A_59 = tpu.memref_slice %arg9[%dma_start3A_49] : memref<5x!tpu.dma_semaphore, #tpu.memory_space<semaphore_mem>> -> memref<1x!tpu.dma_semaphore, #tpu.memory_space<semaphore_mem>>
    %dma_start3A_60 = tpu.memref_squeeze %dma_start3A_59 : memref<1x!tpu.dma_semaphore, #tpu.memory_space<semaphore_mem>> -> memref<!tpu.dma_semaphore, #tpu.memory_space<semaphore_mem>>
    tpu.enqueue_indirect_dma source(%dma_start3A_58 : memref<1000000x128xf32, #tpu.memory_space<hbm>>) target(%dma_start3A_53 : memref<40x128xf32, #tpu.memory_space<vmem>>) offsets(%dma_start3A_55 : memref<40xi32, #tpu.memory_space<vmem>>) semaphore(%dma_start3A_60 : memref<!tpu.dma_semaphore, #tpu.memory_space<semaphore_mem>>) {add = true}
    %run_scoped3A_61 = arith.constant 3 : i32
    "tpu.region"() ({
      %run_scoped3A_733 = tpu.sem_alloc : memref<!tpu.dma_semaphore, #tpu.memory_space<semaphore_mem>>
      %dma_start3A_734 = arith.constant 0 : i32
      %dma_start3A_735 = arith.constant 0 : i32
      %dma_start3A_736 = tpu.memref_slice %arg7[%run_scoped3A_61, %dma_start3A_734, %dma_start3A_735] : memref<5x40x128xf32, #tpu.memory_space<vmem>> -> memref<1x40x128xf32, #tpu.memory_space<vmem>>
      %dma_start3A_737 = tpu.memref_squeeze %dma_start3A_736 : memref<1x40x128xf32, #tpu.memory_space<vmem>> -> memref<40x128xf32, #tpu.memory_space<vmem>>
      %dma_start3A_738 = arith.constant 120 : i32
      %dma_start3A_739 = arith.constant 0 : i32
      %dma_start3A_740 = tpu.memref_slice %arg8[%dma_start3A_738, %dma_start3A_739] : memref<200x128xf32, #tpu.memory_space<vmem_shared>> -> memref<40x128xf32, #tpu.memory_space<vmem_shared>>
      %dma_start3A_741 = arith.constant 0 : i32
      %dma_start3A_742 = arith.constant 0 : i32
      %dma_start3A_743 = tpu.memref_slice %arg7[%run_scoped3A_61, %dma_start3A_741, %dma_start3A_742] : memref<5x40x128xf32, #tpu.memory_space<vmem>> -> memref<1x40x128xf32, #tpu.memory_space<vmem>>
      %dma_start3A_744 = tpu.memref_squeeze %dma_start3A_743 : memref<1x40x128xf32, #tpu.memory_space<vmem>> -> memref<40x128xf32, #tpu.memory_space<vmem>>
      %dma_start3A_745 = arith.constant 120 : i32
      %dma_start3A_746 = arith.constant 0 : i32
      %dma_start3A_747 = tpu.memref_slice %arg8[%dma_start3A_745, %dma_start3A_746] : memref<200x128xf32, #tpu.memory_space<vmem_shared>> -> memref<40x128xf32, #tpu.memory_space<vmem_shared>>
      tpu.enqueue_dma source(%dma_start3A_747 : memref<40x128xf32, #tpu.memory_space<vmem_shared>>) target(%dma_start3A_744 : memref<40x128xf32, #tpu.memory_space<vmem>>) target_semaphore(%run_scoped3A_733 : memref<!tpu.dma_semaphore, #tpu.memory_space<semaphore_mem>>)
      %dma_wait3A_748 = arith.constant 0 : i32
      %dma_wait3A_749 = arith.constant 0 : i32
      %dma_wait3A_750 = tpu.memref_slice %arg7[%run_scoped3A_61, %dma_wait3A_748, %dma_wait3A_749] : memref<5x40x128xf32, #tpu.memory_space<vmem>> -> memref<1x40x128xf32, #tpu.memory_space<vmem>>
      %dma_wait3A_751 = tpu.memref_squeeze %dma_wait3A_750 : memref<1x40x128xf32, #tpu.memory_space<vmem>> -> memref<40x128xf32, #tpu.memory_space<vmem>>
      %dma_wait3A_752 = arith.constant 120 : i32
      %dma_wait3A_753 = arith.constant 0 : i32
      %dma_wait3A_754 = tpu.memref_slice %arg8[%dma_wait3A_752, %dma_wait3A_753] : memref<200x128xf32, #tpu.memory_space<vmem_shared>> -> memref<40x128xf32, #tpu.memory_space<vmem_shared>>
      %dma_wait3A_755 = arith.constant 0 : i32
      %dma_wait3A_756 = arith.constant 0 : i32
      %dma_wait3A_757 = tpu.memref_slice %arg7[%run_scoped3A_61, %dma_wait3A_755, %dma_wait3A_756] : memref<5x40x128xf32, #tpu.memory_space<vmem>> -> memref<1x40x128xf32, #tpu.memory_space<vmem>>
      %dma_wait3A_758 = tpu.memref_squeeze %dma_wait3A_757 : memref<1x40x128xf32, #tpu.memory_space<vmem>> -> memref<40x128xf32, #tpu.memory_space<vmem>>
      %dma_wait3A_759 = arith.constant 120 : i32
      %dma_wait3A_760 = arith.constant 0 : i32
      %dma_wait3A_761 = tpu.memref_slice %arg8[%dma_wait3A_759, %dma_wait3A_760] : memref<200x128xf32, #tpu.memory_space<vmem_shared>> -> memref<40x128xf32, #tpu.memory_space<vmem_shared>>
      tpu.wait_dma2 semaphore(%run_scoped3A_733 : memref<!tpu.dma_semaphore, #tpu.memory_space<semaphore_mem>>) src(%dma_wait3A_761 : memref<40x128xf32, #tpu.memory_space<vmem_shared>>) dst(%dma_wait3A_758 : memref<40x128xf32, #tpu.memory_space<vmem>>)
      tpu.yield
    }) : () -> ()
    %dma_start3A_62 = arith.constant 3 : i32
    %dma_start3A_63 = arith.constant 3 : i32
    %dma_start3A_64 = arith.constant 0 : i32
    %dma_start3A_65 = arith.constant 0 : i32
    %dma_start3A_66 = tpu.memref_slice %arg7[%dma_start3A_62, %dma_start3A_64, %dma_start3A_65] : memref<5x40x128xf32, #tpu.memory_space<vmem>> -> memref<1x40x128xf32, #tpu.memory_space<vmem>>
    %dma_start3A_67 = tpu.memref_squeeze %dma_start3A_66 : memref<1x40x128xf32, #tpu.memory_space<vmem>> -> memref<40x128xf32, #tpu.memory_space<vmem>>
    %dma_start3A_68 = arith.constant 120 : i32
    %dma_start3A_69 = tpu.memref_slice %arg6[%dma_start3A_68] : memref<25600xi32, #tpu.memory_space<vmem>> -> memref<40xi32, #tpu.memory_space<vmem>>
    %dma_start3A_70 = arith.constant 0 : i32
    %dma_start3A_71 = arith.constant 0 : i32
    %dma_start3A_72 = tpu.memref_slice %arg3[%dma_start3A_70, %dma_start3A_71] : memref<1000000x128xf32, #tpu.memory_space<hbm>> -> memref<1000000x128xf32, #tpu.memory_space<hbm>>
    %dma_start3A_73 = tpu.memref_slice %arg9[%dma_start3A_63] : memref<5x!tpu.dma_semaphore, #tpu.memory_space<semaphore_mem>> -> memref<1x!tpu.dma_semaphore, #tpu.memory_space<semaphore_mem>>
    %dma_start3A_74 = tpu.memref_squeeze %dma_start3A_73 : memref<1x!tpu.dma_semaphore, #tpu.memory_space<semaphore_mem>> -> memref<!tpu.dma_semaphore, #tpu.memory_space<semaphore_mem>>
    tpu.enqueue_indirect_dma source(%dma_start3A_72 : memref<1000000x128xf32, #tpu.memory_space<hbm>>) target(%dma_start3A_67 : memref<40x128xf32, #tpu.memory_space<vmem>>) offsets(%dma_start3A_69 : memref<40xi32, #tpu.memory_space<vmem>>) semaphore(%dma_start3A_74 : memref<!tpu.dma_semaphore, #tpu.memory_space<semaphore_mem>>) {add = true}
    %dma_wait3A = arith.constant 0 : i32
    %dma_wait3A_75 = arith.constant 0 : i32
    %dma_wait3A_76 = arith.constant 0 : i32
    %dma_wait3A_77 = arith.constant 0 : i32
    %dma_wait3A_78 = tpu.memref_slice %arg7[%dma_wait3A, %dma_wait3A_76, %dma_wait3A_77] : memref<5x40x128xf32, #tpu.memory_space<vmem>> -> memref<1x40x128xf32, #tpu.memory_space<vmem>>
    %dma_wait3A_79 = tpu.memref_squeeze %dma_wait3A_78 : memref<1x40x128xf32, #tpu.memory_space<vmem>> -> memref<40x128xf32, #tpu.memory_space<vmem>>
    %dma_wait3A_80 = arith.constant 0 : i32
    %dma_wait3A_81 = tpu.memref_slice %arg6[%dma_wait3A_80] : memref<25600xi32, #tpu.memory_space<vmem>> -> memref<40xi32, #tpu.memory_space<vmem>>
    %dma_wait3A_82 = arith.constant 0 : i32
    %dma_wait3A_83 = arith.constant 0 : i32
    %dma_wait3A_84 = tpu.memref_slice %arg3[%dma_wait3A_82, %dma_wait3A_83] : memref<1000000x128xf32, #tpu.memory_space<hbm>> -> memref<1000000x128xf32, #tpu.memory_space<hbm>>
    %dma_wait3A_85 = tpu.memref_slice %arg9[%dma_wait3A_75] : memref<5x!tpu.dma_semaphore, #tpu.memory_space<semaphore_mem>> -> memref<1x!tpu.dma_semaphore, #tpu.memory_space<semaphore_mem>>
    %dma_wait3A_86 = tpu.memref_squeeze %dma_wait3A_85 : memref<1x!tpu.dma_semaphore, #tpu.memory_space<semaphore_mem>> -> memref<!tpu.dma_semaphore, #tpu.memory_space<semaphore_mem>>
    tpu.wait_indirect_dma semaphore(%dma_wait3A_86 : memref<!tpu.dma_semaphore, #tpu.memory_space<semaphore_mem>>) src(%dma_wait3A_84 : memref<1000000x128xf32, #tpu.memory_space<hbm>>) dst(%dma_wait3A_79 : memref<40x128xf32, #tpu.memory_space<vmem>>)
    %add3A_87 = arith.constant 0 : i32
    %add3A_88 = arith.addi %select_n3A, %add3A_87 : i32
    %dma_start3A_89 = arith.constant 0 : i32
    %dma_start3A_90 = arith.constant 0 : i32
    %dma_start3A_91 = arith.constant 0 : i32
    %dma_start3A_92 = arith.constant 0 : i32
    %dma_start3A_93 = tpu.memref_slice %arg7[%dma_start3A_89, %dma_start3A_91, %dma_start3A_92] : memref<5x40x128xf32, #tpu.memory_space<vmem>> -> memref<1x40x128xf32, #tpu.memory_space<vmem>>
    %dma_start3A_94 = tpu.memref_squeeze %dma_start3A_93 : memref<1x40x128xf32, #tpu.memory_space<vmem>> -> memref<40x128xf32, #tpu.memory_space<vmem>>
    %dma_start3A_95 = arith.constant 0 : i32
    %dma_start3A_96 = arith.constant 0 : i32
    %dma_start3A_97 = tpu.memref_slice %arg5[%add3A_88, %dma_start3A_95, %dma_start3A_96] : memref<4096x200x128xf32, #tpu.memory_space<hbm>> -> memref<1x40x128xf32, #tpu.memory_space<hbm>>
    %dma_start3A_98 = tpu.memref_squeeze %dma_start3A_97 : memref<1x40x128xf32, #tpu.memory_space<hbm>> -> memref<40x128xf32, #tpu.memory_space<hbm>>
    %dma_start3A_99 = tpu.memref_slice %arg10[%dma_start3A_90] : memref<5x!tpu.dma_semaphore, #tpu.memory_space<semaphore_mem>> -> memref<1x!tpu.dma_semaphore, #tpu.memory_space<semaphore_mem>>
    %dma_start3A_100 = tpu.memref_squeeze %dma_start3A_99 : memref<1x!tpu.dma_semaphore, #tpu.memory_space<semaphore_mem>> -> memref<!tpu.dma_semaphore, #tpu.memory_space<semaphore_mem>>
    %dma_start3A_101 = arith.constant 0 : i32
    %dma_start3A_102 = arith.constant 0 : i32
    %dma_start3A_103 = tpu.memref_slice %arg5[%add3A_88, %dma_start3A_101, %dma_start3A_102] : memref<4096x200x128xf32, #tpu.memory_space<hbm>> -> memref<1x40x128xf32, #tpu.memory_space<hbm>>
    %dma_start3A_104 = tpu.memref_squeeze %dma_start3A_103 : memref<1x40x128xf32, #tpu.memory_space<hbm>> -> memref<40x128xf32, #tpu.memory_space<hbm>>
    %dma_start3A_105 = arith.constant 0 : i32
    %dma_start3A_106 = arith.constant 0 : i32
    %dma_start3A_107 = tpu.memref_slice %arg7[%dma_start3A_89, %dma_start3A_105, %dma_start3A_106] : memref<5x40x128xf32, #tpu.memory_space<vmem>> -> memref<1x40x128xf32, #tpu.memory_space<vmem>>
    %dma_start3A_108 = tpu.memref_squeeze %dma_start3A_107 : memref<1x40x128xf32, #tpu.memory_space<vmem>> -> memref<40x128xf32, #tpu.memory_space<vmem>>
    tpu.enqueue_dma source(%dma_start3A_108 : memref<40x128xf32, #tpu.memory_space<vmem>>) target(%dma_start3A_104 : memref<40x128xf32, #tpu.memory_space<hbm>>) target_semaphore(%dma_start3A_100 : memref<!tpu.dma_semaphore, #tpu.memory_space<semaphore_mem>>)
    %run_scoped3A_109 = arith.constant 4 : i32
    "tpu.region"() ({
      %run_scoped3A_733 = tpu.sem_alloc : memref<!tpu.dma_semaphore, #tpu.memory_space<semaphore_mem>>
      %dma_start3A_734 = arith.constant 0 : i32
      %dma_start3A_735 = arith.constant 0 : i32
      %dma_start3A_736 = tpu.memref_slice %arg7[%run_scoped3A_109, %dma_start3A_734, %dma_start3A_735] : memref<5x40x128xf32, #tpu.memory_space<vmem>> -> memref<1x40x128xf32, #tpu.memory_space<vmem>>
      %dma_start3A_737 = tpu.memref_squeeze %dma_start3A_736 : memref<1x40x128xf32, #tpu.memory_space<vmem>> -> memref<40x128xf32, #tpu.memory_space<vmem>>
      %dma_start3A_738 = arith.constant 160 : i32
      %dma_start3A_739 = arith.constant 0 : i32
      %dma_start3A_740 = tpu.memref_slice %arg8[%dma_start3A_738, %dma_start3A_739] : memref<200x128xf32, #tpu.memory_space<vmem_shared>> -> memref<40x128xf32, #tpu.memory_space<vmem_shared>>
      %dma_start3A_741 = arith.constant 0 : i32
      %dma_start3A_742 = arith.constant 0 : i32
      %dma_start3A_743 = tpu.memref_slice %arg7[%run_scoped3A_109, %dma_start3A_741, %dma_start3A_742] : memref<5x40x128xf32, #tpu.memory_space<vmem>> -> memref<1x40x128xf32, #tpu.memory_space<vmem>>
      %dma_start3A_744 = tpu.memref_squeeze %dma_start3A_743 : memref<1x40x128xf32, #tpu.memory_space<vmem>> -> memref<40x128xf32, #tpu.memory_space<vmem>>
      %dma_start3A_745 = arith.constant 160 : i32
      %dma_start3A_746 = arith.constant 0 : i32
      %dma_start3A_747 = tpu.memref_slice %arg8[%dma_start3A_745, %dma_start3A_746] : memref<200x128xf32, #tpu.memory_space<vmem_shared>> -> memref<40x128xf32, #tpu.memory_space<vmem_shared>>
      tpu.enqueue_dma source(%dma_start3A_747 : memref<40x128xf32, #tpu.memory_space<vmem_shared>>) target(%dma_start3A_744 : memref<40x128xf32, #tpu.memory_space<vmem>>) target_semaphore(%run_scoped3A_733 : memref<!tpu.dma_semaphore, #tpu.memory_space<semaphore_mem>>)
      %dma_wait3A_748 = arith.constant 0 : i32
      %dma_wait3A_749 = arith.constant 0 : i32
      %dma_wait3A_750 = tpu.memref_slice %arg7[%run_scoped3A_109, %dma_wait3A_748, %dma_wait3A_749] : memref<5x40x128xf32, #tpu.memory_space<vmem>> -> memref<1x40x128xf32, #tpu.memory_space<vmem>>
      %dma_wait3A_751 = tpu.memref_squeeze %dma_wait3A_750 : memref<1x40x128xf32, #tpu.memory_space<vmem>> -> memref<40x128xf32, #tpu.memory_space<vmem>>
      %dma_wait3A_752 = arith.constant 160 : i32
      %dma_wait3A_753 = arith.constant 0 : i32
      %dma_wait3A_754 = tpu.memref_slice %arg8[%dma_wait3A_752, %dma_wait3A_753] : memref<200x128xf32, #tpu.memory_space<vmem_shared>> -> memref<40x128xf32, #tpu.memory_space<vmem_shared>>
      %dma_wait3A_755 = arith.constant 0 : i32
      %dma_wait3A_756 = arith.constant 0 : i32
      %dma_wait3A_757 = tpu.memref_slice %arg7[%run_scoped3A_109, %dma_wait3A_755, %dma_wait3A_756] : memref<5x40x128xf32, #tpu.memory_space<vmem>> -> memref<1x40x128xf32, #tpu.memory_space<vmem>>
      %dma_wait3A_758 = tpu.memref_squeeze %dma_wait3A_757 : memref<1x40x128xf32, #tpu.memory_space<vmem>> -> memref<40x128xf32, #tpu.memory_space<vmem>>
      %dma_wait3A_759 = arith.constant 160 : i32
      %dma_wait3A_760 = arith.constant 0 : i32
      %dma_wait3A_761 = tpu.memref_slice %arg8[%dma_wait3A_759, %dma_wait3A_760] : memref<200x128xf32, #tpu.memory_space<vmem_shared>> -> memref<40x128xf32, #tpu.memory_space<vmem_shared>>
      tpu.wait_dma2 semaphore(%run_scoped3A_733 : memref<!tpu.dma_semaphore, #tpu.memory_space<semaphore_mem>>) src(%dma_wait3A_761 : memref<40x128xf32, #tpu.memory_space<vmem_shared>>) dst(%dma_wait3A_758 : memref<40x128xf32, #tpu.memory_space<vmem>>)
      tpu.yield
    }) : () -> ()
    %dma_start3A_110 = arith.constant 4 : i32
    %dma_start3A_111 = arith.constant 4 : i32
    %dma_start3A_112 = arith.constant 0 : i32
    %dma_start3A_113 = arith.constant 0 : i32
    %dma_start3A_114 = tpu.memref_slice %arg7[%dma_start3A_110, %dma_start3A_112, %dma_start3A_113] : memref<5x40x128xf32, #tpu.memory_space<vmem>> -> memref<1x40x128xf32, #tpu.memory_space<vmem>>
    %dma_start3A_115 = tpu.memref_squeeze %dma_start3A_114 : memref<1x40x128xf32, #tpu.memory_space<vmem>> -> memref<40x128xf32, #tpu.memory_space<vmem>>
    %dma_start3A_116 = arith.constant 160 : i32
    %dma_start3A_117 = tpu.memref_slice %arg6[%dma_start3A_116] : memref<25600xi32, #tpu.memory_space<vmem>> -> memref<40xi32, #tpu.memory_space<vmem>>
    %dma_start3A_118 = arith.constant 0 : i32
    %dma_start3A_119 = arith.constant 0 : i32
    %dma_start3A_120 = tpu.memref_slice %arg3[%dma_start3A_118, %dma_start3A_119] : memref<1000000x128xf32, #tpu.memory_space<hbm>> -> memref<1000000x128xf32, #tpu.memory_space<hbm>>
    %dma_start3A_121 = tpu.memref_slice %arg9[%dma_start3A_111] : memref<5x!tpu.dma_semaphore, #tpu.memory_space<semaphore_mem>> -> memref<1x!tpu.dma_semaphore, #tpu.memory_space<semaphore_mem>>
    %dma_start3A_122 = tpu.memref_squeeze %dma_start3A_121 : memref<1x!tpu.dma_semaphore, #tpu.memory_space<semaphore_mem>> -> memref<!tpu.dma_semaphore, #tpu.memory_space<semaphore_mem>>
    tpu.enqueue_indirect_dma source(%dma_start3A_120 : memref<1000000x128xf32, #tpu.memory_space<hbm>>) target(%dma_start3A_115 : memref<40x128xf32, #tpu.memory_space<vmem>>) offsets(%dma_start3A_117 : memref<40xi32, #tpu.memory_space<vmem>>) semaphore(%dma_start3A_122 : memref<!tpu.dma_semaphore, #tpu.memory_space<semaphore_mem>>) {add = true}
    %dma_wait3A_123 = arith.constant 1 : i32
    %dma_wait3A_124 = arith.constant 1 : i32
    %dma_wait3A_125 = arith.constant 0 : i32
    %dma_wait3A_126 = arith.constant 0 : i32
    %dma_wait3A_127 = tpu.memref_slice %arg7[%dma_wait3A_123, %dma_wait3A_125, %dma_wait3A_126] : memref<5x40x128xf32, #tpu.memory_space<vmem>> -> memref<1x40x128xf32, #tpu.memory_space<vmem>>
    %dma_wait3A_128 = tpu.memref_squeeze %dma_wait3A_127 : memref<1x40x128xf32, #tpu.memory_space<vmem>> -> memref<40x128xf32, #tpu.memory_space<vmem>>
    %dma_wait3A_129 = arith.constant 40 : i32
    %dma_wait3A_130 = tpu.memref_slice %arg6[%dma_wait3A_129] : memref<25600xi32, #tpu.memory_space<vmem>> -> memref<40xi32, #tpu.memory_space<vmem>>
    %dma_wait3A_131 = arith.constant 0 : i32
    %dma_wait3A_132 = arith.constant 0 : i32
    %dma_wait3A_133 = tpu.memref_slice %arg3[%dma_wait3A_131, %dma_wait3A_132] : memref<1000000x128xf32, #tpu.memory_space<hbm>> -> memref<1000000x128xf32, #tpu.memory_space<hbm>>
    %dma_wait3A_134 = tpu.memref_slice %arg9[%dma_wait3A_124] : memref<5x!tpu.dma_semaphore, #tpu.memory_space<semaphore_mem>> -> memref<1x!tpu.dma_semaphore, #tpu.memory_space<semaphore_mem>>
    %dma_wait3A_135 = tpu.memref_squeeze %dma_wait3A_134 : memref<1x!tpu.dma_semaphore, #tpu.memory_space<semaphore_mem>> -> memref<!tpu.dma_semaphore, #tpu.memory_space<semaphore_mem>>
    tpu.wait_indirect_dma semaphore(%dma_wait3A_135 : memref<!tpu.dma_semaphore, #tpu.memory_space<semaphore_mem>>) src(%dma_wait3A_133 : memref<1000000x128xf32, #tpu.memory_space<hbm>>) dst(%dma_wait3A_128 : memref<40x128xf32, #tpu.memory_space<vmem>>)
    %add3A_136 = arith.constant 0 : i32
    %add3A_137 = arith.addi %select_n3A, %add3A_136 : i32
    %dma_start3A_138 = arith.constant 1 : i32
    %dma_start3A_139 = arith.constant 1 : i32
    %dma_start3A_140 = arith.constant 0 : i32
    %dma_start3A_141 = arith.constant 0 : i32
    %dma_start3A_142 = tpu.memref_slice %arg7[%dma_start3A_138, %dma_start3A_140, %dma_start3A_141] : memref<5x40x128xf32, #tpu.memory_space<vmem>> -> memref<1x40x128xf32, #tpu.memory_space<vmem>>
    %dma_start3A_143 = tpu.memref_squeeze %dma_start3A_142 : memref<1x40x128xf32, #tpu.memory_space<vmem>> -> memref<40x128xf32, #tpu.memory_space<vmem>>
    %dma_start3A_144 = arith.constant 40 : i32
    %dma_start3A_145 = arith.constant 0 : i32
    %dma_start3A_146 = tpu.memref_slice %arg5[%add3A_137, %dma_start3A_144, %dma_start3A_145] : memref<4096x200x128xf32, #tpu.memory_space<hbm>> -> memref<1x40x128xf32, #tpu.memory_space<hbm>>
    %dma_start3A_147 = tpu.memref_squeeze %dma_start3A_146 : memref<1x40x128xf32, #tpu.memory_space<hbm>> -> memref<40x128xf32, #tpu.memory_space<hbm>>
    %dma_start3A_148 = tpu.memref_slice %arg10[%dma_start3A_139] : memref<5x!tpu.dma_semaphore, #tpu.memory_space<semaphore_mem>> -> memref<1x!tpu.dma_semaphore, #tpu.memory_space<semaphore_mem>>
    %dma_start3A_149 = tpu.memref_squeeze %dma_start3A_148 : memref<1x!tpu.dma_semaphore, #tpu.memory_space<semaphore_mem>> -> memref<!tpu.dma_semaphore, #tpu.memory_space<semaphore_mem>>
    %dma_start3A_150 = arith.constant 40 : i32
    %dma_start3A_151 = arith.constant 0 : i32
    %dma_start3A_152 = tpu.memref_slice %arg5[%add3A_137, %dma_start3A_150, %dma_start3A_151] : memref<4096x200x128xf32, #tpu.memory_space<hbm>> -> memref<1x40x128xf32, #tpu.memory_space<hbm>>
    %dma_start3A_153 = tpu.memref_squeeze %dma_start3A_152 : memref<1x40x128xf32, #tpu.memory_space<hbm>> -> memref<40x128xf32, #tpu.memory_space<hbm>>
    %dma_start3A_154 = arith.constant 0 : i32
    %dma_start3A_155 = arith.constant 0 : i32
    %dma_start3A_156 = tpu.memref_slice %arg7[%dma_start3A_138, %dma_start3A_154, %dma_start3A_155] : memref<5x40x128xf32, #tpu.memory_space<vmem>> -> memref<1x40x128xf32, #tpu.memory_space<vmem>>
    %dma_start3A_157 = tpu.memref_squeeze %dma_start3A_156 : memref<1x40x128xf32, #tpu.memory_space<vmem>> -> memref<40x128xf32, #tpu.memory_space<vmem>>
    tpu.enqueue_dma source(%dma_start3A_157 : memref<40x128xf32, #tpu.memory_space<vmem>>) target(%dma_start3A_153 : memref<40x128xf32, #tpu.memory_space<hbm>>) target_semaphore(%dma_start3A_149 : memref<!tpu.dma_semaphore, #tpu.memory_space<semaphore_mem>>)
    %add3A_158 = arith.constant 0 : i32
    %add3A_159 = arith.addi %select_n3A, %add3A_158 : i32
    %dma_wait3A_160 = arith.constant 0 : i32
    %dma_wait3A_161 = arith.constant 0 : i32
    %dma_wait3A_162 = arith.constant 0 : i32
    %dma_wait3A_163 = arith.constant 0 : i32
    %dma_wait3A_164 = tpu.memref_slice %arg7[%dma_wait3A_160, %dma_wait3A_162, %dma_wait3A_163] : memref<5x40x128xf32, #tpu.memory_space<vmem>> -> memref<1x40x128xf32, #tpu.memory_space<vmem>>
    %dma_wait3A_165 = tpu.memref_squeeze %dma_wait3A_164 : memref<1x40x128xf32, #tpu.memory_space<vmem>> -> memref<40x128xf32, #tpu.memory_space<vmem>>
    %dma_wait3A_166 = arith.constant 0 : i32
    %dma_wait3A_167 = arith.constant 0 : i32
    %dma_wait3A_168 = tpu.memref_slice %arg5[%add3A_159, %dma_wait3A_166, %dma_wait3A_167] : memref<4096x200x128xf32, #tpu.memory_space<hbm>> -> memref<1x40x128xf32, #tpu.memory_space<hbm>>
    %dma_wait3A_169 = tpu.memref_squeeze %dma_wait3A_168 : memref<1x40x128xf32, #tpu.memory_space<hbm>> -> memref<40x128xf32, #tpu.memory_space<hbm>>
    %dma_wait3A_170 = tpu.memref_slice %arg10[%dma_wait3A_161] : memref<5x!tpu.dma_semaphore, #tpu.memory_space<semaphore_mem>> -> memref<1x!tpu.dma_semaphore, #tpu.memory_space<semaphore_mem>>
    %dma_wait3A_171 = tpu.memref_squeeze %dma_wait3A_170 : memref<1x!tpu.dma_semaphore, #tpu.memory_space<semaphore_mem>> -> memref<!tpu.dma_semaphore, #tpu.memory_space<semaphore_mem>>
    %dma_wait3A_172 = arith.constant 0 : i32
    %dma_wait3A_173 = arith.constant 0 : i32
    %dma_wait3A_174 = tpu.memref_slice %arg5[%add3A_159, %dma_wait3A_172, %dma_wait3A_173] : memref<4096x200x128xf32, #tpu.memory_space<hbm>> -> memref<1x40x128xf32, #tpu.memory_space<hbm>>
    %dma_wait3A_175 = tpu.memref_squeeze %dma_wait3A_174 : memref<1x40x128xf32, #tpu.memory_space<hbm>> -> memref<40x128xf32, #tpu.memory_space<hbm>>
    %dma_wait3A_176 = arith.constant 0 : i32
    %dma_wait3A_177 = arith.constant 0 : i32
    %dma_wait3A_178 = tpu.memref_slice %arg7[%dma_wait3A_160, %dma_wait3A_176, %dma_wait3A_177] : memref<5x40x128xf32, #tpu.memory_space<vmem>> -> memref<1x40x128xf32, #tpu.memory_space<vmem>>
    %dma_wait3A_179 = tpu.memref_squeeze %dma_wait3A_178 : memref<1x40x128xf32, #tpu.memory_space<vmem>> -> memref<40x128xf32, #tpu.memory_space<vmem>>
    tpu.wait_dma2 semaphore(%dma_wait3A_171 : memref<!tpu.dma_semaphore, #tpu.memory_space<semaphore_mem>>) src(%dma_wait3A_179 : memref<40x128xf32, #tpu.memory_space<vmem>>) dst(%dma_wait3A_175 : memref<40x128xf32, #tpu.memory_space<hbm>>)
    %run_scoped3A_180 = arith.constant 0 : i32
    "tpu.region"() ({
      %run_scoped3A_733 = tpu.sem_alloc : memref<!tpu.dma_semaphore, #tpu.memory_space<semaphore_mem>>
      %dma_start3A_734 = arith.constant 0 : i32
      %dma_start3A_735 = arith.constant 0 : i32
      %dma_start3A_736 = tpu.memref_slice %arg7[%run_scoped3A_180, %dma_start3A_734, %dma_start3A_735] : memref<5x40x128xf32, #tpu.memory_space<vmem>> -> memref<1x40x128xf32, #tpu.memory_space<vmem>>
      %dma_start3A_737 = tpu.memref_squeeze %dma_start3A_736 : memref<1x40x128xf32, #tpu.memory_space<vmem>> -> memref<40x128xf32, #tpu.memory_space<vmem>>
      %dma_start3A_738 = arith.constant 0 : i32
      %dma_start3A_739 = arith.constant 0 : i32
      %dma_start3A_740 = tpu.memref_slice %arg8[%dma_start3A_738, %dma_start3A_739] : memref<200x128xf32, #tpu.memory_space<vmem_shared>> -> memref<40x128xf32, #tpu.memory_space<vmem_shared>>
      %dma_start3A_741 = arith.constant 0 : i32
      %dma_start3A_742 = arith.constant 0 : i32
      %dma_start3A_743 = tpu.memref_slice %arg7[%run_scoped3A_180, %dma_start3A_741, %dma_start3A_742] : memref<5x40x128xf32, #tpu.memory_space<vmem>> -> memref<1x40x128xf32, #tpu.memory_space<vmem>>
      %dma_start3A_744 = tpu.memref_squeeze %dma_start3A_743 : memref<1x40x128xf32, #tpu.memory_space<vmem>> -> memref<40x128xf32, #tpu.memory_space<vmem>>
      %dma_start3A_745 = arith.constant 0 : i32
      %dma_start3A_746 = arith.constant 0 : i32
      %dma_start3A_747 = tpu.memref_slice %arg8[%dma_start3A_745, %dma_start3A_746] : memref<200x128xf32, #tpu.memory_space<vmem_shared>> -> memref<40x128xf32, #tpu.memory_space<vmem_shared>>
      tpu.enqueue_dma source(%dma_start3A_747 : memref<40x128xf32, #tpu.memory_space<vmem_shared>>) target(%dma_start3A_744 : memref<40x128xf32, #tpu.memory_space<vmem>>) target_semaphore(%run_scoped3A_733 : memref<!tpu.dma_semaphore, #tpu.memory_space<semaphore_mem>>)
      %dma_wait3A_748 = arith.constant 0 : i32
      %dma_wait3A_749 = arith.constant 0 : i32
      %dma_wait3A_750 = tpu.memref_slice %arg7[%run_scoped3A_180, %dma_wait3A_748, %dma_wait3A_749] : memref<5x40x128xf32, #tpu.memory_space<vmem>> -> memref<1x40x128xf32, #tpu.memory_space<vmem>>
      %dma_wait3A_751 = tpu.memref_squeeze %dma_wait3A_750 : memref<1x40x128xf32, #tpu.memory_space<vmem>> -> memref<40x128xf32, #tpu.memory_space<vmem>>
      %dma_wait3A_752 = arith.constant 0 : i32
      %dma_wait3A_753 = arith.constant 0 : i32
      %dma_wait3A_754 = tpu.memref_slice %arg8[%dma_wait3A_752, %dma_wait3A_753] : memref<200x128xf32, #tpu.memory_space<vmem_shared>> -> memref<40x128xf32, #tpu.memory_space<vmem_shared>>
      %dma_wait3A_755 = arith.constant 0 : i32
      %dma_wait3A_756 = arith.constant 0 : i32
      %dma_wait3A_757 = tpu.memref_slice %arg7[%run_scoped3A_180, %dma_wait3A_755, %dma_wait3A_756] : memref<5x40x128xf32, #tpu.memory_space<vmem>> -> memref<1x40x128xf32, #tpu.memory_space<vmem>>
      %dma_wait3A_758 = tpu.memref_squeeze %dma_wait3A_757 : memref<1x40x128xf32, #tpu.memory_space<vmem>> -> memref<40x128xf32, #tpu.memory_space<vmem>>
      %dma_wait3A_759 = arith.constant 0 : i32
      %dma_wait3A_760 = arith.constant 0 : i32
      %dma_wait3A_761 = tpu.memref_slice %arg8[%dma_wait3A_759, %dma_wait3A_760] : memref<200x128xf32, #tpu.memory_space<vmem_shared>> -> memref<40x128xf32, #tpu.memory_space<vmem_shared>>
      tpu.wait_dma2 semaphore(%run_scoped3A_733 : memref<!tpu.dma_semaphore, #tpu.memory_space<semaphore_mem>>) src(%dma_wait3A_761 : memref<40x128xf32, #tpu.memory_space<vmem_shared>>) dst(%dma_wait3A_758 : memref<40x128xf32, #tpu.memory_space<vmem>>)
      tpu.yield
    }) : () -> ()
    %dma_start3A_181 = arith.constant 0 : i32
    %dma_start3A_182 = arith.constant 0 : i32
    %dma_start3A_183 = arith.constant 0 : i32
    %dma_start3A_184 = arith.constant 0 : i32
    %dma_start3A_185 = tpu.memref_slice %arg7[%dma_start3A_181, %dma_start3A_183, %dma_start3A_184] : memref<5x40x128xf32, #tpu.memory_space<vmem>> -> memref<1x40x128xf32, #tpu.memory_space<vmem>>
    %dma_start3A_186 = tpu.memref_squeeze %dma_start3A_185 : memref<1x40x128xf32, #tpu.memory_space<vmem>> -> memref<40x128xf32, #tpu.memory_space<vmem>>
    %dma_start3A_187 = arith.constant 200 : i32
    %dma_start3A_188 = tpu.memref_slice %arg6[%dma_start3A_187] : memref<25600xi32, #tpu.memory_space<vmem>> -> memref<40xi32, #tpu.memory_space<vmem>>
    %dma_start3A_189 = arith.constant 0 : i32
    %dma_start3A_190 = arith.constant 0 : i32
    %dma_start3A_191 = tpu.memref_slice %arg3[%dma_start3A_189, %dma_start3A_190] : memref<1000000x128xf32, #tpu.memory_space<hbm>> -> memref<1000000x128xf32, #tpu.memory_space<hbm>>
    %dma_start3A_192 = tpu.memref_slice %arg9[%dma_start3A_182] : memref<5x!tpu.dma_semaphore, #tpu.memory_space<semaphore_mem>> -> memref<1x!tpu.dma_semaphore, #tpu.memory_space<semaphore_mem>>
    %dma_start3A_193 = tpu.memref_squeeze %dma_start3A_192 : memref<1x!tpu.dma_semaphore, #tpu.memory_space<semaphore_mem>> -> memref<!tpu.dma_semaphore, #tpu.memory_space<semaphore_mem>>
    tpu.enqueue_indirect_dma source(%dma_start3A_191 : memref<1000000x128xf32, #tpu.memory_space<hbm>>) target(%dma_start3A_186 : memref<40x128xf32, #tpu.memory_space<vmem>>) offsets(%dma_start3A_188 : memref<40xi32, #tpu.memory_space<vmem>>) semaphore(%dma_start3A_193 : memref<!tpu.dma_semaphore, #tpu.memory_space<semaphore_mem>>) {add = true}
    %dma_wait3A_194 = arith.constant 2 : i32
    %dma_wait3A_195 = arith.constant 2 : i32
    %dma_wait3A_196 = arith.constant 0 : i32
    %dma_wait3A_197 = arith.constant 0 : i32
    %dma_wait3A_198 = tpu.memref_slice %arg7[%dma_wait3A_194, %dma_wait3A_196, %dma_wait3A_197] : memref<5x40x128xf32, #tpu.memory_space<vmem>> -> memref<1x40x128xf32, #tpu.memory_space<vmem>>
    %dma_wait3A_199 = tpu.memref_squeeze %dma_wait3A_198 : memref<1x40x128xf32, #tpu.memory_space<vmem>> -> memref<40x128xf32, #tpu.memory_space<vmem>>
    %dma_wait3A_200 = arith.constant 80 : i32
    %dma_wait3A_201 = tpu.memref_slice %arg6[%dma_wait3A_200] : memref<25600xi32, #tpu.memory_space<vmem>> -> memref<40xi32, #tpu.memory_space<vmem>>
    %dma_wait3A_202 = arith.constant 0 : i32
    %dma_wait3A_203 = arith.constant 0 : i32
    %dma_wait3A_204 = tpu.memref_slice %arg3[%dma_wait3A_202, %dma_wait3A_203] : memref<1000000x128xf32, #tpu.memory_space<hbm>> -> memref<1000000x128xf32, #tpu.memory_space<hbm>>
    %dma_wait3A_205 = tpu.memref_slice %arg9[%dma_wait3A_195] : memref<5x!tpu.dma_semaphore, #tpu.memory_space<semaphore_mem>> -> memref<1x!tpu.dma_semaphore, #tpu.memory_space<semaphore_mem>>
    %dma_wait3A_206 = tpu.memref_squeeze %dma_wait3A_205 : memref<1x!tpu.dma_semaphore, #tpu.memory_space<semaphore_mem>> -> memref<!tpu.dma_semaphore, #tpu.memory_space<semaphore_mem>>
    tpu.wait_indirect_dma semaphore(%dma_wait3A_206 : memref<!tpu.dma_semaphore, #tpu.memory_space<semaphore_mem>>) src(%dma_wait3A_204 : memref<1000000x128xf32, #tpu.memory_space<hbm>>) dst(%dma_wait3A_199 : memref<40x128xf32, #tpu.memory_space<vmem>>)
    %add3A_207 = arith.constant 0 : i32
    %add3A_208 = arith.addi %select_n3A, %add3A_207 : i32
    %dma_start3A_209 = arith.constant 2 : i32
    %dma_start3A_210 = arith.constant 2 : i32
    %dma_start3A_211 = arith.constant 0 : i32
    %dma_start3A_212 = arith.constant 0 : i32
    %dma_start3A_213 = tpu.memref_slice %arg7[%dma_start3A_209, %dma_start3A_211, %dma_start3A_212] : memref<5x40x128xf32, #tpu.memory_space<vmem>> -> memref<1x40x128xf32, #tpu.memory_space<vmem>>
    %dma_start3A_214 = tpu.memref_squeeze %dma_start3A_213 : memref<1x40x128xf32, #tpu.memory_space<vmem>> -> memref<40x128xf32, #tpu.memory_space<vmem>>
    %dma_start3A_215 = arith.constant 80 : i32
    %dma_start3A_216 = arith.constant 0 : i32
    %dma_start3A_217 = tpu.memref_slice %arg5[%add3A_208, %dma_start3A_215, %dma_start3A_216] : memref<4096x200x128xf32, #tpu.memory_space<hbm>> -> memref<1x40x128xf32, #tpu.memory_space<hbm>>
    %dma_start3A_218 = tpu.memref_squeeze %dma_start3A_217 : memref<1x40x128xf32, #tpu.memory_space<hbm>> -> memref<40x128xf32, #tpu.memory_space<hbm>>
    %dma_start3A_219 = tpu.memref_slice %arg10[%dma_start3A_210] : memref<5x!tpu.dma_semaphore, #tpu.memory_space<semaphore_mem>> -> memref<1x!tpu.dma_semaphore, #tpu.memory_space<semaphore_mem>>
    %dma_start3A_220 = tpu.memref_squeeze %dma_start3A_219 : memref<1x!tpu.dma_semaphore, #tpu.memory_space<semaphore_mem>> -> memref<!tpu.dma_semaphore, #tpu.memory_space<semaphore_mem>>
    %dma_start3A_221 = arith.constant 80 : i32
    %dma_start3A_222 = arith.constant 0 : i32
    %dma_start3A_223 = tpu.memref_slice %arg5[%add3A_208, %dma_start3A_221, %dma_start3A_222] : memref<4096x200x128xf32, #tpu.memory_space<hbm>> -> memref<1x40x128xf32, #tpu.memory_space<hbm>>
    %dma_start3A_224 = tpu.memref_squeeze %dma_start3A_223 : memref<1x40x128xf32, #tpu.memory_space<hbm>> -> memref<40x128xf32, #tpu.memory_space<hbm>>
    %dma_start3A_225 = arith.constant 0 : i32
    %dma_start3A_226 = arith.constant 0 : i32
    %dma_start3A_227 = tpu.memref_slice %arg7[%dma_start3A_209, %dma_start3A_225, %dma_start3A_226] : memref<5x40x128xf32, #tpu.memory_space<vmem>> -> memref<1x40x128xf32, #tpu.memory_space<vmem>>
    %dma_start3A_228 = tpu.memref_squeeze %dma_start3A_227 : memref<1x40x128xf32, #tpu.memory_space<vmem>> -> memref<40x128xf32, #tpu.memory_space<vmem>>
    tpu.enqueue_dma source(%dma_start3A_228 : memref<40x128xf32, #tpu.memory_space<vmem>>) target(%dma_start3A_224 : memref<40x128xf32, #tpu.memory_space<hbm>>) target_semaphore(%dma_start3A_220 : memref<!tpu.dma_semaphore, #tpu.memory_space<semaphore_mem>>)
    %add3A_229 = arith.constant 0 : i32
    %add3A_230 = arith.addi %select_n3A, %add3A_229 : i32
    %dma_wait3A_231 = arith.constant 1 : i32
    %dma_wait3A_232 = arith.constant 1 : i32
    %dma_wait3A_233 = arith.constant 0 : i32
    %dma_wait3A_234 = arith.constant 0 : i32
    %dma_wait3A_235 = tpu.memref_slice %arg7[%dma_wait3A_231, %dma_wait3A_233, %dma_wait3A_234] : memref<5x40x128xf32, #tpu.memory_space<vmem>> -> memref<1x40x128xf32, #tpu.memory_space<vmem>>
    %dma_wait3A_236 = tpu.memref_squeeze %dma_wait3A_235 : memref<1x40x128xf32, #tpu.memory_space<vmem>> -> memref<40x128xf32, #tpu.memory_space<vmem>>
    %dma_wait3A_237 = arith.constant 40 : i32
    %dma_wait3A_238 = arith.constant 0 : i32
    %dma_wait3A_239 = tpu.memref_slice %arg5[%add3A_230, %dma_wait3A_237, %dma_wait3A_238] : memref<4096x200x128xf32, #tpu.memory_space<hbm>> -> memref<1x40x128xf32, #tpu.memory_space<hbm>>
    %dma_wait3A_240 = tpu.memref_squeeze %dma_wait3A_239 : memref<1x40x128xf32, #tpu.memory_space<hbm>> -> memref<40x128xf32, #tpu.memory_space<hbm>>
    %dma_wait3A_241 = tpu.memref_slice %arg10[%dma_wait3A_232] : memref<5x!tpu.dma_semaphore, #tpu.memory_space<semaphore_mem>> -> memref<1x!tpu.dma_semaphore, #tpu.memory_space<semaphore_mem>>
    %dma_wait3A_242 = tpu.memref_squeeze %dma_wait3A_241 : memref<1x!tpu.dma_semaphore, #tpu.memory_space<semaphore_mem>> -> memref<!tpu.dma_semaphore, #tpu.memory_space<semaphore_mem>>
    %dma_wait3A_243 = arith.constant 40 : i32
    %dma_wait3A_244 = arith.constant 0 : i32
    %dma_wait3A_245 = tpu.memref_slice %arg5[%add3A_230, %dma_wait3A_243, %dma_wait3A_244] : memref<4096x200x128xf32, #tpu.memory_space<hbm>> -> memref<1x40x128xf32, #tpu.memory_space<hbm>>
    %dma_wait3A_246 = tpu.memref_squeeze %dma_wait3A_245 : memref<1x40x128xf32, #tpu.memory_space<hbm>> -> memref<40x128xf32, #tpu.memory_space<hbm>>
    %dma_wait3A_247 = arith.constant 0 : i32
    %dma_wait3A_248 = arith.constant 0 : i32
    %dma_wait3A_249 = tpu.memref_slice %arg7[%dma_wait3A_231, %dma_wait3A_247, %dma_wait3A_248] : memref<5x40x128xf32, #tpu.memory_space<vmem>> -> memref<1x40x128xf32, #tpu.memory_space<vmem>>
    %dma_wait3A_250 = tpu.memref_squeeze %dma_wait3A_249 : memref<1x40x128xf32, #tpu.memory_space<vmem>> -> memref<40x128xf32, #tpu.memory_space<vmem>>
    tpu.wait_dma2 semaphore(%dma_wait3A_242 : memref<!tpu.dma_semaphore, #tpu.memory_space<semaphore_mem>>) src(%dma_wait3A_250 : memref<40x128xf32, #tpu.memory_space<vmem>>) dst(%dma_wait3A_246 : memref<40x128xf32, #tpu.memory_space<hbm>>)
    %run_scoped3A_251 = arith.constant 1 : i32
    "tpu.region"() ({
      %run_scoped3A_733 = tpu.sem_alloc : memref<!tpu.dma_semaphore, #tpu.memory_space<semaphore_mem>>
      %dma_start3A_734 = arith.constant 0 : i32
      %dma_start3A_735 = arith.constant 0 : i32
      %dma_start3A_736 = tpu.memref_slice %arg7[%run_scoped3A_251, %dma_start3A_734, %dma_start3A_735] : memref<5x40x128xf32, #tpu.memory_space<vmem>> -> memref<1x40x128xf32, #tpu.memory_space<vmem>>
      %dma_start3A_737 = tpu.memref_squeeze %dma_start3A_736 : memref<1x40x128xf32, #tpu.memory_space<vmem>> -> memref<40x128xf32, #tpu.memory_space<vmem>>
      %dma_start3A_738 = arith.constant 40 : i32
      %dma_start3A_739 = arith.constant 0 : i32
      %dma_start3A_740 = tpu.memref_slice %arg8[%dma_start3A_738, %dma_start3A_739] : memref<200x128xf32, #tpu.memory_space<vmem_shared>> -> memref<40x128xf32, #tpu.memory_space<vmem_shared>>
      %dma_start3A_741 = arith.constant 0 : i32
      %dma_start3A_742 = arith.constant 0 : i32
      %dma_start3A_743 = tpu.memref_slice %arg7[%run_scoped3A_251, %dma_start3A_741, %dma_start3A_742] : memref<5x40x128xf32, #tpu.memory_space<vmem>> -> memref<1x40x128xf32, #tpu.memory_space<vmem>>
      %dma_start3A_744 = tpu.memref_squeeze %dma_start3A_743 : memref<1x40x128xf32, #tpu.memory_space<vmem>> -> memref<40x128xf32, #tpu.memory_space<vmem>>
      %dma_start3A_745 = arith.constant 40 : i32
      %dma_start3A_746 = arith.constant 0 : i32
      %dma_start3A_747 = tpu.memref_slice %arg8[%dma_start3A_745, %dma_start3A_746] : memref<200x128xf32, #tpu.memory_space<vmem_shared>> -> memref<40x128xf32, #tpu.memory_space<vmem_shared>>
      tpu.enqueue_dma source(%dma_start3A_747 : memref<40x128xf32, #tpu.memory_space<vmem_shared>>) target(%dma_start3A_744 : memref<40x128xf32, #tpu.memory_space<vmem>>) target_semaphore(%run_scoped3A_733 : memref<!tpu.dma_semaphore, #tpu.memory_space<semaphore_mem>>)
      %dma_wait3A_748 = arith.constant 0 : i32
      %dma_wait3A_749 = arith.constant 0 : i32
      %dma_wait3A_750 = tpu.memref_slice %arg7[%run_scoped3A_251, %dma_wait3A_748, %dma_wait3A_749] : memref<5x40x128xf32, #tpu.memory_space<vmem>> -> memref<1x40x128xf32, #tpu.memory_space<vmem>>
      %dma_wait3A_751 = tpu.memref_squeeze %dma_wait3A_750 : memref<1x40x128xf32, #tpu.memory_space<vmem>> -> memref<40x128xf32, #tpu.memory_space<vmem>>
      %dma_wait3A_752 = arith.constant 40 : i32
      %dma_wait3A_753 = arith.constant 0 : i32
      %dma_wait3A_754 = tpu.memref_slice %arg8[%dma_wait3A_752, %dma_wait3A_753] : memref<200x128xf32, #tpu.memory_space<vmem_shared>> -> memref<40x128xf32, #tpu.memory_space<vmem_shared>>
      %dma_wait3A_755 = arith.constant 0 : i32
      %dma_wait3A_756 = arith.constant 0 : i32
      %dma_wait3A_757 = tpu.memref_slice %arg7[%run_scoped3A_251, %dma_wait3A_755, %dma_wait3A_756] : memref<5x40x128xf32, #tpu.memory_space<vmem>> -> memref<1x40x128xf32, #tpu.memory_space<vmem>>
      %dma_wait3A_758 = tpu.memref_squeeze %dma_wait3A_757 : memref<1x40x128xf32, #tpu.memory_space<vmem>> -> memref<40x128xf32, #tpu.memory_space<vmem>>
      %dma_wait3A_759 = arith.constant 40 : i32
      %dma_wait3A_760 = arith.constant 0 : i32
      %dma_wait3A_761 = tpu.memref_slice %arg8[%dma_wait3A_759, %dma_wait3A_760] : memref<200x128xf32, #tpu.memory_space<vmem_shared>> -> memref<40x128xf32, #tpu.memory_space<vmem_shared>>
      tpu.wait_dma2 semaphore(%run_scoped3A_733 : memref<!tpu.dma_semaphore, #tpu.memory_space<semaphore_mem>>) src(%dma_wait3A_761 : memref<40x128xf32, #tpu.memory_space<vmem_shared>>) dst(%dma_wait3A_758 : memref<40x128xf32, #tpu.memory_space<vmem>>)
      tpu.yield
    }) : () -> ()
    %dma_start3A_252 = arith.constant 1 : i32
    %dma_start3A_253 = arith.constant 1 : i32
    %dma_start3A_254 = arith.constant 0 : i32
    %dma_start3A_255 = arith.constant 0 : i32
    %dma_start3A_256 = tpu.memref_slice %arg7[%dma_start3A_252, %dma_start3A_254, %dma_start3A_255] : memref<5x40x128xf32, #tpu.memory_space<vmem>> -> memref<1x40x128xf32, #tpu.memory_space<vmem>>
    %dma_start3A_257 = tpu.memref_squeeze %dma_start3A_256 : memref<1x40x128xf32, #tpu.memory_space<vmem>> -> memref<40x128xf32, #tpu.memory_space<vmem>>
    %dma_start3A_258 = arith.constant 240 : i32
    %dma_start3A_259 = tpu.memref_slice %arg6[%dma_start3A_258] : memref<25600xi32, #tpu.memory_space<vmem>> -> memref<40xi32, #tpu.memory_space<vmem>>
    %dma_start3A_260 = arith.constant 0 : i32
    %dma_start3A_261 = arith.constant 0 : i32
    %dma_start3A_262 = tpu.memref_slice %arg3[%dma_start3A_260, %dma_start3A_261] : memref<1000000x128xf32, #tpu.memory_space<hbm>> -> memref<1000000x128xf32, #tpu.memory_space<hbm>>
    %dma_start3A_263 = tpu.memref_slice %arg9[%dma_start3A_253] : memref<5x!tpu.dma_semaphore, #tpu.memory_space<semaphore_mem>> -> memref<1x!tpu.dma_semaphore, #tpu.memory_space<semaphore_mem>>
    %dma_start3A_264 = tpu.memref_squeeze %dma_start3A_263 : memref<1x!tpu.dma_semaphore, #tpu.memory_space<semaphore_mem>> -> memref<!tpu.dma_semaphore, #tpu.memory_space<semaphore_mem>>
    tpu.enqueue_indirect_dma source(%dma_start3A_262 : memref<1000000x128xf32, #tpu.memory_space<hbm>>) target(%dma_start3A_257 : memref<40x128xf32, #tpu.memory_space<vmem>>) offsets(%dma_start3A_259 : memref<40xi32, #tpu.memory_space<vmem>>) semaphore(%dma_start3A_264 : memref<!tpu.dma_semaphore, #tpu.memory_space<semaphore_mem>>) {add = true}
    %dma_wait3A_265 = arith.constant 3 : i32
    %dma_wait3A_266 = arith.constant 3 : i32
    %dma_wait3A_267 = arith.constant 0 : i32
    %dma_wait3A_268 = arith.constant 0 : i32
    %dma_wait3A_269 = tpu.memref_slice %arg7[%dma_wait3A_265, %dma_wait3A_267, %dma_wait3A_268] : memref<5x40x128xf32, #tpu.memory_space<vmem>> -> memref<1x40x128xf32, #tpu.memory_space<vmem>>
    %dma_wait3A_270 = tpu.memref_squeeze %dma_wait3A_269 : memref<1x40x128xf32, #tpu.memory_space<vmem>> -> memref<40x128xf32, #tpu.memory_space<vmem>>
    %dma_wait3A_271 = arith.constant 120 : i32
    %dma_wait3A_272 = tpu.memref_slice %arg6[%dma_wait3A_271] : memref<25600xi32, #tpu.memory_space<vmem>> -> memref<40xi32, #tpu.memory_space<vmem>>
    %dma_wait3A_273 = arith.constant 0 : i32
    %dma_wait3A_274 = arith.constant 0 : i32
    %dma_wait3A_275 = tpu.memref_slice %arg3[%dma_wait3A_273, %dma_wait3A_274] : memref<1000000x128xf32, #tpu.memory_space<hbm>> -> memref<1000000x128xf32, #tpu.memory_space<hbm>>
    %dma_wait3A_276 = tpu.memref_slice %arg9[%dma_wait3A_266] : memref<5x!tpu.dma_semaphore, #tpu.memory_space<semaphore_mem>> -> memref<1x!tpu.dma_semaphore, #tpu.memory_space<semaphore_mem>>
    %dma_wait3A_277 = tpu.memref_squeeze %dma_wait3A_276 : memref<1x!tpu.dma_semaphore, #tpu.memory_space<semaphore_mem>> -> memref<!tpu.dma_semaphore, #tpu.memory_space<semaphore_mem>>
    tpu.wait_indirect_dma semaphore(%dma_wait3A_277 : memref<!tpu.dma_semaphore, #tpu.memory_space<semaphore_mem>>) src(%dma_wait3A_275 : memref<1000000x128xf32, #tpu.memory_space<hbm>>) dst(%dma_wait3A_270 : memref<40x128xf32, #tpu.memory_space<vmem>>)
    %add3A_278 = arith.constant 0 : i32
    %add3A_279 = arith.addi %select_n3A, %add3A_278 : i32
    %dma_start3A_280 = arith.constant 3 : i32
    %dma_start3A_281 = arith.constant 3 : i32
    %dma_start3A_282 = arith.constant 0 : i32
    %dma_start3A_283 = arith.constant 0 : i32
    %dma_start3A_284 = tpu.memref_slice %arg7[%dma_start3A_280, %dma_start3A_282, %dma_start3A_283] : memref<5x40x128xf32, #tpu.memory_space<vmem>> -> memref<1x40x128xf32, #tpu.memory_space<vmem>>
    %dma_start3A_285 = tpu.memref_squeeze %dma_start3A_284 : memref<1x40x128xf32, #tpu.memory_space<vmem>> -> memref<40x128xf32, #tpu.memory_space<vmem>>
    %dma_start3A_286 = arith.constant 120 : i32
    %dma_start3A_287 = arith.constant 0 : i32
    %dma_start3A_288 = tpu.memref_slice %arg5[%add3A_279, %dma_start3A_286, %dma_start3A_287] : memref<4096x200x128xf32, #tpu.memory_space<hbm>> -> memref<1x40x128xf32, #tpu.memory_space<hbm>>
    %dma_start3A_289 = tpu.memref_squeeze %dma_start3A_288 : memref<1x40x128xf32, #tpu.memory_space<hbm>> -> memref<40x128xf32, #tpu.memory_space<hbm>>
    %dma_start3A_290 = tpu.memref_slice %arg10[%dma_start3A_281] : memref<5x!tpu.dma_semaphore, #tpu.memory_space<semaphore_mem>> -> memref<1x!tpu.dma_semaphore, #tpu.memory_space<semaphore_mem>>
    %dma_start3A_291 = tpu.memref_squeeze %dma_start3A_290 : memref<1x!tpu.dma_semaphore, #tpu.memory_space<semaphore_mem>> -> memref<!tpu.dma_semaphore, #tpu.memory_space<semaphore_mem>>
    %dma_start3A_292 = arith.constant 120 : i32
    %dma_start3A_293 = arith.constant 0 : i32
    %dma_start3A_294 = tpu.memref_slice %arg5[%add3A_279, %dma_start3A_292, %dma_start3A_293] : memref<4096x200x128xf32, #tpu.memory_space<hbm>> -> memref<1x40x128xf32, #tpu.memory_space<hbm>>
    %dma_start3A_295 = tpu.memref_squeeze %dma_start3A_294 : memref<1x40x128xf32, #tpu.memory_space<hbm>> -> memref<40x128xf32, #tpu.memory_space<hbm>>
    %dma_start3A_296 = arith.constant 0 : i32
    %dma_start3A_297 = arith.constant 0 : i32
    %dma_start3A_298 = tpu.memref_slice %arg7[%dma_start3A_280, %dma_start3A_296, %dma_start3A_297] : memref<5x40x128xf32, #tpu.memory_space<vmem>> -> memref<1x40x128xf32, #tpu.memory_space<vmem>>
    %dma_start3A_299 = tpu.memref_squeeze %dma_start3A_298 : memref<1x40x128xf32, #tpu.memory_space<vmem>> -> memref<40x128xf32, #tpu.memory_space<vmem>>
    tpu.enqueue_dma source(%dma_start3A_299 : memref<40x128xf32, #tpu.memory_space<vmem>>) target(%dma_start3A_295 : memref<40x128xf32, #tpu.memory_space<hbm>>) target_semaphore(%dma_start3A_291 : memref<!tpu.dma_semaphore, #tpu.memory_space<semaphore_mem>>)
    %add3A_300 = arith.constant 0 : i32
    %add3A_301 = arith.addi %select_n3A, %add3A_300 : i32
    %dma_wait3A_302 = arith.constant 2 : i32
    %dma_wait3A_303 = arith.constant 2 : i32
    %dma_wait3A_304 = arith.constant 0 : i32
    %dma_wait3A_305 = arith.constant 0 : i32
    %dma_wait3A_306 = tpu.memref_slice %arg7[%dma_wait3A_302, %dma_wait3A_304, %dma_wait3A_305] : memref<5x40x128xf32, #tpu.memory_space<vmem>> -> memref<1x40x128xf32, #tpu.memory_space<vmem>>
    %dma_wait3A_307 = tpu.memref_squeeze %dma_wait3A_306 : memref<1x40x128xf32, #tpu.memory_space<vmem>> -> memref<40x128xf32, #tpu.memory_space<vmem>>
    %dma_wait3A_308 = arith.constant 80 : i32
    %dma_wait3A_309 = arith.constant 0 : i32
    %dma_wait3A_310 = tpu.memref_slice %arg5[%add3A_301, %dma_wait3A_308, %dma_wait3A_309] : memref<4096x200x128xf32, #tpu.memory_space<hbm>> -> memref<1x40x128xf32, #tpu.memory_space<hbm>>
    %dma_wait3A_311 = tpu.memref_squeeze %dma_wait3A_310 : memref<1x40x128xf32, #tpu.memory_space<hbm>> -> memref<40x128xf32, #tpu.memory_space<hbm>>
    %dma_wait3A_312 = tpu.memref_slice %arg10[%dma_wait3A_303] : memref<5x!tpu.dma_semaphore, #tpu.memory_space<semaphore_mem>> -> memref<1x!tpu.dma_semaphore, #tpu.memory_space<semaphore_mem>>
    %dma_wait3A_313 = tpu.memref_squeeze %dma_wait3A_312 : memref<1x!tpu.dma_semaphore, #tpu.memory_space<semaphore_mem>> -> memref<!tpu.dma_semaphore, #tpu.memory_space<semaphore_mem>>
    %dma_wait3A_314 = arith.constant 80 : i32
    %dma_wait3A_315 = arith.constant 0 : i32
    %dma_wait3A_316 = tpu.memref_slice %arg5[%add3A_301, %dma_wait3A_314, %dma_wait3A_315] : memref<4096x200x128xf32, #tpu.memory_space<hbm>> -> memref<1x40x128xf32, #tpu.memory_space<hbm>>
    %dma_wait3A_317 = tpu.memref_squeeze %dma_wait3A_316 : memref<1x40x128xf32, #tpu.memory_space<hbm>> -> memref<40x128xf32, #tpu.memory_space<hbm>>
    %dma_wait3A_318 = arith.constant 0 : i32
    %dma_wait3A_319 = arith.constant 0 : i32
    %dma_wait3A_320 = tpu.memref_slice %arg7[%dma_wait3A_302, %dma_wait3A_318, %dma_wait3A_319] : memref<5x40x128xf32, #tpu.memory_space<vmem>> -> memref<1x40x128xf32, #tpu.memory_space<vmem>>
    %dma_wait3A_321 = tpu.memref_squeeze %dma_wait3A_320 : memref<1x40x128xf32, #tpu.memory_space<vmem>> -> memref<40x128xf32, #tpu.memory_space<vmem>>
    tpu.wait_dma2 semaphore(%dma_wait3A_313 : memref<!tpu.dma_semaphore, #tpu.memory_space<semaphore_mem>>) src(%dma_wait3A_321 : memref<40x128xf32, #tpu.memory_space<vmem>>) dst(%dma_wait3A_317 : memref<40x128xf32, #tpu.memory_space<hbm>>)
    %run_scoped3A_322 = arith.constant 2 : i32
    "tpu.region"() ({
      %run_scoped3A_733 = tpu.sem_alloc : memref<!tpu.dma_semaphore, #tpu.memory_space<semaphore_mem>>
      %dma_start3A_734 = arith.constant 0 : i32
      %dma_start3A_735 = arith.constant 0 : i32
      %dma_start3A_736 = tpu.memref_slice %arg7[%run_scoped3A_322, %dma_start3A_734, %dma_start3A_735] : memref<5x40x128xf32, #tpu.memory_space<vmem>> -> memref<1x40x128xf32, #tpu.memory_space<vmem>>
      %dma_start3A_737 = tpu.memref_squeeze %dma_start3A_736 : memref<1x40x128xf32, #tpu.memory_space<vmem>> -> memref<40x128xf32, #tpu.memory_space<vmem>>
      %dma_start3A_738 = arith.constant 80 : i32
      %dma_start3A_739 = arith.constant 0 : i32
      %dma_start3A_740 = tpu.memref_slice %arg8[%dma_start3A_738, %dma_start3A_739] : memref<200x128xf32, #tpu.memory_space<vmem_shared>> -> memref<40x128xf32, #tpu.memory_space<vmem_shared>>
      %dma_start3A_741 = arith.constant 0 : i32
      %dma_start3A_742 = arith.constant 0 : i32
      %dma_start3A_743 = tpu.memref_slice %arg7[%run_scoped3A_322, %dma_start3A_741, %dma_start3A_742] : memref<5x40x128xf32, #tpu.memory_space<vmem>> -> memref<1x40x128xf32, #tpu.memory_space<vmem>>
      %dma_start3A_744 = tpu.memref_squeeze %dma_start3A_743 : memref<1x40x128xf32, #tpu.memory_space<vmem>> -> memref<40x128xf32, #tpu.memory_space<vmem>>
      %dma_start3A_745 = arith.constant 80 : i32
      %dma_start3A_746 = arith.constant 0 : i32
      %dma_start3A_747 = tpu.memref_slice %arg8[%dma_start3A_745, %dma_start3A_746] : memref<200x128xf32, #tpu.memory_space<vmem_shared>> -> memref<40x128xf32, #tpu.memory_space<vmem_shared>>
      tpu.enqueue_dma source(%dma_start3A_747 : memref<40x128xf32, #tpu.memory_space<vmem_shared>>) target(%dma_start3A_744 : memref<40x128xf32, #tpu.memory_space<vmem>>) target_semaphore(%run_scoped3A_733 : memref<!tpu.dma_semaphore, #tpu.memory_space<semaphore_mem>>)
      %dma_wait3A_748 = arith.constant 0 : i32
      %dma_wait3A_749 = arith.constant 0 : i32
      %dma_wait3A_750 = tpu.memref_slice %arg7[%run_scoped3A_322, %dma_wait3A_748, %dma_wait3A_749] : memref<5x40x128xf32, #tpu.memory_space<vmem>> -> memref<1x40x128xf32, #tpu.memory_space<vmem>>
      %dma_wait3A_751 = tpu.memref_squeeze %dma_wait3A_750 : memref<1x40x128xf32, #tpu.memory_space<vmem>> -> memref<40x128xf32, #tpu.memory_space<vmem>>
      %dma_wait3A_752 = arith.constant 80 : i32
      %dma_wait3A_753 = arith.constant 0 : i32
      %dma_wait3A_754 = tpu.memref_slice %arg8[%dma_wait3A_752, %dma_wait3A_753] : memref<200x128xf32, #tpu.memory_space<vmem_shared>> -> memref<40x128xf32, #tpu.memory_space<vmem_shared>>
      %dma_wait3A_755 = arith.constant 0 : i32
      %dma_wait3A_756 = arith.constant 0 : i32
      %dma_wait3A_757 = tpu.memref_slice %arg7[%run_scoped3A_322, %dma_wait3A_755, %dma_wait3A_756] : memref<5x40x128xf32, #tpu.memory_space<vmem>> -> memref<1x40x128xf32, #tpu.memory_space<vmem>>
      %dma_wait3A_758 = tpu.memref_squeeze %dma_wait3A_757 : memref<1x40x128xf32, #tpu.memory_space<vmem>> -> memref<40x128xf32, #tpu.memory_space<vmem>>
      %dma_wait3A_759 = arith.constant 80 : i32
      %dma_wait3A_760 = arith.constant 0 : i32
      %dma_wait3A_761 = tpu.memref_slice %arg8[%dma_wait3A_759, %dma_wait3A_760] : memref<200x128xf32, #tpu.memory_space<vmem_shared>> -> memref<40x128xf32, #tpu.memory_space<vmem_shared>>
      tpu.wait_dma2 semaphore(%run_scoped3A_733 : memref<!tpu.dma_semaphore, #tpu.memory_space<semaphore_mem>>) src(%dma_wait3A_761 : memref<40x128xf32, #tpu.memory_space<vmem_shared>>) dst(%dma_wait3A_758 : memref<40x128xf32, #tpu.memory_space<vmem>>)
      tpu.yield
    }) : () -> ()
    %dma_start3A_323 = arith.constant 2 : i32
    %dma_start3A_324 = arith.constant 2 : i32
    %dma_start3A_325 = arith.constant 0 : i32
    %dma_start3A_326 = arith.constant 0 : i32
    %dma_start3A_327 = tpu.memref_slice %arg7[%dma_start3A_323, %dma_start3A_325, %dma_start3A_326] : memref<5x40x128xf32, #tpu.memory_space<vmem>> -> memref<1x40x128xf32, #tpu.memory_space<vmem>>
    %dma_start3A_328 = tpu.memref_squeeze %dma_start3A_327 : memref<1x40x128xf32, #tpu.memory_space<vmem>> -> memref<40x128xf32, #tpu.memory_space<vmem>>
    %dma_start3A_329 = arith.constant 280 : i32
    %dma_start3A_330 = tpu.memref_slice %arg6[%dma_start3A_329] : memref<25600xi32, #tpu.memory_space<vmem>> -> memref<40xi32, #tpu.memory_space<vmem>>
    %dma_start3A_331 = arith.constant 0 : i32
    %dma_start3A_332 = arith.constant 0 : i32
    %dma_start3A_333 = tpu.memref_slice %arg3[%dma_start3A_331, %dma_start3A_332] : memref<1000000x128xf32, #tpu.memory_space<hbm>> -> memref<1000000x128xf32, #tpu.memory_space<hbm>>
    %dma_start3A_334 = tpu.memref_slice %arg9[%dma_start3A_324] : memref<5x!tpu.dma_semaphore, #tpu.memory_space<semaphore_mem>> -> memref<1x!tpu.dma_semaphore, #tpu.memory_space<semaphore_mem>>
    %dma_start3A_335 = tpu.memref_squeeze %dma_start3A_334 : memref<1x!tpu.dma_semaphore, #tpu.memory_space<semaphore_mem>> -> memref<!tpu.dma_semaphore, #tpu.memory_space<semaphore_mem>>
    tpu.enqueue_indirect_dma source(%dma_start3A_333 : memref<1000000x128xf32, #tpu.memory_space<hbm>>) target(%dma_start3A_328 : memref<40x128xf32, #tpu.memory_space<vmem>>) offsets(%dma_start3A_330 : memref<40xi32, #tpu.memory_space<vmem>>) semaphore(%dma_start3A_335 : memref<!tpu.dma_semaphore, #tpu.memory_space<semaphore_mem>>) {add = true}
    %dma_wait3A_336 = arith.constant 4 : i32
    %dma_wait3A_337 = arith.constant 4 : i32
    %dma_wait3A_338 = arith.constant 0 : i32
    %dma_wait3A_339 = arith.constant 0 : i32
    %dma_wait3A_340 = tpu.memref_slice %arg7[%dma_wait3A_336, %dma_wait3A_338, %dma_wait3A_339] : memref<5x40x128xf32, #tpu.memory_space<vmem>> -> memref<1x40x128xf32, #tpu.memory_space<vmem>>
    %dma_wait3A_341 = tpu.memref_squeeze %dma_wait3A_340 : memref<1x40x128xf32, #tpu.memory_space<vmem>> -> memref<40x128xf32, #tpu.memory_space<vmem>>
    %dma_wait3A_342 = arith.constant 160 : i32
    %dma_wait3A_343 = tpu.memref_slice %arg6[%dma_wait3A_342] : memref<25600xi32, #tpu.memory_space<vmem>> -> memref<40xi32, #tpu.memory_space<vmem>>
    %dma_wait3A_344 = arith.constant 0 : i32
    %dma_wait3A_345 = arith.constant 0 : i32
    %dma_wait3A_346 = tpu.memref_slice %arg3[%dma_wait3A_344, %dma_wait3A_345] : memref<1000000x128xf32, #tpu.memory_space<hbm>> -> memref<1000000x128xf32, #tpu.memory_space<hbm>>
    %dma_wait3A_347 = tpu.memref_slice %arg9[%dma_wait3A_337] : memref<5x!tpu.dma_semaphore, #tpu.memory_space<semaphore_mem>> -> memref<1x!tpu.dma_semaphore, #tpu.memory_space<semaphore_mem>>
    %dma_wait3A_348 = tpu.memref_squeeze %dma_wait3A_347 : memref<1x!tpu.dma_semaphore, #tpu.memory_space<semaphore_mem>> -> memref<!tpu.dma_semaphore, #tpu.memory_space<semaphore_mem>>
    tpu.wait_indirect_dma semaphore(%dma_wait3A_348 : memref<!tpu.dma_semaphore, #tpu.memory_space<semaphore_mem>>) src(%dma_wait3A_346 : memref<1000000x128xf32, #tpu.memory_space<hbm>>) dst(%dma_wait3A_341 : memref<40x128xf32, #tpu.memory_space<vmem>>)
    %add3A_349 = arith.constant 0 : i32
    %add3A_350 = arith.addi %select_n3A, %add3A_349 : i32
    %dma_start3A_351 = arith.constant 4 : i32
    %dma_start3A_352 = arith.constant 4 : i32
    %dma_start3A_353 = arith.constant 0 : i32
    %dma_start3A_354 = arith.constant 0 : i32
    %dma_start3A_355 = tpu.memref_slice %arg7[%dma_start3A_351, %dma_start3A_353, %dma_start3A_354] : memref<5x40x128xf32, #tpu.memory_space<vmem>> -> memref<1x40x128xf32, #tpu.memory_space<vmem>>
    %dma_start3A_356 = tpu.memref_squeeze %dma_start3A_355 : memref<1x40x128xf32, #tpu.memory_space<vmem>> -> memref<40x128xf32, #tpu.memory_space<vmem>>
    %dma_start3A_357 = arith.constant 160 : i32
    %dma_start3A_358 = arith.constant 0 : i32
    %dma_start3A_359 = tpu.memref_slice %arg5[%add3A_350, %dma_start3A_357, %dma_start3A_358] : memref<4096x200x128xf32, #tpu.memory_space<hbm>> -> memref<1x40x128xf32, #tpu.memory_space<hbm>>
    %dma_start3A_360 = tpu.memref_squeeze %dma_start3A_359 : memref<1x40x128xf32, #tpu.memory_space<hbm>> -> memref<40x128xf32, #tpu.memory_space<hbm>>
    %dma_start3A_361 = tpu.memref_slice %arg10[%dma_start3A_352] : memref<5x!tpu.dma_semaphore, #tpu.memory_space<semaphore_mem>> -> memref<1x!tpu.dma_semaphore, #tpu.memory_space<semaphore_mem>>
    %dma_start3A_362 = tpu.memref_squeeze %dma_start3A_361 : memref<1x!tpu.dma_semaphore, #tpu.memory_space<semaphore_mem>> -> memref<!tpu.dma_semaphore, #tpu.memory_space<semaphore_mem>>
    %dma_start3A_363 = arith.constant 160 : i32
    %dma_start3A_364 = arith.constant 0 : i32
    %dma_start3A_365 = tpu.memref_slice %arg5[%add3A_350, %dma_start3A_363, %dma_start3A_364] : memref<4096x200x128xf32, #tpu.memory_space<hbm>> -> memref<1x40x128xf32, #tpu.memory_space<hbm>>
    %dma_start3A_366 = tpu.memref_squeeze %dma_start3A_365 : memref<1x40x128xf32, #tpu.memory_space<hbm>> -> memref<40x128xf32, #tpu.memory_space<hbm>>
    %dma_start3A_367 = arith.constant 0 : i32
    %dma_start3A_368 = arith.constant 0 : i32
    %dma_start3A_369 = tpu.memref_slice %arg7[%dma_start3A_351, %dma_start3A_367, %dma_start3A_368] : memref<5x40x128xf32, #tpu.memory_space<vmem>> -> memref<1x40x128xf32, #tpu.memory_space<vmem>>
    %dma_start3A_370 = tpu.memref_squeeze %dma_start3A_369 : memref<1x40x128xf32, #tpu.memory_space<vmem>> -> memref<40x128xf32, #tpu.memory_space<vmem>>
    tpu.enqueue_dma source(%dma_start3A_370 : memref<40x128xf32, #tpu.memory_space<vmem>>) target(%dma_start3A_366 : memref<40x128xf32, #tpu.memory_space<hbm>>) target_semaphore(%dma_start3A_362 : memref<!tpu.dma_semaphore, #tpu.memory_space<semaphore_mem>>)
    %add3A_371 = arith.constant 0 : i32
    %add3A_372 = arith.addi %select_n3A, %add3A_371 : i32
    %dma_wait3A_373 = arith.constant 3 : i32
    %dma_wait3A_374 = arith.constant 3 : i32
    %dma_wait3A_375 = arith.constant 0 : i32
    %dma_wait3A_376 = arith.constant 0 : i32
    %dma_wait3A_377 = tpu.memref_slice %arg7[%dma_wait3A_373, %dma_wait3A_375, %dma_wait3A_376] : memref<5x40x128xf32, #tpu.memory_space<vmem>> -> memref<1x40x128xf32, #tpu.memory_space<vmem>>
    %dma_wait3A_378 = tpu.memref_squeeze %dma_wait3A_377 : memref<1x40x128xf32, #tpu.memory_space<vmem>> -> memref<40x128xf32, #tpu.memory_space<vmem>>
    %dma_wait3A_379 = arith.constant 120 : i32
    %dma_wait3A_380 = arith.constant 0 : i32
    %dma_wait3A_381 = tpu.memref_slice %arg5[%add3A_372, %dma_wait3A_379, %dma_wait3A_380] : memref<4096x200x128xf32, #tpu.memory_space<hbm>> -> memref<1x40x128xf32, #tpu.memory_space<hbm>>
    %dma_wait3A_382 = tpu.memref_squeeze %dma_wait3A_381 : memref<1x40x128xf32, #tpu.memory_space<hbm>> -> memref<40x128xf32, #tpu.memory_space<hbm>>
    %dma_wait3A_383 = tpu.memref_slice %arg10[%dma_wait3A_374] : memref<5x!tpu.dma_semaphore, #tpu.memory_space<semaphore_mem>> -> memref<1x!tpu.dma_semaphore, #tpu.memory_space<semaphore_mem>>
    %dma_wait3A_384 = tpu.memref_squeeze %dma_wait3A_383 : memref<1x!tpu.dma_semaphore, #tpu.memory_space<semaphore_mem>> -> memref<!tpu.dma_semaphore, #tpu.memory_space<semaphore_mem>>
    %dma_wait3A_385 = arith.constant 120 : i32
    %dma_wait3A_386 = arith.constant 0 : i32
    %dma_wait3A_387 = tpu.memref_slice %arg5[%add3A_372, %dma_wait3A_385, %dma_wait3A_386] : memref<4096x200x128xf32, #tpu.memory_space<hbm>> -> memref<1x40x128xf32, #tpu.memory_space<hbm>>
    %dma_wait3A_388 = tpu.memref_squeeze %dma_wait3A_387 : memref<1x40x128xf32, #tpu.memory_space<hbm>> -> memref<40x128xf32, #tpu.memory_space<hbm>>
    %dma_wait3A_389 = arith.constant 0 : i32
    %dma_wait3A_390 = arith.constant 0 : i32
    %dma_wait3A_391 = tpu.memref_slice %arg7[%dma_wait3A_373, %dma_wait3A_389, %dma_wait3A_390] : memref<5x40x128xf32, #tpu.memory_space<vmem>> -> memref<1x40x128xf32, #tpu.memory_space<vmem>>
    %dma_wait3A_392 = tpu.memref_squeeze %dma_wait3A_391 : memref<1x40x128xf32, #tpu.memory_space<vmem>> -> memref<40x128xf32, #tpu.memory_space<vmem>>
    tpu.wait_dma2 semaphore(%dma_wait3A_384 : memref<!tpu.dma_semaphore, #tpu.memory_space<semaphore_mem>>) src(%dma_wait3A_392 : memref<40x128xf32, #tpu.memory_space<vmem>>) dst(%dma_wait3A_388 : memref<40x128xf32, #tpu.memory_space<hbm>>)
    %run_scoped3A_393 = arith.constant 3 : i32
    "tpu.region"() ({
      %run_scoped3A_733 = tpu.sem_alloc : memref<!tpu.dma_semaphore, #tpu.memory_space<semaphore_mem>>
      %dma_start3A_734 = arith.constant 0 : i32
      %dma_start3A_735 = arith.constant 0 : i32
      %dma_start3A_736 = tpu.memref_slice %arg7[%run_scoped3A_393, %dma_start3A_734, %dma_start3A_735] : memref<5x40x128xf32, #tpu.memory_space<vmem>> -> memref<1x40x128xf32, #tpu.memory_space<vmem>>
      %dma_start3A_737 = tpu.memref_squeeze %dma_start3A_736 : memref<1x40x128xf32, #tpu.memory_space<vmem>> -> memref<40x128xf32, #tpu.memory_space<vmem>>
      %dma_start3A_738 = arith.constant 120 : i32
      %dma_start3A_739 = arith.constant 0 : i32
      %dma_start3A_740 = tpu.memref_slice %arg8[%dma_start3A_738, %dma_start3A_739] : memref<200x128xf32, #tpu.memory_space<vmem_shared>> -> memref<40x128xf32, #tpu.memory_space<vmem_shared>>
      %dma_start3A_741 = arith.constant 0 : i32
      %dma_start3A_742 = arith.constant 0 : i32
      %dma_start3A_743 = tpu.memref_slice %arg7[%run_scoped3A_393, %dma_start3A_741, %dma_start3A_742] : memref<5x40x128xf32, #tpu.memory_space<vmem>> -> memref<1x40x128xf32, #tpu.memory_space<vmem>>
      %dma_start3A_744 = tpu.memref_squeeze %dma_start3A_743 : memref<1x40x128xf32, #tpu.memory_space<vmem>> -> memref<40x128xf32, #tpu.memory_space<vmem>>
      %dma_start3A_745 = arith.constant 120 : i32
      %dma_start3A_746 = arith.constant 0 : i32
      %dma_start3A_747 = tpu.memref_slice %arg8[%dma_start3A_745, %dma_start3A_746] : memref<200x128xf32, #tpu.memory_space<vmem_shared>> -> memref<40x128xf32, #tpu.memory_space<vmem_shared>>
      tpu.enqueue_dma source(%dma_start3A_747 : memref<40x128xf32, #tpu.memory_space<vmem_shared>>) target(%dma_start3A_744 : memref<40x128xf32, #tpu.memory_space<vmem>>) target_semaphore(%run_scoped3A_733 : memref<!tpu.dma_semaphore, #tpu.memory_space<semaphore_mem>>)
      %dma_wait3A_748 = arith.constant 0 : i32
      %dma_wait3A_749 = arith.constant 0 : i32
      %dma_wait3A_750 = tpu.memref_slice %arg7[%run_scoped3A_393, %dma_wait3A_748, %dma_wait3A_749] : memref<5x40x128xf32, #tpu.memory_space<vmem>> -> memref<1x40x128xf32, #tpu.memory_space<vmem>>
      %dma_wait3A_751 = tpu.memref_squeeze %dma_wait3A_750 : memref<1x40x128xf32, #tpu.memory_space<vmem>> -> memref<40x128xf32, #tpu.memory_space<vmem>>
      %dma_wait3A_752 = arith.constant 120 : i32
      %dma_wait3A_753 = arith.constant 0 : i32
      %dma_wait3A_754 = tpu.memref_slice %arg8[%dma_wait3A_752, %dma_wait3A_753] : memref<200x128xf32, #tpu.memory_space<vmem_shared>> -> memref<40x128xf32, #tpu.memory_space<vmem_shared>>
      %dma_wait3A_755 = arith.constant 0 : i32
      %dma_wait3A_756 = arith.constant 0 : i32
      %dma_wait3A_757 = tpu.memref_slice %arg7[%run_scoped3A_393, %dma_wait3A_755, %dma_wait3A_756] : memref<5x40x128xf32, #tpu.memory_space<vmem>> -> memref<1x40x128xf32, #tpu.memory_space<vmem>>
      %dma_wait3A_758 = tpu.memref_squeeze %dma_wait3A_757 : memref<1x40x128xf32, #tpu.memory_space<vmem>> -> memref<40x128xf32, #tpu.memory_space<vmem>>
      %dma_wait3A_759 = arith.constant 120 : i32
      %dma_wait3A_760 = arith.constant 0 : i32
      %dma_wait3A_761 = tpu.memref_slice %arg8[%dma_wait3A_759, %dma_wait3A_760] : memref<200x128xf32, #tpu.memory_space<vmem_shared>> -> memref<40x128xf32, #tpu.memory_space<vmem_shared>>
      tpu.wait_dma2 semaphore(%run_scoped3A_733 : memref<!tpu.dma_semaphore, #tpu.memory_space<semaphore_mem>>) src(%dma_wait3A_761 : memref<40x128xf32, #tpu.memory_space<vmem_shared>>) dst(%dma_wait3A_758 : memref<40x128xf32, #tpu.memory_space<vmem>>)
      tpu.yield
    }) : () -> ()
    %dma_start3A_394 = arith.constant 3 : i32
    %dma_start3A_395 = arith.constant 3 : i32
    %dma_start3A_396 = arith.constant 0 : i32
    %dma_start3A_397 = arith.constant 0 : i32
    %dma_start3A_398 = tpu.memref_slice %arg7[%dma_start3A_394, %dma_start3A_396, %dma_start3A_397] : memref<5x40x128xf32, #tpu.memory_space<vmem>> -> memref<1x40x128xf32, #tpu.memory_space<vmem>>
    %dma_start3A_399 = tpu.memref_squeeze %dma_start3A_398 : memref<1x40x128xf32, #tpu.memory_space<vmem>> -> memref<40x128xf32, #tpu.memory_space<vmem>>
    %dma_start3A_400 = arith.constant 320 : i32
    %dma_start3A_401 = tpu.memref_slice %arg6[%dma_start3A_400] : memref<25600xi32, #tpu.memory_space<vmem>> -> memref<40xi32, #tpu.memory_space<vmem>>
    %dma_start3A_402 = arith.constant 0 : i32
    %dma_start3A_403 = arith.constant 0 : i32
    %dma_start3A_404 = tpu.memref_slice %arg3[%dma_start3A_402, %dma_start3A_403] : memref<1000000x128xf32, #tpu.memory_space<hbm>> -> memref<1000000x128xf32, #tpu.memory_space<hbm>>
    %dma_start3A_405 = tpu.memref_slice %arg9[%dma_start3A_395] : memref<5x!tpu.dma_semaphore, #tpu.memory_space<semaphore_mem>> -> memref<1x!tpu.dma_semaphore, #tpu.memory_space<semaphore_mem>>
    %dma_start3A_406 = tpu.memref_squeeze %dma_start3A_405 : memref<1x!tpu.dma_semaphore, #tpu.memory_space<semaphore_mem>> -> memref<!tpu.dma_semaphore, #tpu.memory_space<semaphore_mem>>
    tpu.enqueue_indirect_dma source(%dma_start3A_404 : memref<1000000x128xf32, #tpu.memory_space<hbm>>) target(%dma_start3A_399 : memref<40x128xf32, #tpu.memory_space<vmem>>) offsets(%dma_start3A_401 : memref<40xi32, #tpu.memory_space<vmem>>) semaphore(%dma_start3A_406 : memref<!tpu.dma_semaphore, #tpu.memory_space<semaphore_mem>>) {add = true}
    %scan3A = arith.constant 0 : i32
    %scan3A_407 = arith.constant 1 : i32
    %scan3A_408 = arith.constant 126 : i32
    %scan3A_409 = arith.addi %scan3A_407, %scan3A_408 : i32
    %scan3A_410 = arith.constant 1 : i32
    scf.for %scan3A_733 = %scan3A_407 to %scan3A_409 step %scan3A_410  : i32 {
      %mul3A_734 = arith.constant 5 : i32
      %mul3A_735 = arith.muli %scan3A_733, %mul3A_734 : i32
      %add3A_736 = arith.constant 0 : i32
      %add3A_737 = arith.addi %mul3A_735, %add3A_736 : i32
      %jit3A_738 = arith.constant 5 : i32
      %div3A_739 = arith.divsi %add3A_737, %jit3A_738 : i32
      %sign3A_740 = arith.constant 0 : i32
      %sign3A_741 = arith.cmpi sgt, %add3A_737, %sign3A_740 : i32
      %sign3A_742 = arith.extui %sign3A_741 : i1 to i32
      %sign3A_743 = arith.constant 0 : i32
      %sign3A_744 = arith.cmpi slt, %add3A_737, %sign3A_743 : i32
      %sign3A_745 = arith.extui %sign3A_744 : i1 to i32
      %sign3A_746 = arith.subi %sign3A_742, %sign3A_745 : i32
      %sign3A_747 = arith.constant 0 : i32
      %sign3A_748 = arith.cmpi sgt, %jit3A_738, %sign3A_747 : i32
      %sign3A_749 = arith.extui %sign3A_748 : i1 to i32
      %sign3A_750 = arith.constant 0 : i32
      %sign3A_751 = arith.cmpi slt, %jit3A_738, %sign3A_750 : i32
      %sign3A_752 = arith.extui %sign3A_751 : i1 to i32
      %sign3A_753 = arith.subi %sign3A_749, %sign3A_752 : i32
      %ne3A_754 = arith.cmpi ne, %sign3A_746, %sign3A_753 : i32
      %rem3A_755 = arith.remsi %add3A_737, %jit3A_738 : i32
      %ne3A_756 = arith.constant 0 : i32
      %ne3A_757 = arith.cmpi ne, %rem3A_755, %ne3A_756 : i32
      %and3A_758 = arith.andi %ne3A_754, %ne3A_757 : i1
      %sub3A_759 = arith.constant 1 : i32
      %sub3A_760 = arith.subi %div3A_739, %sub3A_759 : i32
      %select_n3A_761 = arith.select %and3A_758, %sub3A_760, %div3A_739 : i32
      %mul3A_762 = arith.constant 200 : i32
      %mul3A_763 = arith.muli %select_n3A_761, %mul3A_762 : i32
      %add3A_764 = arith.constant 0 : i32
      %add3A_765 = arith.addi %mul3A_763, %add3A_764 : i32
      %dma_wait3A_766 = arith.constant 0 : i32
      %dma_wait3A_767 = arith.constant 0 : i32
      %dma_wait3A_768 = arith.constant 0 : i32
      %dma_wait3A_769 = arith.constant 0 : i32
      %dma_wait3A_770 = tpu.memref_slice %arg7[%dma_wait3A_766, %dma_wait3A_768, %dma_wait3A_769] : memref<5x40x128xf32, #tpu.memory_space<vmem>> -> memref<1x40x128xf32, #tpu.memory_space<vmem>>
      %dma_wait3A_771 = tpu.memref_squeeze %dma_wait3A_770 : memref<1x40x128xf32, #tpu.memory_space<vmem>> -> memref<40x128xf32, #tpu.memory_space<vmem>>
      %dma_wait3A_772 = tpu.memref_slice %arg6[%add3A_765] : memref<25600xi32, #tpu.memory_space<vmem>> -> memref<40xi32, #tpu.memory_space<vmem>>
      %dma_wait3A_773 = arith.constant 0 : i32
      %dma_wait3A_774 = arith.constant 0 : i32
      %dma_wait3A_775 = tpu.memref_slice %arg3[%dma_wait3A_773, %dma_wait3A_774] : memref<1000000x128xf32, #tpu.memory_space<hbm>> -> memref<1000000x128xf32, #tpu.memory_space<hbm>>
      %dma_wait3A_776 = tpu.memref_slice %arg9[%dma_wait3A_767] : memref<5x!tpu.dma_semaphore, #tpu.memory_space<semaphore_mem>> -> memref<1x!tpu.dma_semaphore, #tpu.memory_space<semaphore_mem>>
      %dma_wait3A_777 = tpu.memref_squeeze %dma_wait3A_776 : memref<1x!tpu.dma_semaphore, #tpu.memory_space<semaphore_mem>> -> memref<!tpu.dma_semaphore, #tpu.memory_space<semaphore_mem>>
      tpu.wait_indirect_dma semaphore(%dma_wait3A_777 : memref<!tpu.dma_semaphore, #tpu.memory_space<semaphore_mem>>) src(%dma_wait3A_775 : memref<1000000x128xf32, #tpu.memory_space<hbm>>) dst(%dma_wait3A_771 : memref<40x128xf32, #tpu.memory_space<vmem>>)
      %jit3A_778 = arith.constant 5 : i32
      %div3A_779 = arith.divsi %add3A_737, %jit3A_778 : i32
      %sign3A_780 = arith.constant 0 : i32
      %sign3A_781 = arith.cmpi sgt, %add3A_737, %sign3A_780 : i32
      %sign3A_782 = arith.extui %sign3A_781 : i1 to i32
      %sign3A_783 = arith.constant 0 : i32
      %sign3A_784 = arith.cmpi slt, %add3A_737, %sign3A_783 : i32
      %sign3A_785 = arith.extui %sign3A_784 : i1 to i32
      %sign3A_786 = arith.subi %sign3A_782, %sign3A_785 : i32
      %sign3A_787 = arith.constant 0 : i32
      %sign3A_788 = arith.cmpi sgt, %jit3A_778, %sign3A_787 : i32
      %sign3A_789 = arith.extui %sign3A_788 : i1 to i32
      %sign3A_790 = arith.constant 0 : i32
      %sign3A_791 = arith.cmpi slt, %jit3A_778, %sign3A_790 : i32
      %sign3A_792 = arith.extui %sign3A_791 : i1 to i32
      %sign3A_793 = arith.subi %sign3A_789, %sign3A_792 : i32
      %ne3A_794 = arith.cmpi ne, %sign3A_786, %sign3A_793 : i32
      %rem3A_795 = arith.remsi %add3A_737, %jit3A_778 : i32
      %ne3A_796 = arith.constant 0 : i32
      %ne3A_797 = arith.cmpi ne, %rem3A_795, %ne3A_796 : i32
      %and3A_798 = arith.andi %ne3A_794, %ne3A_797 : i1
      %sub3A_799 = arith.constant 1 : i32
      %sub3A_800 = arith.subi %div3A_779, %sub3A_799 : i32
      %select_n3A_801 = arith.select %and3A_798, %sub3A_800, %div3A_779 : i32
      %add3A_802 = arith.addi %select_n3A, %select_n3A_801 : i32
      %dma_start3A_803 = arith.constant 0 : i32
      %dma_start3A_804 = arith.constant 0 : i32
      %dma_start3A_805 = arith.constant 0 : i32
      %dma_start3A_806 = arith.constant 0 : i32
      %dma_start3A_807 = tpu.memref_slice %arg7[%dma_start3A_803, %dma_start3A_805, %dma_start3A_806] : memref<5x40x128xf32, #tpu.memory_space<vmem>> -> memref<1x40x128xf32, #tpu.memory_space<vmem>>
      %dma_start3A_808 = tpu.memref_squeeze %dma_start3A_807 : memref<1x40x128xf32, #tpu.memory_space<vmem>> -> memref<40x128xf32, #tpu.memory_space<vmem>>
      %dma_start3A_809 = arith.constant 0 : i32
      %dma_start3A_810 = arith.constant 0 : i32
      %dma_start3A_811 = tpu.memref_slice %arg5[%add3A_802, %dma_start3A_809, %dma_start3A_810] : memref<4096x200x128xf32, #tpu.memory_space<hbm>> -> memref<1x40x128xf32, #tpu.memory_space<hbm>>
      %dma_start3A_812 = tpu.memref_squeeze %dma_start3A_811 : memref<1x40x128xf32, #tpu.memory_space<hbm>> -> memref<40x128xf32, #tpu.memory_space<hbm>>
      %dma_start3A_813 = tpu.memref_slice %arg10[%dma_start3A_804] : memref<5x!tpu.dma_semaphore, #tpu.memory_space<semaphore_mem>> -> memref<1x!tpu.dma_semaphore, #tpu.memory_space<semaphore_mem>>
      %dma_start3A_814 = tpu.memref_squeeze %dma_start3A_813 : memref<1x!tpu.dma_semaphore, #tpu.memory_space<semaphore_mem>> -> memref<!tpu.dma_semaphore, #tpu.memory_space<semaphore_mem>>
      %dma_start3A_815 = arith.constant 0 : i32
      %dma_start3A_816 = arith.constant 0 : i32
      %dma_start3A_817 = tpu.memref_slice %arg5[%add3A_802, %dma_start3A_815, %dma_start3A_816] : memref<4096x200x128xf32, #tpu.memory_space<hbm>> -> memref<1x40x128xf32, #tpu.memory_space<hbm>>
      %dma_start3A_818 = tpu.memref_squeeze %dma_start3A_817 : memref<1x40x128xf32, #tpu.memory_space<hbm>> -> memref<40x128xf32, #tpu.memory_space<hbm>>
      %dma_start3A_819 = arith.constant 0 : i32
      %dma_start3A_820 = arith.constant 0 : i32
      %dma_start3A_821 = tpu.memref_slice %arg7[%dma_start3A_803, %dma_start3A_819, %dma_start3A_820] : memref<5x40x128xf32, #tpu.memory_space<vmem>> -> memref<1x40x128xf32, #tpu.memory_space<vmem>>
      %dma_start3A_822 = tpu.memref_squeeze %dma_start3A_821 : memref<1x40x128xf32, #tpu.memory_space<vmem>> -> memref<40x128xf32, #tpu.memory_space<vmem>>
      tpu.enqueue_dma source(%dma_start3A_822 : memref<40x128xf32, #tpu.memory_space<vmem>>) target(%dma_start3A_818 : memref<40x128xf32, #tpu.memory_space<hbm>>) target_semaphore(%dma_start3A_814 : memref<!tpu.dma_semaphore, #tpu.memory_space<semaphore_mem>>)
      %add3A_823 = arith.constant 5 : i32
      %add3A_824 = arith.addi %add3A_737, %add3A_823 : i32
      %sub3A_825 = arith.constant 1 : i32
      %sub3A_826 = arith.subi %add3A_824, %sub3A_825 : i32
      %sub3A_827 = arith.constant 1 : i32
      %sub3A_828 = arith.subi %add3A_737, %sub3A_827 : i32
      %jit3A_829 = arith.constant 5 : i32
      %div3A_830 = arith.divsi %sub3A_828, %jit3A_829 : i32
      %sign3A_831 = arith.constant 0 : i32
      %sign3A_832 = arith.cmpi sgt, %sub3A_828, %sign3A_831 : i32
      %sign3A_833 = arith.extui %sign3A_832 : i1 to i32
      %sign3A_834 = arith.constant 0 : i32
      %sign3A_835 = arith.cmpi slt, %sub3A_828, %sign3A_834 : i32
      %sign3A_836 = arith.extui %sign3A_835 : i1 to i32
      %sign3A_837 = arith.subi %sign3A_833, %sign3A_836 : i32
      %sign3A_838 = arith.constant 0 : i32
      %sign3A_839 = arith.cmpi sgt, %jit3A_829, %sign3A_838 : i32
      %sign3A_840 = arith.extui %sign3A_839 : i1 to i32
      %sign3A_841 = arith.constant 0 : i32
      %sign3A_842 = arith.cmpi slt, %jit3A_829, %sign3A_841 : i32
      %sign3A_843 = arith.extui %sign3A_842 : i1 to i32
      %sign3A_844 = arith.subi %sign3A_840, %sign3A_843 : i32
      %ne3A_845 = arith.cmpi ne, %sign3A_837, %sign3A_844 : i32
      %rem3A_846 = arith.remsi %sub3A_828, %jit3A_829 : i32
      %ne3A_847 = arith.constant 0 : i32
      %ne3A_848 = arith.cmpi ne, %rem3A_846, %ne3A_847 : i32
      %and3A_849 = arith.andi %ne3A_845, %ne3A_848 : i1
      %sub3A_850 = arith.constant 1 : i32
      %sub3A_851 = arith.subi %div3A_830, %sub3A_850 : i32
      %select_n3A_852 = arith.select %and3A_849, %sub3A_851, %div3A_830 : i32
      %add3A_853 = arith.addi %select_n3A, %select_n3A_852 : i32
      %dma_wait3A_854 = arith.constant 4 : i32
      %dma_wait3A_855 = arith.constant 4 : i32
      %dma_wait3A_856 = arith.constant 0 : i32
      %dma_wait3A_857 = arith.constant 0 : i32
      %dma_wait3A_858 = tpu.memref_slice %arg7[%dma_wait3A_854, %dma_wait3A_856, %dma_wait3A_857] : memref<5x40x128xf32, #tpu.memory_space<vmem>> -> memref<1x40x128xf32, #tpu.memory_space<vmem>>
      %dma_wait3A_859 = tpu.memref_squeeze %dma_wait3A_858 : memref<1x40x128xf32, #tpu.memory_space<vmem>> -> memref<40x128xf32, #tpu.memory_space<vmem>>
      %dma_wait3A_860 = arith.constant 160 : i32
      %dma_wait3A_861 = arith.constant 0 : i32
      %dma_wait3A_862 = tpu.memref_slice %arg5[%add3A_853, %dma_wait3A_860, %dma_wait3A_861] : memref<4096x200x128xf32, #tpu.memory_space<hbm>> -> memref<1x40x128xf32, #tpu.memory_space<hbm>>
      %dma_wait3A_863 = tpu.memref_squeeze %dma_wait3A_862 : memref<1x40x128xf32, #tpu.memory_space<hbm>> -> memref<40x128xf32, #tpu.memory_space<hbm>>
      %dma_wait3A_864 = tpu.memref_slice %arg10[%dma_wait3A_855] : memref<5x!tpu.dma_semaphore, #tpu.memory_space<semaphore_mem>> -> memref<1x!tpu.dma_semaphore, #tpu.memory_space<semaphore_mem>>
      %dma_wait3A_865 = tpu.memref_squeeze %dma_wait3A_864 : memref<1x!tpu.dma_semaphore, #tpu.memory_space<semaphore_mem>> -> memref<!tpu.dma_semaphore, #tpu.memory_space<semaphore_mem>>
      %dma_wait3A_866 = arith.constant 160 : i32
      %dma_wait3A_867 = arith.constant 0 : i32
      %dma_wait3A_868 = tpu.memref_slice %arg5[%add3A_853, %dma_wait3A_866, %dma_wait3A_867] : memref<4096x200x128xf32, #tpu.memory_space<hbm>> -> memref<1x40x128xf32, #tpu.memory_space<hbm>>
      %dma_wait3A_869 = tpu.memref_squeeze %dma_wait3A_868 : memref<1x40x128xf32, #tpu.memory_space<hbm>> -> memref<40x128xf32, #tpu.memory_space<hbm>>
      %dma_wait3A_870 = arith.constant 0 : i32
      %dma_wait3A_871 = arith.constant 0 : i32
      %dma_wait3A_872 = tpu.memref_slice %arg7[%dma_wait3A_854, %dma_wait3A_870, %dma_wait3A_871] : memref<5x40x128xf32, #tpu.memory_space<vmem>> -> memref<1x40x128xf32, #tpu.memory_space<vmem>>
      %dma_wait3A_873 = tpu.memref_squeeze %dma_wait3A_872 : memref<1x40x128xf32, #tpu.memory_space<vmem>> -> memref<40x128xf32, #tpu.memory_space<vmem>>
      tpu.wait_dma2 semaphore(%dma_wait3A_865 : memref<!tpu.dma_semaphore, #tpu.memory_space<semaphore_mem>>) src(%dma_wait3A_873 : memref<40x128xf32, #tpu.memory_space<vmem>>) dst(%dma_wait3A_869 : memref<40x128xf32, #tpu.memory_space<hbm>>)
      %jit3A_874 = arith.constant 5 : i32
      %div3A_875 = arith.divsi %sub3A_826, %jit3A_874 : i32
      %sign3A_876 = arith.constant 0 : i32
      %sign3A_877 = arith.cmpi sgt, %sub3A_826, %sign3A_876 : i32
      %sign3A_878 = arith.extui %sign3A_877 : i1 to i32
      %sign3A_879 = arith.constant 0 : i32
      %sign3A_880 = arith.cmpi slt, %sub3A_826, %sign3A_879 : i32
      %sign3A_881 = arith.extui %sign3A_880 : i1 to i32
      %sign3A_882 = arith.subi %sign3A_878, %sign3A_881 : i32
      %sign3A_883 = arith.constant 0 : i32
      %sign3A_884 = arith.cmpi sgt, %jit3A_874, %sign3A_883 : i32
      %sign3A_885 = arith.extui %sign3A_884 : i1 to i32
      %sign3A_886 = arith.constant 0 : i32
      %sign3A_887 = arith.cmpi slt, %jit3A_874, %sign3A_886 : i32
      %sign3A_888 = arith.extui %sign3A_887 : i1 to i32
      %sign3A_889 = arith.subi %sign3A_885, %sign3A_888 : i32
      %ne3A_890 = arith.cmpi ne, %sign3A_882, %sign3A_889 : i32
      %rem3A_891 = arith.remsi %sub3A_826, %jit3A_874 : i32
      %ne3A_892 = arith.constant 0 : i32
      %ne3A_893 = arith.cmpi ne, %rem3A_891, %ne3A_892 : i32
      %and3A_894 = arith.andi %ne3A_890, %ne3A_893 : i1
      %sub3A_895 = arith.constant 1 : i32
      %sub3A_896 = arith.subi %div3A_875, %sub3A_895 : i32
      %select_n3A_897 = arith.select %and3A_894, %sub3A_896, %div3A_875 : i32
      %run_scoped3A_898 = arith.constant 4 : i32
      "tpu.region"() ({
        %run_scoped3A_1639 = tpu.sem_alloc : memref<!tpu.dma_semaphore, #tpu.memory_space<semaphore_mem>>
        %dma_start3A_1640 = arith.constant 0 : i32
        %dma_start3A_1641 = arith.constant 0 : i32
        %dma_start3A_1642 = tpu.memref_slice %arg7[%run_scoped3A_898, %dma_start3A_1640, %dma_start3A_1641] : memref<5x40x128xf32, #tpu.memory_space<vmem>> -> memref<1x40x128xf32, #tpu.memory_space<vmem>>
        %dma_start3A_1643 = tpu.memref_squeeze %dma_start3A_1642 : memref<1x40x128xf32, #tpu.memory_space<vmem>> -> memref<40x128xf32, #tpu.memory_space<vmem>>
        %dma_start3A_1644 = arith.constant 160 : i32
        %dma_start3A_1645 = arith.constant 0 : i32
        %dma_start3A_1646 = tpu.memref_slice %arg8[%dma_start3A_1644, %dma_start3A_1645] : memref<200x128xf32, #tpu.memory_space<vmem_shared>> -> memref<40x128xf32, #tpu.memory_space<vmem_shared>>
        %dma_start3A_1647 = arith.constant 0 : i32
        %dma_start3A_1648 = arith.constant 0 : i32
        %dma_start3A_1649 = tpu.memref_slice %arg7[%run_scoped3A_898, %dma_start3A_1647, %dma_start3A_1648] : memref<5x40x128xf32, #tpu.memory_space<vmem>> -> memref<1x40x128xf32, #tpu.memory_space<vmem>>
        %dma_start3A_1650 = tpu.memref_squeeze %dma_start3A_1649 : memref<1x40x128xf32, #tpu.memory_space<vmem>> -> memref<40x128xf32, #tpu.memory_space<vmem>>
        %dma_start3A_1651 = arith.constant 160 : i32
        %dma_start3A_1652 = arith.constant 0 : i32
        %dma_start3A_1653 = tpu.memref_slice %arg8[%dma_start3A_1651, %dma_start3A_1652] : memref<200x128xf32, #tpu.memory_space<vmem_shared>> -> memref<40x128xf32, #tpu.memory_space<vmem_shared>>
        tpu.enqueue_dma source(%dma_start3A_1653 : memref<40x128xf32, #tpu.memory_space<vmem_shared>>) target(%dma_start3A_1650 : memref<40x128xf32, #tpu.memory_space<vmem>>) target_semaphore(%run_scoped3A_1639 : memref<!tpu.dma_semaphore, #tpu.memory_space<semaphore_mem>>)
        %dma_wait3A_1654 = arith.constant 0 : i32
        %dma_wait3A_1655 = arith.constant 0 : i32
        %dma_wait3A_1656 = tpu.memref_slice %arg7[%run_scoped3A_898, %dma_wait3A_1654, %dma_wait3A_1655] : memref<5x40x128xf32, #tpu.memory_space<vmem>> -> memref<1x40x128xf32, #tpu.memory_space<vmem>>
        %dma_wait3A_1657 = tpu.memref_squeeze %dma_wait3A_1656 : memref<1x40x128xf32, #tpu.memory_space<vmem>> -> memref<40x128xf32, #tpu.memory_space<vmem>>
        %dma_wait3A_1658 = arith.constant 160 : i32
        %dma_wait3A_1659 = arith.constant 0 : i32
        %dma_wait3A_1660 = tpu.memref_slice %arg8[%dma_wait3A_1658, %dma_wait3A_1659] : memref<200x128xf32, #tpu.memory_space<vmem_shared>> -> memref<40x128xf32, #tpu.memory_space<vmem_shared>>
        %dma_wait3A_1661 = arith.constant 0 : i32
        %dma_wait3A_1662 = arith.constant 0 : i32
        %dma_wait3A_1663 = tpu.memref_slice %arg7[%run_scoped3A_898, %dma_wait3A_1661, %dma_wait3A_1662] : memref<5x40x128xf32, #tpu.memory_space<vmem>> -> memref<1x40x128xf32, #tpu.memory_space<vmem>>
        %dma_wait3A_1664 = tpu.memref_squeeze %dma_wait3A_1663 : memref<1x40x128xf32, #tpu.memory_space<vmem>> -> memref<40x128xf32, #tpu.memory_space<vmem>>
        %dma_wait3A_1665 = arith.constant 160 : i32
        %dma_wait3A_1666 = arith.constant 0 : i32
        %dma_wait3A_1667 = tpu.memref_slice %arg8[%dma_wait3A_1665, %dma_wait3A_1666] : memref<200x128xf32, #tpu.memory_space<vmem_shared>> -> memref<40x128xf32, #tpu.memory_space<vmem_shared>>
        tpu.wait_dma2 semaphore(%run_scoped3A_1639 : memref<!tpu.dma_semaphore, #tpu.memory_space<semaphore_mem>>) src(%dma_wait3A_1667 : memref<40x128xf32, #tpu.memory_space<vmem_shared>>) dst(%dma_wait3A_1664 : memref<40x128xf32, #tpu.memory_space<vmem>>)
        tpu.yield
      }) : () -> ()
      %mul3A_899 = arith.constant 200 : i32
      %mul3A_900 = arith.muli %select_n3A_897, %mul3A_899 : i32
      %add3A_901 = arith.constant 160 : i32
      %add3A_902 = arith.addi %mul3A_900, %add3A_901 : i32
      %dma_start3A_903 = arith.constant 4 : i32
      %dma_start3A_904 = arith.constant 4 : i32
      %dma_start3A_905 = arith.constant 0 : i32
      %dma_start3A_906 = arith.constant 0 : i32
      %dma_start3A_907 = tpu.memref_slice %arg7[%dma_start3A_903, %dma_start3A_905, %dma_start3A_906] : memref<5x40x128xf32, #tpu.memory_space<vmem>> -> memref<1x40x128xf32, #tpu.memory_space<vmem>>
      %dma_start3A_908 = tpu.memref_squeeze %dma_start3A_907 : memref<1x40x128xf32, #tpu.memory_space<vmem>> -> memref<40x128xf32, #tpu.memory_space<vmem>>
      %dma_start3A_909 = tpu.memref_slice %arg6[%add3A_902] : memref<25600xi32, #tpu.memory_space<vmem>> -> memref<40xi32, #tpu.memory_space<vmem>>
      %dma_start3A_910 = arith.constant 0 : i32
      %dma_start3A_911 = arith.constant 0 : i32
      %dma_start3A_912 = tpu.memref_slice %arg3[%dma_start3A_910, %dma_start3A_911] : memref<1000000x128xf32, #tpu.memory_space<hbm>> -> memref<1000000x128xf32, #tpu.memory_space<hbm>>
      %dma_start3A_913 = tpu.memref_slice %arg9[%dma_start3A_904] : memref<5x!tpu.dma_semaphore, #tpu.memory_space<semaphore_mem>> -> memref<1x!tpu.dma_semaphore, #tpu.memory_space<semaphore_mem>>
      %dma_start3A_914 = tpu.memref_squeeze %dma_start3A_913 : memref<1x!tpu.dma_semaphore, #tpu.memory_space<semaphore_mem>> -> memref<!tpu.dma_semaphore, #tpu.memory_space<semaphore_mem>>
      tpu.enqueue_indirect_dma source(%dma_start3A_912 : memref<1000000x128xf32, #tpu.memory_space<hbm>>) target(%dma_start3A_908 : memref<40x128xf32, #tpu.memory_space<vmem>>) offsets(%dma_start3A_909 : memref<40xi32, #tpu.memory_space<vmem>>) semaphore(%dma_start3A_914 : memref<!tpu.dma_semaphore, #tpu.memory_space<semaphore_mem>>) {add = true}
      %mul3A_915 = arith.constant 5 : i32
      %mul3A_916 = arith.muli %scan3A_733, %mul3A_915 : i32
      %add3A_917 = arith.constant 1 : i32
      %add3A_918 = arith.addi %mul3A_916, %add3A_917 : i32
      %jit3A_919 = arith.constant 5 : i32
      %div3A_920 = arith.divsi %add3A_918, %jit3A_919 : i32
      %sign3A_921 = arith.constant 0 : i32
      %sign3A_922 = arith.cmpi sgt, %add3A_918, %sign3A_921 : i32
      %sign3A_923 = arith.extui %sign3A_922 : i1 to i32
      %sign3A_924 = arith.constant 0 : i32
      %sign3A_925 = arith.cmpi slt, %add3A_918, %sign3A_924 : i32
      %sign3A_926 = arith.extui %sign3A_925 : i1 to i32
      %sign3A_927 = arith.subi %sign3A_923, %sign3A_926 : i32
      %sign3A_928 = arith.constant 0 : i32
      %sign3A_929 = arith.cmpi sgt, %jit3A_919, %sign3A_928 : i32
      %sign3A_930 = arith.extui %sign3A_929 : i1 to i32
      %sign3A_931 = arith.constant 0 : i32
      %sign3A_932 = arith.cmpi slt, %jit3A_919, %sign3A_931 : i32
      %sign3A_933 = arith.extui %sign3A_932 : i1 to i32
      %sign3A_934 = arith.subi %sign3A_930, %sign3A_933 : i32
      %ne3A_935 = arith.cmpi ne, %sign3A_927, %sign3A_934 : i32
      %rem3A_936 = arith.remsi %add3A_918, %jit3A_919 : i32
      %ne3A_937 = arith.constant 0 : i32
      %ne3A_938 = arith.cmpi ne, %rem3A_936, %ne3A_937 : i32
      %and3A_939 = arith.andi %ne3A_935, %ne3A_938 : i1
      %sub3A_940 = arith.constant 1 : i32
      %sub3A_941 = arith.subi %div3A_920, %sub3A_940 : i32
      %select_n3A_942 = arith.select %and3A_939, %sub3A_941, %div3A_920 : i32
      %mul3A_943 = arith.constant 200 : i32
      %mul3A_944 = arith.muli %select_n3A_942, %mul3A_943 : i32
      %add3A_945 = arith.constant 40 : i32
      %add3A_946 = arith.addi %mul3A_944, %add3A_945 : i32
      %dma_wait3A_947 = arith.constant 1 : i32
      %dma_wait3A_948 = arith.constant 1 : i32
      %dma_wait3A_949 = arith.constant 0 : i32
      %dma_wait3A_950 = arith.constant 0 : i32
      %dma_wait3A_951 = tpu.memref_slice %arg7[%dma_wait3A_947, %dma_wait3A_949, %dma_wait3A_950] : memref<5x40x128xf32, #tpu.memory_space<vmem>> -> memref<1x40x128xf32, #tpu.memory_space<vmem>>
      %dma_wait3A_952 = tpu.memref_squeeze %dma_wait3A_951 : memref<1x40x128xf32, #tpu.memory_space<vmem>> -> memref<40x128xf32, #tpu.memory_space<vmem>>
      %dma_wait3A_953 = tpu.memref_slice %arg6[%add3A_946] : memref<25600xi32, #tpu.memory_space<vmem>> -> memref<40xi32, #tpu.memory_space<vmem>>
      %dma_wait3A_954 = arith.constant 0 : i32
      %dma_wait3A_955 = arith.constant 0 : i32
      %dma_wait3A_956 = tpu.memref_slice %arg3[%dma_wait3A_954, %dma_wait3A_955] : memref<1000000x128xf32, #tpu.memory_space<hbm>> -> memref<1000000x128xf32, #tpu.memory_space<hbm>>
      %dma_wait3A_957 = tpu.memref_slice %arg9[%dma_wait3A_948] : memref<5x!tpu.dma_semaphore, #tpu.memory_space<semaphore_mem>> -> memref<1x!tpu.dma_semaphore, #tpu.memory_space<semaphore_mem>>
      %dma_wait3A_958 = tpu.memref_squeeze %dma_wait3A_957 : memref<1x!tpu.dma_semaphore, #tpu.memory_space<semaphore_mem>> -> memref<!tpu.dma_semaphore, #tpu.memory_space<semaphore_mem>>
      tpu.wait_indirect_dma semaphore(%dma_wait3A_958 : memref<!tpu.dma_semaphore, #tpu.memory_space<semaphore_mem>>) src(%dma_wait3A_956 : memref<1000000x128xf32, #tpu.memory_space<hbm>>) dst(%dma_wait3A_952 : memref<40x128xf32, #tpu.memory_space<vmem>>)
      %jit3A_959 = arith.constant 5 : i32
      %div3A_960 = arith.divsi %add3A_918, %jit3A_959 : i32
      %sign3A_961 = arith.constant 0 : i32
      %sign3A_962 = arith.cmpi sgt, %add3A_918, %sign3A_961 : i32
      %sign3A_963 = arith.extui %sign3A_962 : i1 to i32
      %sign3A_964 = arith.constant 0 : i32
      %sign3A_965 = arith.cmpi slt, %add3A_918, %sign3A_964 : i32
      %sign3A_966 = arith.extui %sign3A_965 : i1 to i32
      %sign3A_967 = arith.subi %sign3A_963, %sign3A_966 : i32
      %sign3A_968 = arith.constant 0 : i32
      %sign3A_969 = arith.cmpi sgt, %jit3A_959, %sign3A_968 : i32
      %sign3A_970 = arith.extui %sign3A_969 : i1 to i32
      %sign3A_971 = arith.constant 0 : i32
      %sign3A_972 = arith.cmpi slt, %jit3A_959, %sign3A_971 : i32
      %sign3A_973 = arith.extui %sign3A_972 : i1 to i32
      %sign3A_974 = arith.subi %sign3A_970, %sign3A_973 : i32
      %ne3A_975 = arith.cmpi ne, %sign3A_967, %sign3A_974 : i32
      %rem3A_976 = arith.remsi %add3A_918, %jit3A_959 : i32
      %ne3A_977 = arith.constant 0 : i32
      %ne3A_978 = arith.cmpi ne, %rem3A_976, %ne3A_977 : i32
      %and3A_979 = arith.andi %ne3A_975, %ne3A_978 : i1
      %sub3A_980 = arith.constant 1 : i32
      %sub3A_981 = arith.subi %div3A_960, %sub3A_980 : i32
      %select_n3A_982 = arith.select %and3A_979, %sub3A_981, %div3A_960 : i32
      %add3A_983 = arith.addi %select_n3A, %select_n3A_982 : i32
      %dma_start3A_984 = arith.constant 1 : i32
      %dma_start3A_985 = arith.constant 1 : i32
      %dma_start3A_986 = arith.constant 0 : i32
      %dma_start3A_987 = arith.constant 0 : i32
      %dma_start3A_988 = tpu.memref_slice %arg7[%dma_start3A_984, %dma_start3A_986, %dma_start3A_987] : memref<5x40x128xf32, #tpu.memory_space<vmem>> -> memref<1x40x128xf32, #tpu.memory_space<vmem>>
      %dma_start3A_989 = tpu.memref_squeeze %dma_start3A_988 : memref<1x40x128xf32, #tpu.memory_space<vmem>> -> memref<40x128xf32, #tpu.memory_space<vmem>>
      %dma_start3A_990 = arith.constant 40 : i32
      %dma_start3A_991 = arith.constant 0 : i32
      %dma_start3A_992 = tpu.memref_slice %arg5[%add3A_983, %dma_start3A_990, %dma_start3A_991] : memref<4096x200x128xf32, #tpu.memory_space<hbm>> -> memref<1x40x128xf32, #tpu.memory_space<hbm>>
      %dma_start3A_993 = tpu.memref_squeeze %dma_start3A_992 : memref<1x40x128xf32, #tpu.memory_space<hbm>> -> memref<40x128xf32, #tpu.memory_space<hbm>>
      %dma_start3A_994 = tpu.memref_slice %arg10[%dma_start3A_985] : memref<5x!tpu.dma_semaphore, #tpu.memory_space<semaphore_mem>> -> memref<1x!tpu.dma_semaphore, #tpu.memory_space<semaphore_mem>>
      %dma_start3A_995 = tpu.memref_squeeze %dma_start3A_994 : memref<1x!tpu.dma_semaphore, #tpu.memory_space<semaphore_mem>> -> memref<!tpu.dma_semaphore, #tpu.memory_space<semaphore_mem>>
      %dma_start3A_996 = arith.constant 40 : i32
      %dma_start3A_997 = arith.constant 0 : i32
      %dma_start3A_998 = tpu.memref_slice %arg5[%add3A_983, %dma_start3A_996, %dma_start3A_997] : memref<4096x200x128xf32, #tpu.memory_space<hbm>> -> memref<1x40x128xf32, #tpu.memory_space<hbm>>
      %dma_start3A_999 = tpu.memref_squeeze %dma_start3A_998 : memref<1x40x128xf32, #tpu.memory_space<hbm>> -> memref<40x128xf32, #tpu.memory_space<hbm>>
      %dma_start3A_1000 = arith.constant 0 : i32
      %dma_start3A_1001 = arith.constant 0 : i32
      %dma_start3A_1002 = tpu.memref_slice %arg7[%dma_start3A_984, %dma_start3A_1000, %dma_start3A_1001] : memref<5x40x128xf32, #tpu.memory_space<vmem>> -> memref<1x40x128xf32, #tpu.memory_space<vmem>>
      %dma_start3A_1003 = tpu.memref_squeeze %dma_start3A_1002 : memref<1x40x128xf32, #tpu.memory_space<vmem>> -> memref<40x128xf32, #tpu.memory_space<vmem>>
      tpu.enqueue_dma source(%dma_start3A_1003 : memref<40x128xf32, #tpu.memory_space<vmem>>) target(%dma_start3A_999 : memref<40x128xf32, #tpu.memory_space<hbm>>) target_semaphore(%dma_start3A_995 : memref<!tpu.dma_semaphore, #tpu.memory_space<semaphore_mem>>)
      %add3A_1004 = arith.constant 5 : i32
      %add3A_1005 = arith.addi %add3A_918, %add3A_1004 : i32
      %sub3A_1006 = arith.constant 1 : i32
      %sub3A_1007 = arith.subi %add3A_1005, %sub3A_1006 : i32
      %sub3A_1008 = arith.constant 1 : i32
      %sub3A_1009 = arith.subi %add3A_918, %sub3A_1008 : i32
      %jit3A_1010 = arith.constant 5 : i32
      %div3A_1011 = arith.divsi %sub3A_1009, %jit3A_1010 : i32
      %sign3A_1012 = arith.constant 0 : i32
      %sign3A_1013 = arith.cmpi sgt, %sub3A_1009, %sign3A_1012 : i32
      %sign3A_1014 = arith.extui %sign3A_1013 : i1 to i32
      %sign3A_1015 = arith.constant 0 : i32
      %sign3A_1016 = arith.cmpi slt, %sub3A_1009, %sign3A_1015 : i32
      %sign3A_1017 = arith.extui %sign3A_1016 : i1 to i32
      %sign3A_1018 = arith.subi %sign3A_1014, %sign3A_1017 : i32
      %sign3A_1019 = arith.constant 0 : i32
      %sign3A_1020 = arith.cmpi sgt, %jit3A_1010, %sign3A_1019 : i32
      %sign3A_1021 = arith.extui %sign3A_1020 : i1 to i32
      %sign3A_1022 = arith.constant 0 : i32
      %sign3A_1023 = arith.cmpi slt, %jit3A_1010, %sign3A_1022 : i32
      %sign3A_1024 = arith.extui %sign3A_1023 : i1 to i32
      %sign3A_1025 = arith.subi %sign3A_1021, %sign3A_1024 : i32
      %ne3A_1026 = arith.cmpi ne, %sign3A_1018, %sign3A_1025 : i32
      %rem3A_1027 = arith.remsi %sub3A_1009, %jit3A_1010 : i32
      %ne3A_1028 = arith.constant 0 : i32
      %ne3A_1029 = arith.cmpi ne, %rem3A_1027, %ne3A_1028 : i32
      %and3A_1030 = arith.andi %ne3A_1026, %ne3A_1029 : i1
      %sub3A_1031 = arith.constant 1 : i32
      %sub3A_1032 = arith.subi %div3A_1011, %sub3A_1031 : i32
      %select_n3A_1033 = arith.select %and3A_1030, %sub3A_1032, %div3A_1011 : i32
      %add3A_1034 = arith.addi %select_n3A, %select_n3A_1033 : i32
      %dma_wait3A_1035 = arith.constant 0 : i32
      %dma_wait3A_1036 = arith.constant 0 : i32
      %dma_wait3A_1037 = arith.constant 0 : i32
      %dma_wait3A_1038 = arith.constant 0 : i32
      %dma_wait3A_1039 = tpu.memref_slice %arg7[%dma_wait3A_1035, %dma_wait3A_1037, %dma_wait3A_1038] : memref<5x40x128xf32, #tpu.memory_space<vmem>> -> memref<1x40x128xf32, #tpu.memory_space<vmem>>
      %dma_wait3A_1040 = tpu.memref_squeeze %dma_wait3A_1039 : memref<1x40x128xf32, #tpu.memory_space<vmem>> -> memref<40x128xf32, #tpu.memory_space<vmem>>
      %dma_wait3A_1041 = arith.constant 0 : i32
      %dma_wait3A_1042 = arith.constant 0 : i32
      %dma_wait3A_1043 = tpu.memref_slice %arg5[%add3A_1034, %dma_wait3A_1041, %dma_wait3A_1042] : memref<4096x200x128xf32, #tpu.memory_space<hbm>> -> memref<1x40x128xf32, #tpu.memory_space<hbm>>
      %dma_wait3A_1044 = tpu.memref_squeeze %dma_wait3A_1043 : memref<1x40x128xf32, #tpu.memory_space<hbm>> -> memref<40x128xf32, #tpu.memory_space<hbm>>
      %dma_wait3A_1045 = tpu.memref_slice %arg10[%dma_wait3A_1036] : memref<5x!tpu.dma_semaphore, #tpu.memory_space<semaphore_mem>> -> memref<1x!tpu.dma_semaphore, #tpu.memory_space<semaphore_mem>>
      %dma_wait3A_1046 = tpu.memref_squeeze %dma_wait3A_1045 : memref<1x!tpu.dma_semaphore, #tpu.memory_space<semaphore_mem>> -> memref<!tpu.dma_semaphore, #tpu.memory_space<semaphore_mem>>
      %dma_wait3A_1047 = arith.constant 0 : i32
      %dma_wait3A_1048 = arith.constant 0 : i32
      %dma_wait3A_1049 = tpu.memref_slice %arg5[%add3A_1034, %dma_wait3A_1047, %dma_wait3A_1048] : memref<4096x200x128xf32, #tpu.memory_space<hbm>> -> memref<1x40x128xf32, #tpu.memory_space<hbm>>
      %dma_wait3A_1050 = tpu.memref_squeeze %dma_wait3A_1049 : memref<1x40x128xf32, #tpu.memory_space<hbm>> -> memref<40x128xf32, #tpu.memory_space<hbm>>
      %dma_wait3A_1051 = arith.constant 0 : i32
      %dma_wait3A_1052 = arith.constant 0 : i32
      %dma_wait3A_1053 = tpu.memref_slice %arg7[%dma_wait3A_1035, %dma_wait3A_1051, %dma_wait3A_1052] : memref<5x40x128xf32, #tpu.memory_space<vmem>> -> memref<1x40x128xf32, #tpu.memory_space<vmem>>
      %dma_wait3A_1054 = tpu.memref_squeeze %dma_wait3A_1053 : memref<1x40x128xf32, #tpu.memory_space<vmem>> -> memref<40x128xf32, #tpu.memory_space<vmem>>
      tpu.wait_dma2 semaphore(%dma_wait3A_1046 : memref<!tpu.dma_semaphore, #tpu.memory_space<semaphore_mem>>) src(%dma_wait3A_1054 : memref<40x128xf32, #tpu.memory_space<vmem>>) dst(%dma_wait3A_1050 : memref<40x128xf32, #tpu.memory_space<hbm>>)
      %jit3A_1055 = arith.constant 5 : i32
      %div3A_1056 = arith.divsi %sub3A_1007, %jit3A_1055 : i32
      %sign3A_1057 = arith.constant 0 : i32
      %sign3A_1058 = arith.cmpi sgt, %sub3A_1007, %sign3A_1057 : i32
      %sign3A_1059 = arith.extui %sign3A_1058 : i1 to i32
      %sign3A_1060 = arith.constant 0 : i32
      %sign3A_1061 = arith.cmpi slt, %sub3A_1007, %sign3A_1060 : i32
      %sign3A_1062 = arith.extui %sign3A_1061 : i1 to i32
      %sign3A_1063 = arith.subi %sign3A_1059, %sign3A_1062 : i32
      %sign3A_1064 = arith.constant 0 : i32
      %sign3A_1065 = arith.cmpi sgt, %jit3A_1055, %sign3A_1064 : i32
      %sign3A_1066 = arith.extui %sign3A_1065 : i1 to i32
      %sign3A_1067 = arith.constant 0 : i32
      %sign3A_1068 = arith.cmpi slt, %jit3A_1055, %sign3A_1067 : i32
      %sign3A_1069 = arith.extui %sign3A_1068 : i1 to i32
      %sign3A_1070 = arith.subi %sign3A_1066, %sign3A_1069 : i32
      %ne3A_1071 = arith.cmpi ne, %sign3A_1063, %sign3A_1070 : i32
      %rem3A_1072 = arith.remsi %sub3A_1007, %jit3A_1055 : i32
      %ne3A_1073 = arith.constant 0 : i32
      %ne3A_1074 = arith.cmpi ne, %rem3A_1072, %ne3A_1073 : i32
      %and3A_1075 = arith.andi %ne3A_1071, %ne3A_1074 : i1
      %sub3A_1076 = arith.constant 1 : i32
      %sub3A_1077 = arith.subi %div3A_1056, %sub3A_1076 : i32
      %select_n3A_1078 = arith.select %and3A_1075, %sub3A_1077, %div3A_1056 : i32
      %run_scoped3A_1079 = arith.constant 0 : i32
      "tpu.region"() ({
        %run_scoped3A_1639 = tpu.sem_alloc : memref<!tpu.dma_semaphore, #tpu.memory_space<semaphore_mem>>
        %dma_start3A_1640 = arith.constant 0 : i32
        %dma_start3A_1641 = arith.constant 0 : i32
        %dma_start3A_1642 = tpu.memref_slice %arg7[%run_scoped3A_1079, %dma_start3A_1640, %dma_start3A_1641] : memref<5x40x128xf32, #tpu.memory_space<vmem>> -> memref<1x40x128xf32, #tpu.memory_space<vmem>>
        %dma_start3A_1643 = tpu.memref_squeeze %dma_start3A_1642 : memref<1x40x128xf32, #tpu.memory_space<vmem>> -> memref<40x128xf32, #tpu.memory_space<vmem>>
        %dma_start3A_1644 = arith.constant 0 : i32
        %dma_start3A_1645 = arith.constant 0 : i32
        %dma_start3A_1646 = tpu.memref_slice %arg8[%dma_start3A_1644, %dma_start3A_1645] : memref<200x128xf32, #tpu.memory_space<vmem_shared>> -> memref<40x128xf32, #tpu.memory_space<vmem_shared>>
        %dma_start3A_1647 = arith.constant 0 : i32
        %dma_start3A_1648 = arith.constant 0 : i32
        %dma_start3A_1649 = tpu.memref_slice %arg7[%run_scoped3A_1079, %dma_start3A_1647, %dma_start3A_1648] : memref<5x40x128xf32, #tpu.memory_space<vmem>> -> memref<1x40x128xf32, #tpu.memory_space<vmem>>
        %dma_start3A_1650 = tpu.memref_squeeze %dma_start3A_1649 : memref<1x40x128xf32, #tpu.memory_space<vmem>> -> memref<40x128xf32, #tpu.memory_space<vmem>>
        %dma_start3A_1651 = arith.constant 0 : i32
        %dma_start3A_1652 = arith.constant 0 : i32
        %dma_start3A_1653 = tpu.memref_slice %arg8[%dma_start3A_1651, %dma_start3A_1652] : memref<200x128xf32, #tpu.memory_space<vmem_shared>> -> memref<40x128xf32, #tpu.memory_space<vmem_shared>>
        tpu.enqueue_dma source(%dma_start3A_1653 : memref<40x128xf32, #tpu.memory_space<vmem_shared>>) target(%dma_start3A_1650 : memref<40x128xf32, #tpu.memory_space<vmem>>) target_semaphore(%run_scoped3A_1639 : memref<!tpu.dma_semaphore, #tpu.memory_space<semaphore_mem>>)
        %dma_wait3A_1654 = arith.constant 0 : i32
        %dma_wait3A_1655 = arith.constant 0 : i32
        %dma_wait3A_1656 = tpu.memref_slice %arg7[%run_scoped3A_1079, %dma_wait3A_1654, %dma_wait3A_1655] : memref<5x40x128xf32, #tpu.memory_space<vmem>> -> memref<1x40x128xf32, #tpu.memory_space<vmem>>
        %dma_wait3A_1657 = tpu.memref_squeeze %dma_wait3A_1656 : memref<1x40x128xf32, #tpu.memory_space<vmem>> -> memref<40x128xf32, #tpu.memory_space<vmem>>
        %dma_wait3A_1658 = arith.constant 0 : i32
        %dma_wait3A_1659 = arith.constant 0 : i32
        %dma_wait3A_1660 = tpu.memref_slice %arg8[%dma_wait3A_1658, %dma_wait3A_1659] : memref<200x128xf32, #tpu.memory_space<vmem_shared>> -> memref<40x128xf32, #tpu.memory_space<vmem_shared>>
        %dma_wait3A_1661 = arith.constant 0 : i32
        %dma_wait3A_1662 = arith.constant 0 : i32
        %dma_wait3A_1663 = tpu.memref_slice %arg7[%run_scoped3A_1079, %dma_wait3A_1661, %dma_wait3A_1662] : memref<5x40x128xf32, #tpu.memory_space<vmem>> -> memref<1x40x128xf32, #tpu.memory_space<vmem>>
        %dma_wait3A_1664 = tpu.memref_squeeze %dma_wait3A_1663 : memref<1x40x128xf32, #tpu.memory_space<vmem>> -> memref<40x128xf32, #tpu.memory_space<vmem>>
        %dma_wait3A_1665 = arith.constant 0 : i32
        %dma_wait3A_1666 = arith.constant 0 : i32
        %dma_wait3A_1667 = tpu.memref_slice %arg8[%dma_wait3A_1665, %dma_wait3A_1666] : memref<200x128xf32, #tpu.memory_space<vmem_shared>> -> memref<40x128xf32, #tpu.memory_space<vmem_shared>>
        tpu.wait_dma2 semaphore(%run_scoped3A_1639 : memref<!tpu.dma_semaphore, #tpu.memory_space<semaphore_mem>>) src(%dma_wait3A_1667 : memref<40x128xf32, #tpu.memory_space<vmem_shared>>) dst(%dma_wait3A_1664 : memref<40x128xf32, #tpu.memory_space<vmem>>)
        tpu.yield
      }) : () -> ()
      %mul3A_1080 = arith.constant 200 : i32
      %mul3A_1081 = arith.muli %select_n3A_1078, %mul3A_1080 : i32
      %add3A_1082 = arith.constant 0 : i32
      %add3A_1083 = arith.addi %mul3A_1081, %add3A_1082 : i32
      %dma_start3A_1084 = arith.constant 0 : i32
      %dma_start3A_1085 = arith.constant 0 : i32
      %dma_start3A_1086 = arith.constant 0 : i32
      %dma_start3A_1087 = arith.constant 0 : i32
      %dma_start3A_1088 = tpu.memref_slice %arg7[%dma_start3A_1084, %dma_start3A_1086, %dma_start3A_1087] : memref<5x40x128xf32, #tpu.memory_space<vmem>> -> memref<1x40x128xf32, #tpu.memory_space<vmem>>
      %dma_start3A_1089 = tpu.memref_squeeze %dma_start3A_1088 : memref<1x40x128xf32, #tpu.memory_space<vmem>> -> memref<40x128xf32, #tpu.memory_space<vmem>>
      %dma_start3A_1090 = tpu.memref_slice %arg6[%add3A_1083] : memref<25600xi32, #tpu.memory_space<vmem>> -> memref<40xi32, #tpu.memory_space<vmem>>
      %dma_start3A_1091 = arith.constant 0 : i32
      %dma_start3A_1092 = arith.constant 0 : i32
      %dma_start3A_1093 = tpu.memref_slice %arg3[%dma_start3A_1091, %dma_start3A_1092] : memref<1000000x128xf32, #tpu.memory_space<hbm>> -> memref<1000000x128xf32, #tpu.memory_space<hbm>>
      %dma_start3A_1094 = tpu.memref_slice %arg9[%dma_start3A_1085] : memref<5x!tpu.dma_semaphore, #tpu.memory_space<semaphore_mem>> -> memref<1x!tpu.dma_semaphore, #tpu.memory_space<semaphore_mem>>
      %dma_start3A_1095 = tpu.memref_squeeze %dma_start3A_1094 : memref<1x!tpu.dma_semaphore, #tpu.memory_space<semaphore_mem>> -> memref<!tpu.dma_semaphore, #tpu.memory_space<semaphore_mem>>
      tpu.enqueue_indirect_dma source(%dma_start3A_1093 : memref<1000000x128xf32, #tpu.memory_space<hbm>>) target(%dma_start3A_1089 : memref<40x128xf32, #tpu.memory_space<vmem>>) offsets(%dma_start3A_1090 : memref<40xi32, #tpu.memory_space<vmem>>) semaphore(%dma_start3A_1095 : memref<!tpu.dma_semaphore, #tpu.memory_space<semaphore_mem>>) {add = true}
      %mul3A_1096 = arith.constant 5 : i32
      %mul3A_1097 = arith.muli %scan3A_733, %mul3A_1096 : i32
      %add3A_1098 = arith.constant 2 : i32
      %add3A_1099 = arith.addi %mul3A_1097, %add3A_1098 : i32
      %jit3A_1100 = arith.constant 5 : i32
      %div3A_1101 = arith.divsi %add3A_1099, %jit3A_1100 : i32
      %sign3A_1102 = arith.constant 0 : i32
      %sign3A_1103 = arith.cmpi sgt, %add3A_1099, %sign3A_1102 : i32
      %sign3A_1104 = arith.extui %sign3A_1103 : i1 to i32
      %sign3A_1105 = arith.constant 0 : i32
      %sign3A_1106 = arith.cmpi slt, %add3A_1099, %sign3A_1105 : i32
      %sign3A_1107 = arith.extui %sign3A_1106 : i1 to i32
      %sign3A_1108 = arith.subi %sign3A_1104, %sign3A_1107 : i32
      %sign3A_1109 = arith.constant 0 : i32
      %sign3A_1110 = arith.cmpi sgt, %jit3A_1100, %sign3A_1109 : i32
      %sign3A_1111 = arith.extui %sign3A_1110 : i1 to i32
      %sign3A_1112 = arith.constant 0 : i32
      %sign3A_1113 = arith.cmpi slt, %jit3A_1100, %sign3A_1112 : i32
      %sign3A_1114 = arith.extui %sign3A_1113 : i1 to i32
      %sign3A_1115 = arith.subi %sign3A_1111, %sign3A_1114 : i32
      %ne3A_1116 = arith.cmpi ne, %sign3A_1108, %sign3A_1115 : i32
      %rem3A_1117 = arith.remsi %add3A_1099, %jit3A_1100 : i32
      %ne3A_1118 = arith.constant 0 : i32
      %ne3A_1119 = arith.cmpi ne, %rem3A_1117, %ne3A_1118 : i32
      %and3A_1120 = arith.andi %ne3A_1116, %ne3A_1119 : i1
      %sub3A_1121 = arith.constant 1 : i32
      %sub3A_1122 = arith.subi %div3A_1101, %sub3A_1121 : i32
      %select_n3A_1123 = arith.select %and3A_1120, %sub3A_1122, %div3A_1101 : i32
      %mul3A_1124 = arith.constant 200 : i32
      %mul3A_1125 = arith.muli %select_n3A_1123, %mul3A_1124 : i32
      %add3A_1126 = arith.constant 80 : i32
      %add3A_1127 = arith.addi %mul3A_1125, %add3A_1126 : i32
      %dma_wait3A_1128 = arith.constant 2 : i32
      %dma_wait3A_1129 = arith.constant 2 : i32
      %dma_wait3A_1130 = arith.constant 0 : i32
      %dma_wait3A_1131 = arith.constant 0 : i32
      %dma_wait3A_1132 = tpu.memref_slice %arg7[%dma_wait3A_1128, %dma_wait3A_1130, %dma_wait3A_1131] : memref<5x40x128xf32, #tpu.memory_space<vmem>> -> memref<1x40x128xf32, #tpu.memory_space<vmem>>
      %dma_wait3A_1133 = tpu.memref_squeeze %dma_wait3A_1132 : memref<1x40x128xf32, #tpu.memory_space<vmem>> -> memref<40x128xf32, #tpu.memory_space<vmem>>
      %dma_wait3A_1134 = tpu.memref_slice %arg6[%add3A_1127] : memref<25600xi32, #tpu.memory_space<vmem>> -> memref<40xi32, #tpu.memory_space<vmem>>
      %dma_wait3A_1135 = arith.constant 0 : i32
      %dma_wait3A_1136 = arith.constant 0 : i32
      %dma_wait3A_1137 = tpu.memref_slice %arg3[%dma_wait3A_1135, %dma_wait3A_1136] : memref<1000000x128xf32, #tpu.memory_space<hbm>> -> memref<1000000x128xf32, #tpu.memory_space<hbm>>
      %dma_wait3A_1138 = tpu.memref_slice %arg9[%dma_wait3A_1129] : memref<5x!tpu.dma_semaphore, #tpu.memory_space<semaphore_mem>> -> memref<1x!tpu.dma_semaphore, #tpu.memory_space<semaphore_mem>>
      %dma_wait3A_1139 = tpu.memref_squeeze %dma_wait3A_1138 : memref<1x!tpu.dma_semaphore, #tpu.memory_space<semaphore_mem>> -> memref<!tpu.dma_semaphore, #tpu.memory_space<semaphore_mem>>
      tpu.wait_indirect_dma semaphore(%dma_wait3A_1139 : memref<!tpu.dma_semaphore, #tpu.memory_space<semaphore_mem>>) src(%dma_wait3A_1137 : memref<1000000x128xf32, #tpu.memory_space<hbm>>) dst(%dma_wait3A_1133 : memref<40x128xf32, #tpu.memory_space<vmem>>)
      %jit3A_1140 = arith.constant 5 : i32
      %div3A_1141 = arith.divsi %add3A_1099, %jit3A_1140 : i32
      %sign3A_1142 = arith.constant 0 : i32
      %sign3A_1143 = arith.cmpi sgt, %add3A_1099, %sign3A_1142 : i32
      %sign3A_1144 = arith.extui %sign3A_1143 : i1 to i32
      %sign3A_1145 = arith.constant 0 : i32
      %sign3A_1146 = arith.cmpi slt, %add3A_1099, %sign3A_1145 : i32
      %sign3A_1147 = arith.extui %sign3A_1146 : i1 to i32
      %sign3A_1148 = arith.subi %sign3A_1144, %sign3A_1147 : i32
      %sign3A_1149 = arith.constant 0 : i32
      %sign3A_1150 = arith.cmpi sgt, %jit3A_1140, %sign3A_1149 : i32
      %sign3A_1151 = arith.extui %sign3A_1150 : i1 to i32
      %sign3A_1152 = arith.constant 0 : i32
      %sign3A_1153 = arith.cmpi slt, %jit3A_1140, %sign3A_1152 : i32
      %sign3A_1154 = arith.extui %sign3A_1153 : i1 to i32
      %sign3A_1155 = arith.subi %sign3A_1151, %sign3A_1154 : i32
      %ne3A_1156 = arith.cmpi ne, %sign3A_1148, %sign3A_1155 : i32
      %rem3A_1157 = arith.remsi %add3A_1099, %jit3A_1140 : i32
      %ne3A_1158 = arith.constant 0 : i32
      %ne3A_1159 = arith.cmpi ne, %rem3A_1157, %ne3A_1158 : i32
      %and3A_1160 = arith.andi %ne3A_1156, %ne3A_1159 : i1
      %sub3A_1161 = arith.constant 1 : i32
      %sub3A_1162 = arith.subi %div3A_1141, %sub3A_1161 : i32
      %select_n3A_1163 = arith.select %and3A_1160, %sub3A_1162, %div3A_1141 : i32
      %add3A_1164 = arith.addi %select_n3A, %select_n3A_1163 : i32
      %dma_start3A_1165 = arith.constant 2 : i32
      %dma_start3A_1166 = arith.constant 2 : i32
      %dma_start3A_1167 = arith.constant 0 : i32
      %dma_start3A_1168 = arith.constant 0 : i32
      %dma_start3A_1169 = tpu.memref_slice %arg7[%dma_start3A_1165, %dma_start3A_1167, %dma_start3A_1168] : memref<5x40x128xf32, #tpu.memory_space<vmem>> -> memref<1x40x128xf32, #tpu.memory_space<vmem>>
      %dma_start3A_1170 = tpu.memref_squeeze %dma_start3A_1169 : memref<1x40x128xf32, #tpu.memory_space<vmem>> -> memref<40x128xf32, #tpu.memory_space<vmem>>
      %dma_start3A_1171 = arith.constant 80 : i32
      %dma_start3A_1172 = arith.constant 0 : i32
      %dma_start3A_1173 = tpu.memref_slice %arg5[%add3A_1164, %dma_start3A_1171, %dma_start3A_1172] : memref<4096x200x128xf32, #tpu.memory_space<hbm>> -> memref<1x40x128xf32, #tpu.memory_space<hbm>>
      %dma_start3A_1174 = tpu.memref_squeeze %dma_start3A_1173 : memref<1x40x128xf32, #tpu.memory_space<hbm>> -> memref<40x128xf32, #tpu.memory_space<hbm>>
      %dma_start3A_1175 = tpu.memref_slice %arg10[%dma_start3A_1166] : memref<5x!tpu.dma_semaphore, #tpu.memory_space<semaphore_mem>> -> memref<1x!tpu.dma_semaphore, #tpu.memory_space<semaphore_mem>>
      %dma_start3A_1176 = tpu.memref_squeeze %dma_start3A_1175 : memref<1x!tpu.dma_semaphore, #tpu.memory_space<semaphore_mem>> -> memref<!tpu.dma_semaphore, #tpu.memory_space<semaphore_mem>>
      %dma_start3A_1177 = arith.constant 80 : i32
      %dma_start3A_1178 = arith.constant 0 : i32
      %dma_start3A_1179 = tpu.memref_slice %arg5[%add3A_1164, %dma_start3A_1177, %dma_start3A_1178] : memref<4096x200x128xf32, #tpu.memory_space<hbm>> -> memref<1x40x128xf32, #tpu.memory_space<hbm>>
      %dma_start3A_1180 = tpu.memref_squeeze %dma_start3A_1179 : memref<1x40x128xf32, #tpu.memory_space<hbm>> -> memref<40x128xf32, #tpu.memory_space<hbm>>
      %dma_start3A_1181 = arith.constant 0 : i32
      %dma_start3A_1182 = arith.constant 0 : i32
      %dma_start3A_1183 = tpu.memref_slice %arg7[%dma_start3A_1165, %dma_start3A_1181, %dma_start3A_1182] : memref<5x40x128xf32, #tpu.memory_space<vmem>> -> memref<1x40x128xf32, #tpu.memory_space<vmem>>
      %dma_start3A_1184 = tpu.memref_squeeze %dma_start3A_1183 : memref<1x40x128xf32, #tpu.memory_space<vmem>> -> memref<40x128xf32, #tpu.memory_space<vmem>>
      tpu.enqueue_dma source(%dma_start3A_1184 : memref<40x128xf32, #tpu.memory_space<vmem>>) target(%dma_start3A_1180 : memref<40x128xf32, #tpu.memory_space<hbm>>) target_semaphore(%dma_start3A_1176 : memref<!tpu.dma_semaphore, #tpu.memory_space<semaphore_mem>>)
      %add3A_1185 = arith.constant 5 : i32
      %add3A_1186 = arith.addi %add3A_1099, %add3A_1185 : i32
      %sub3A_1187 = arith.constant 1 : i32
      %sub3A_1188 = arith.subi %add3A_1186, %sub3A_1187 : i32
      %sub3A_1189 = arith.constant 1 : i32
      %sub3A_1190 = arith.subi %add3A_1099, %sub3A_1189 : i32
      %jit3A_1191 = arith.constant 5 : i32
      %div3A_1192 = arith.divsi %sub3A_1190, %jit3A_1191 : i32
      %sign3A_1193 = arith.constant 0 : i32
      %sign3A_1194 = arith.cmpi sgt, %sub3A_1190, %sign3A_1193 : i32
      %sign3A_1195 = arith.extui %sign3A_1194 : i1 to i32
      %sign3A_1196 = arith.constant 0 : i32
      %sign3A_1197 = arith.cmpi slt, %sub3A_1190, %sign3A_1196 : i32
      %sign3A_1198 = arith.extui %sign3A_1197 : i1 to i32
      %sign3A_1199 = arith.subi %sign3A_1195, %sign3A_1198 : i32
      %sign3A_1200 = arith.constant 0 : i32
      %sign3A_1201 = arith.cmpi sgt, %jit3A_1191, %sign3A_1200 : i32
      %sign3A_1202 = arith.extui %sign3A_1201 : i1 to i32
      %sign3A_1203 = arith.constant 0 : i32
      %sign3A_1204 = arith.cmpi slt, %jit3A_1191, %sign3A_1203 : i32
      %sign3A_1205 = arith.extui %sign3A_1204 : i1 to i32
      %sign3A_1206 = arith.subi %sign3A_1202, %sign3A_1205 : i32
      %ne3A_1207 = arith.cmpi ne, %sign3A_1199, %sign3A_1206 : i32
      %rem3A_1208 = arith.remsi %sub3A_1190, %jit3A_1191 : i32
      %ne3A_1209 = arith.constant 0 : i32
      %ne3A_1210 = arith.cmpi ne, %rem3A_1208, %ne3A_1209 : i32
      %and3A_1211 = arith.andi %ne3A_1207, %ne3A_1210 : i1
      %sub3A_1212 = arith.constant 1 : i32
      %sub3A_1213 = arith.subi %div3A_1192, %sub3A_1212 : i32
      %select_n3A_1214 = arith.select %and3A_1211, %sub3A_1213, %div3A_1192 : i32
      %add3A_1215 = arith.addi %select_n3A, %select_n3A_1214 : i32
      %dma_wait3A_1216 = arith.constant 1 : i32
      %dma_wait3A_1217 = arith.constant 1 : i32
      %dma_wait3A_1218 = arith.constant 0 : i32
      %dma_wait3A_1219 = arith.constant 0 : i32
      %dma_wait3A_1220 = tpu.memref_slice %arg7[%dma_wait3A_1216, %dma_wait3A_1218, %dma_wait3A_1219] : memref<5x40x128xf32, #tpu.memory_space<vmem>> -> memref<1x40x128xf32, #tpu.memory_space<vmem>>
      %dma_wait3A_1221 = tpu.memref_squeeze %dma_wait3A_1220 : memref<1x40x128xf32, #tpu.memory_space<vmem>> -> memref<40x128xf32, #tpu.memory_space<vmem>>
      %dma_wait3A_1222 = arith.constant 40 : i32
      %dma_wait3A_1223 = arith.constant 0 : i32
      %dma_wait3A_1224 = tpu.memref_slice %arg5[%add3A_1215, %dma_wait3A_1222, %dma_wait3A_1223] : memref<4096x200x128xf32, #tpu.memory_space<hbm>> -> memref<1x40x128xf32, #tpu.memory_space<hbm>>
      %dma_wait3A_1225 = tpu.memref_squeeze %dma_wait3A_1224 : memref<1x40x128xf32, #tpu.memory_space<hbm>> -> memref<40x128xf32, #tpu.memory_space<hbm>>
      %dma_wait3A_1226 = tpu.memref_slice %arg10[%dma_wait3A_1217] : memref<5x!tpu.dma_semaphore, #tpu.memory_space<semaphore_mem>> -> memref<1x!tpu.dma_semaphore, #tpu.memory_space<semaphore_mem>>
      %dma_wait3A_1227 = tpu.memref_squeeze %dma_wait3A_1226 : memref<1x!tpu.dma_semaphore, #tpu.memory_space<semaphore_mem>> -> memref<!tpu.dma_semaphore, #tpu.memory_space<semaphore_mem>>
      %dma_wait3A_1228 = arith.constant 40 : i32
      %dma_wait3A_1229 = arith.constant 0 : i32
      %dma_wait3A_1230 = tpu.memref_slice %arg5[%add3A_1215, %dma_wait3A_1228, %dma_wait3A_1229] : memref<4096x200x128xf32, #tpu.memory_space<hbm>> -> memref<1x40x128xf32, #tpu.memory_space<hbm>>
      %dma_wait3A_1231 = tpu.memref_squeeze %dma_wait3A_1230 : memref<1x40x128xf32, #tpu.memory_space<hbm>> -> memref<40x128xf32, #tpu.memory_space<hbm>>
      %dma_wait3A_1232 = arith.constant 0 : i32
      %dma_wait3A_1233 = arith.constant 0 : i32
      %dma_wait3A_1234 = tpu.memref_slice %arg7[%dma_wait3A_1216, %dma_wait3A_1232, %dma_wait3A_1233] : memref<5x40x128xf32, #tpu.memory_space<vmem>> -> memref<1x40x128xf32, #tpu.memory_space<vmem>>
      %dma_wait3A_1235 = tpu.memref_squeeze %dma_wait3A_1234 : memref<1x40x128xf32, #tpu.memory_space<vmem>> -> memref<40x128xf32, #tpu.memory_space<vmem>>
      tpu.wait_dma2 semaphore(%dma_wait3A_1227 : memref<!tpu.dma_semaphore, #tpu.memory_space<semaphore_mem>>) src(%dma_wait3A_1235 : memref<40x128xf32, #tpu.memory_space<vmem>>) dst(%dma_wait3A_1231 : memref<40x128xf32, #tpu.memory_space<hbm>>)
      %jit3A_1236 = arith.constant 5 : i32
      %div3A_1237 = arith.divsi %sub3A_1188, %jit3A_1236 : i32
      %sign3A_1238 = arith.constant 0 : i32
      %sign3A_1239 = arith.cmpi sgt, %sub3A_1188, %sign3A_1238 : i32
      %sign3A_1240 = arith.extui %sign3A_1239 : i1 to i32
      %sign3A_1241 = arith.constant 0 : i32
      %sign3A_1242 = arith.cmpi slt, %sub3A_1188, %sign3A_1241 : i32
      %sign3A_1243 = arith.extui %sign3A_1242 : i1 to i32
      %sign3A_1244 = arith.subi %sign3A_1240, %sign3A_1243 : i32
      %sign3A_1245 = arith.constant 0 : i32
      %sign3A_1246 = arith.cmpi sgt, %jit3A_1236, %sign3A_1245 : i32
      %sign3A_1247 = arith.extui %sign3A_1246 : i1 to i32
      %sign3A_1248 = arith.constant 0 : i32
      %sign3A_1249 = arith.cmpi slt, %jit3A_1236, %sign3A_1248 : i32
      %sign3A_1250 = arith.extui %sign3A_1249 : i1 to i32
      %sign3A_1251 = arith.subi %sign3A_1247, %sign3A_1250 : i32
      %ne3A_1252 = arith.cmpi ne, %sign3A_1244, %sign3A_1251 : i32
      %rem3A_1253 = arith.remsi %sub3A_1188, %jit3A_1236 : i32
      %ne3A_1254 = arith.constant 0 : i32
      %ne3A_1255 = arith.cmpi ne, %rem3A_1253, %ne3A_1254 : i32
      %and3A_1256 = arith.andi %ne3A_1252, %ne3A_1255 : i1
      %sub3A_1257 = arith.constant 1 : i32
      %sub3A_1258 = arith.subi %div3A_1237, %sub3A_1257 : i32
      %select_n3A_1259 = arith.select %and3A_1256, %sub3A_1258, %div3A_1237 : i32
      %run_scoped3A_1260 = arith.constant 1 : i32
      "tpu.region"() ({
        %run_scoped3A_1639 = tpu.sem_alloc : memref<!tpu.dma_semaphore, #tpu.memory_space<semaphore_mem>>
        %dma_start3A_1640 = arith.constant 0 : i32
        %dma_start3A_1641 = arith.constant 0 : i32
        %dma_start3A_1642 = tpu.memref_slice %arg7[%run_scoped3A_1260, %dma_start3A_1640, %dma_start3A_1641] : memref<5x40x128xf32, #tpu.memory_space<vmem>> -> memref<1x40x128xf32, #tpu.memory_space<vmem>>
        %dma_start3A_1643 = tpu.memref_squeeze %dma_start3A_1642 : memref<1x40x128xf32, #tpu.memory_space<vmem>> -> memref<40x128xf32, #tpu.memory_space<vmem>>
        %dma_start3A_1644 = arith.constant 40 : i32
        %dma_start3A_1645 = arith.constant 0 : i32
        %dma_start3A_1646 = tpu.memref_slice %arg8[%dma_start3A_1644, %dma_start3A_1645] : memref<200x128xf32, #tpu.memory_space<vmem_shared>> -> memref<40x128xf32, #tpu.memory_space<vmem_shared>>
        %dma_start3A_1647 = arith.constant 0 : i32
        %dma_start3A_1648 = arith.constant 0 : i32
        %dma_start3A_1649 = tpu.memref_slice %arg7[%run_scoped3A_1260, %dma_start3A_1647, %dma_start3A_1648] : memref<5x40x128xf32, #tpu.memory_space<vmem>> -> memref<1x40x128xf32, #tpu.memory_space<vmem>>
        %dma_start3A_1650 = tpu.memref_squeeze %dma_start3A_1649 : memref<1x40x128xf32, #tpu.memory_space<vmem>> -> memref<40x128xf32, #tpu.memory_space<vmem>>
        %dma_start3A_1651 = arith.constant 40 : i32
        %dma_start3A_1652 = arith.constant 0 : i32
        %dma_start3A_1653 = tpu.memref_slice %arg8[%dma_start3A_1651, %dma_start3A_1652] : memref<200x128xf32, #tpu.memory_space<vmem_shared>> -> memref<40x128xf32, #tpu.memory_space<vmem_shared>>
        tpu.enqueue_dma source(%dma_start3A_1653 : memref<40x128xf32, #tpu.memory_space<vmem_shared>>) target(%dma_start3A_1650 : memref<40x128xf32, #tpu.memory_space<vmem>>) target_semaphore(%run_scoped3A_1639 : memref<!tpu.dma_semaphore, #tpu.memory_space<semaphore_mem>>)
        %dma_wait3A_1654 = arith.constant 0 : i32
        %dma_wait3A_1655 = arith.constant 0 : i32
        %dma_wait3A_1656 = tpu.memref_slice %arg7[%run_scoped3A_1260, %dma_wait3A_1654, %dma_wait3A_1655] : memref<5x40x128xf32, #tpu.memory_space<vmem>> -> memref<1x40x128xf32, #tpu.memory_space<vmem>>
        %dma_wait3A_1657 = tpu.memref_squeeze %dma_wait3A_1656 : memref<1x40x128xf32, #tpu.memory_space<vmem>> -> memref<40x128xf32, #tpu.memory_space<vmem>>
        %dma_wait3A_1658 = arith.constant 40 : i32
        %dma_wait3A_1659 = arith.constant 0 : i32
        %dma_wait3A_1660 = tpu.memref_slice %arg8[%dma_wait3A_1658, %dma_wait3A_1659] : memref<200x128xf32, #tpu.memory_space<vmem_shared>> -> memref<40x128xf32, #tpu.memory_space<vmem_shared>>
        %dma_wait3A_1661 = arith.constant 0 : i32
        %dma_wait3A_1662 = arith.constant 0 : i32
        %dma_wait3A_1663 = tpu.memref_slice %arg7[%run_scoped3A_1260, %dma_wait3A_1661, %dma_wait3A_1662] : memref<5x40x128xf32, #tpu.memory_space<vmem>> -> memref<1x40x128xf32, #tpu.memory_space<vmem>>
        %dma_wait3A_1664 = tpu.memref_squeeze %dma_wait3A_1663 : memref<1x40x128xf32, #tpu.memory_space<vmem>> -> memref<40x128xf32, #tpu.memory_space<vmem>>
        %dma_wait3A_1665 = arith.constant 40 : i32
        %dma_wait3A_1666 = arith.constant 0 : i32
        %dma_wait3A_1667 = tpu.memref_slice %arg8[%dma_wait3A_1665, %dma_wait3A_1666] : memref<200x128xf32, #tpu.memory_space<vmem_shared>> -> memref<40x128xf32, #tpu.memory_space<vmem_shared>>
        tpu.wait_dma2 semaphore(%run_scoped3A_1639 : memref<!tpu.dma_semaphore, #tpu.memory_space<semaphore_mem>>) src(%dma_wait3A_1667 : memref<40x128xf32, #tpu.memory_space<vmem_shared>>) dst(%dma_wait3A_1664 : memref<40x128xf32, #tpu.memory_space<vmem>>)
        tpu.yield
      }) : () -> ()
      %mul3A_1261 = arith.constant 200 : i32
      %mul3A_1262 = arith.muli %select_n3A_1259, %mul3A_1261 : i32
      %add3A_1263 = arith.constant 40 : i32
      %add3A_1264 = arith.addi %mul3A_1262, %add3A_1263 : i32
      %dma_start3A_1265 = arith.constant 1 : i32
      %dma_start3A_1266 = arith.constant 1 : i32
      %dma_start3A_1267 = arith.constant 0 : i32
      %dma_start3A_1268 = arith.constant 0 : i32
      %dma_start3A_1269 = tpu.memref_slice %arg7[%dma_start3A_1265, %dma_start3A_1267, %dma_start3A_1268] : memref<5x40x128xf32, #tpu.memory_space<vmem>> -> memref<1x40x128xf32, #tpu.memory_space<vmem>>
      %dma_start3A_1270 = tpu.memref_squeeze %dma_start3A_1269 : memref<1x40x128xf32, #tpu.memory_space<vmem>> -> memref<40x128xf32, #tpu.memory_space<vmem>>
      %dma_start3A_1271 = tpu.memref_slice %arg6[%add3A_1264] : memref<25600xi32, #tpu.memory_space<vmem>> -> memref<40xi32, #tpu.memory_space<vmem>>
      %dma_start3A_1272 = arith.constant 0 : i32
      %dma_start3A_1273 = arith.constant 0 : i32
      %dma_start3A_1274 = tpu.memref_slice %arg3[%dma_start3A_1272, %dma_start3A_1273] : memref<1000000x128xf32, #tpu.memory_space<hbm>> -> memref<1000000x128xf32, #tpu.memory_space<hbm>>
      %dma_start3A_1275 = tpu.memref_slice %arg9[%dma_start3A_1266] : memref<5x!tpu.dma_semaphore, #tpu.memory_space<semaphore_mem>> -> memref<1x!tpu.dma_semaphore, #tpu.memory_space<semaphore_mem>>
      %dma_start3A_1276 = tpu.memref_squeeze %dma_start3A_1275 : memref<1x!tpu.dma_semaphore, #tpu.memory_space<semaphore_mem>> -> memref<!tpu.dma_semaphore, #tpu.memory_space<semaphore_mem>>
      tpu.enqueue_indirect_dma source(%dma_start3A_1274 : memref<1000000x128xf32, #tpu.memory_space<hbm>>) target(%dma_start3A_1270 : memref<40x128xf32, #tpu.memory_space<vmem>>) offsets(%dma_start3A_1271 : memref<40xi32, #tpu.memory_space<vmem>>) semaphore(%dma_start3A_1276 : memref<!tpu.dma_semaphore, #tpu.memory_space<semaphore_mem>>) {add = true}
      %mul3A_1277 = arith.constant 5 : i32
      %mul3A_1278 = arith.muli %scan3A_733, %mul3A_1277 : i32
      %add3A_1279 = arith.constant 3 : i32
      %add3A_1280 = arith.addi %mul3A_1278, %add3A_1279 : i32
      %jit3A_1281 = arith.constant 5 : i32
      %div3A_1282 = arith.divsi %add3A_1280, %jit3A_1281 : i32
      %sign3A_1283 = arith.constant 0 : i32
      %sign3A_1284 = arith.cmpi sgt, %add3A_1280, %sign3A_1283 : i32
      %sign3A_1285 = arith.extui %sign3A_1284 : i1 to i32
      %sign3A_1286 = arith.constant 0 : i32
      %sign3A_1287 = arith.cmpi slt, %add3A_1280, %sign3A_1286 : i32
      %sign3A_1288 = arith.extui %sign3A_1287 : i1 to i32
      %sign3A_1289 = arith.subi %sign3A_1285, %sign3A_1288 : i32
      %sign3A_1290 = arith.constant 0 : i32
      %sign3A_1291 = arith.cmpi sgt, %jit3A_1281, %sign3A_1290 : i32
      %sign3A_1292 = arith.extui %sign3A_1291 : i1 to i32
      %sign3A_1293 = arith.constant 0 : i32
      %sign3A_1294 = arith.cmpi slt, %jit3A_1281, %sign3A_1293 : i32
      %sign3A_1295 = arith.extui %sign3A_1294 : i1 to i32
      %sign3A_1296 = arith.subi %sign3A_1292, %sign3A_1295 : i32
      %ne3A_1297 = arith.cmpi ne, %sign3A_1289, %sign3A_1296 : i32
      %rem3A_1298 = arith.remsi %add3A_1280, %jit3A_1281 : i32
      %ne3A_1299 = arith.constant 0 : i32
      %ne3A_1300 = arith.cmpi ne, %rem3A_1298, %ne3A_1299 : i32
      %and3A_1301 = arith.andi %ne3A_1297, %ne3A_1300 : i1
      %sub3A_1302 = arith.constant 1 : i32
      %sub3A_1303 = arith.subi %div3A_1282, %sub3A_1302 : i32
      %select_n3A_1304 = arith.select %and3A_1301, %sub3A_1303, %div3A_1282 : i32
      %mul3A_1305 = arith.constant 200 : i32
      %mul3A_1306 = arith.muli %select_n3A_1304, %mul3A_1305 : i32
      %add3A_1307 = arith.constant 120 : i32
      %add3A_1308 = arith.addi %mul3A_1306, %add3A_1307 : i32
      %dma_wait3A_1309 = arith.constant 3 : i32
      %dma_wait3A_1310 = arith.constant 3 : i32
      %dma_wait3A_1311 = arith.constant 0 : i32
      %dma_wait3A_1312 = arith.constant 0 : i32
      %dma_wait3A_1313 = tpu.memref_slice %arg7[%dma_wait3A_1309, %dma_wait3A_1311, %dma_wait3A_1312] : memref<5x40x128xf32, #tpu.memory_space<vmem>> -> memref<1x40x128xf32, #tpu.memory_space<vmem>>
      %dma_wait3A_1314 = tpu.memref_squeeze %dma_wait3A_1313 : memref<1x40x128xf32, #tpu.memory_space<vmem>> -> memref<40x128xf32, #tpu.memory_space<vmem>>
      %dma_wait3A_1315 = tpu.memref_slice %arg6[%add3A_1308] : memref<25600xi32, #tpu.memory_space<vmem>> -> memref<40xi32, #tpu.memory_space<vmem>>
      %dma_wait3A_1316 = arith.constant 0 : i32
      %dma_wait3A_1317 = arith.constant 0 : i32
      %dma_wait3A_1318 = tpu.memref_slice %arg3[%dma_wait3A_1316, %dma_wait3A_1317] : memref<1000000x128xf32, #tpu.memory_space<hbm>> -> memref<1000000x128xf32, #tpu.memory_space<hbm>>
      %dma_wait3A_1319 = tpu.memref_slice %arg9[%dma_wait3A_1310] : memref<5x!tpu.dma_semaphore, #tpu.memory_space<semaphore_mem>> -> memref<1x!tpu.dma_semaphore, #tpu.memory_space<semaphore_mem>>
      %dma_wait3A_1320 = tpu.memref_squeeze %dma_wait3A_1319 : memref<1x!tpu.dma_semaphore, #tpu.memory_space<semaphore_mem>> -> memref<!tpu.dma_semaphore, #tpu.memory_space<semaphore_mem>>
      tpu.wait_indirect_dma semaphore(%dma_wait3A_1320 : memref<!tpu.dma_semaphore, #tpu.memory_space<semaphore_mem>>) src(%dma_wait3A_1318 : memref<1000000x128xf32, #tpu.memory_space<hbm>>) dst(%dma_wait3A_1314 : memref<40x128xf32, #tpu.memory_space<vmem>>)
      %jit3A_1321 = arith.constant 5 : i32
      %div3A_1322 = arith.divsi %add3A_1280, %jit3A_1321 : i32
      %sign3A_1323 = arith.constant 0 : i32
      %sign3A_1324 = arith.cmpi sgt, %add3A_1280, %sign3A_1323 : i32
      %sign3A_1325 = arith.extui %sign3A_1324 : i1 to i32
      %sign3A_1326 = arith.constant 0 : i32
      %sign3A_1327 = arith.cmpi slt, %add3A_1280, %sign3A_1326 : i32
      %sign3A_1328 = arith.extui %sign3A_1327 : i1 to i32
      %sign3A_1329 = arith.subi %sign3A_1325, %sign3A_1328 : i32
      %sign3A_1330 = arith.constant 0 : i32
      %sign3A_1331 = arith.cmpi sgt, %jit3A_1321, %sign3A_1330 : i32
      %sign3A_1332 = arith.extui %sign3A_1331 : i1 to i32
      %sign3A_1333 = arith.constant 0 : i32
      %sign3A_1334 = arith.cmpi slt, %jit3A_1321, %sign3A_1333 : i32
      %sign3A_1335 = arith.extui %sign3A_1334 : i1 to i32
      %sign3A_1336 = arith.subi %sign3A_1332, %sign3A_1335 : i32
      %ne3A_1337 = arith.cmpi ne, %sign3A_1329, %sign3A_1336 : i32
      %rem3A_1338 = arith.remsi %add3A_1280, %jit3A_1321 : i32
      %ne3A_1339 = arith.constant 0 : i32
      %ne3A_1340 = arith.cmpi ne, %rem3A_1338, %ne3A_1339 : i32
      %and3A_1341 = arith.andi %ne3A_1337, %ne3A_1340 : i1
      %sub3A_1342 = arith.constant 1 : i32
      %sub3A_1343 = arith.subi %div3A_1322, %sub3A_1342 : i32
      %select_n3A_1344 = arith.select %and3A_1341, %sub3A_1343, %div3A_1322 : i32
      %add3A_1345 = arith.addi %select_n3A, %select_n3A_1344 : i32
      %dma_start3A_1346 = arith.constant 3 : i32
      %dma_start3A_1347 = arith.constant 3 : i32
      %dma_start3A_1348 = arith.constant 0 : i32
      %dma_start3A_1349 = arith.constant 0 : i32
      %dma_start3A_1350 = tpu.memref_slice %arg7[%dma_start3A_1346, %dma_start3A_1348, %dma_start3A_1349] : memref<5x40x128xf32, #tpu.memory_space<vmem>> -> memref<1x40x128xf32, #tpu.memory_space<vmem>>
      %dma_start3A_1351 = tpu.memref_squeeze %dma_start3A_1350 : memref<1x40x128xf32, #tpu.memory_space<vmem>> -> memref<40x128xf32, #tpu.memory_space<vmem>>
      %dma_start3A_1352 = arith.constant 120 : i32
      %dma_start3A_1353 = arith.constant 0 : i32
      %dma_start3A_1354 = tpu.memref_slice %arg5[%add3A_1345, %dma_start3A_1352, %dma_start3A_1353] : memref<4096x200x128xf32, #tpu.memory_space<hbm>> -> memref<1x40x128xf32, #tpu.memory_space<hbm>>
      %dma_start3A_1355 = tpu.memref_squeeze %dma_start3A_1354 : memref<1x40x128xf32, #tpu.memory_space<hbm>> -> memref<40x128xf32, #tpu.memory_space<hbm>>
      %dma_start3A_1356 = tpu.memref_slice %arg10[%dma_start3A_1347] : memref<5x!tpu.dma_semaphore, #tpu.memory_space<semaphore_mem>> -> memref<1x!tpu.dma_semaphore, #tpu.memory_space<semaphore_mem>>
      %dma_start3A_1357 = tpu.memref_squeeze %dma_start3A_1356 : memref<1x!tpu.dma_semaphore, #tpu.memory_space<semaphore_mem>> -> memref<!tpu.dma_semaphore, #tpu.memory_space<semaphore_mem>>
      %dma_start3A_1358 = arith.constant 120 : i32
      %dma_start3A_1359 = arith.constant 0 : i32
      %dma_start3A_1360 = tpu.memref_slice %arg5[%add3A_1345, %dma_start3A_1358, %dma_start3A_1359] : memref<4096x200x128xf32, #tpu.memory_space<hbm>> -> memref<1x40x128xf32, #tpu.memory_space<hbm>>
      %dma_start3A_1361 = tpu.memref_squeeze %dma_start3A_1360 : memref<1x40x128xf32, #tpu.memory_space<hbm>> -> memref<40x128xf32, #tpu.memory_space<hbm>>
      %dma_start3A_1362 = arith.constant 0 : i32
      %dma_start3A_1363 = arith.constant 0 : i32
      %dma_start3A_1364 = tpu.memref_slice %arg7[%dma_start3A_1346, %dma_start3A_1362, %dma_start3A_1363] : memref<5x40x128xf32, #tpu.memory_space<vmem>> -> memref<1x40x128xf32, #tpu.memory_space<vmem>>
      %dma_start3A_1365 = tpu.memref_squeeze %dma_start3A_1364 : memref<1x40x128xf32, #tpu.memory_space<vmem>> -> memref<40x128xf32, #tpu.memory_space<vmem>>
      tpu.enqueue_dma source(%dma_start3A_1365 : memref<40x128xf32, #tpu.memory_space<vmem>>) target(%dma_start3A_1361 : memref<40x128xf32, #tpu.memory_space<hbm>>) target_semaphore(%dma_start3A_1357 : memref<!tpu.dma_semaphore, #tpu.memory_space<semaphore_mem>>)
      %add3A_1366 = arith.constant 5 : i32
      %add3A_1367 = arith.addi %add3A_1280, %add3A_1366 : i32
      %sub3A_1368 = arith.constant 1 : i32
      %sub3A_1369 = arith.subi %add3A_1367, %sub3A_1368 : i32
      %sub3A_1370 = arith.constant 1 : i32
      %sub3A_1371 = arith.subi %add3A_1280, %sub3A_1370 : i32
      %jit3A_1372 = arith.constant 5 : i32
      %div3A_1373 = arith.divsi %sub3A_1371, %jit3A_1372 : i32
      %sign3A_1374 = arith.constant 0 : i32
      %sign3A_1375 = arith.cmpi sgt, %sub3A_1371, %sign3A_1374 : i32
      %sign3A_1376 = arith.extui %sign3A_1375 : i1 to i32
      %sign3A_1377 = arith.constant 0 : i32
      %sign3A_1378 = arith.cmpi slt, %sub3A_1371, %sign3A_1377 : i32
      %sign3A_1379 = arith.extui %sign3A_1378 : i1 to i32
      %sign3A_1380 = arith.subi %sign3A_1376, %sign3A_1379 : i32
      %sign3A_1381 = arith.constant 0 : i32
      %sign3A_1382 = arith.cmpi sgt, %jit3A_1372, %sign3A_1381 : i32
      %sign3A_1383 = arith.extui %sign3A_1382 : i1 to i32
      %sign3A_1384 = arith.constant 0 : i32
      %sign3A_1385 = arith.cmpi slt, %jit3A_1372, %sign3A_1384 : i32
      %sign3A_1386 = arith.extui %sign3A_1385 : i1 to i32
      %sign3A_1387 = arith.subi %sign3A_1383, %sign3A_1386 : i32
      %ne3A_1388 = arith.cmpi ne, %sign3A_1380, %sign3A_1387 : i32
      %rem3A_1389 = arith.remsi %sub3A_1371, %jit3A_1372 : i32
      %ne3A_1390 = arith.constant 0 : i32
      %ne3A_1391 = arith.cmpi ne, %rem3A_1389, %ne3A_1390 : i32
      %and3A_1392 = arith.andi %ne3A_1388, %ne3A_1391 : i1
      %sub3A_1393 = arith.constant 1 : i32
      %sub3A_1394 = arith.subi %div3A_1373, %sub3A_1393 : i32
      %select_n3A_1395 = arith.select %and3A_1392, %sub3A_1394, %div3A_1373 : i32
      %add3A_1396 = arith.addi %select_n3A, %select_n3A_1395 : i32
      %dma_wait3A_1397 = arith.constant 2 : i32
      %dma_wait3A_1398 = arith.constant 2 : i32
      %dma_wait3A_1399 = arith.constant 0 : i32
      %dma_wait3A_1400 = arith.constant 0 : i32
      %dma_wait3A_1401 = tpu.memref_slice %arg7[%dma_wait3A_1397, %dma_wait3A_1399, %dma_wait3A_1400] : memref<5x40x128xf32, #tpu.memory_space<vmem>> -> memref<1x40x128xf32, #tpu.memory_space<vmem>>
      %dma_wait3A_1402 = tpu.memref_squeeze %dma_wait3A_1401 : memref<1x40x128xf32, #tpu.memory_space<vmem>> -> memref<40x128xf32, #tpu.memory_space<vmem>>
      %dma_wait3A_1403 = arith.constant 80 : i32
      %dma_wait3A_1404 = arith.constant 0 : i32
      %dma_wait3A_1405 = tpu.memref_slice %arg5[%add3A_1396, %dma_wait3A_1403, %dma_wait3A_1404] : memref<4096x200x128xf32, #tpu.memory_space<hbm>> -> memref<1x40x128xf32, #tpu.memory_space<hbm>>
      %dma_wait3A_1406 = tpu.memref_squeeze %dma_wait3A_1405 : memref<1x40x128xf32, #tpu.memory_space<hbm>> -> memref<40x128xf32, #tpu.memory_space<hbm>>
      %dma_wait3A_1407 = tpu.memref_slice %arg10[%dma_wait3A_1398] : memref<5x!tpu.dma_semaphore, #tpu.memory_space<semaphore_mem>> -> memref<1x!tpu.dma_semaphore, #tpu.memory_space<semaphore_mem>>
      %dma_wait3A_1408 = tpu.memref_squeeze %dma_wait3A_1407 : memref<1x!tpu.dma_semaphore, #tpu.memory_space<semaphore_mem>> -> memref<!tpu.dma_semaphore, #tpu.memory_space<semaphore_mem>>
      %dma_wait3A_1409 = arith.constant 80 : i32
      %dma_wait3A_1410 = arith.constant 0 : i32
      %dma_wait3A_1411 = tpu.memref_slice %arg5[%add3A_1396, %dma_wait3A_1409, %dma_wait3A_1410] : memref<4096x200x128xf32, #tpu.memory_space<hbm>> -> memref<1x40x128xf32, #tpu.memory_space<hbm>>
      %dma_wait3A_1412 = tpu.memref_squeeze %dma_wait3A_1411 : memref<1x40x128xf32, #tpu.memory_space<hbm>> -> memref<40x128xf32, #tpu.memory_space<hbm>>
      %dma_wait3A_1413 = arith.constant 0 : i32
      %dma_wait3A_1414 = arith.constant 0 : i32
      %dma_wait3A_1415 = tpu.memref_slice %arg7[%dma_wait3A_1397, %dma_wait3A_1413, %dma_wait3A_1414] : memref<5x40x128xf32, #tpu.memory_space<vmem>> -> memref<1x40x128xf32, #tpu.memory_space<vmem>>
      %dma_wait3A_1416 = tpu.memref_squeeze %dma_wait3A_1415 : memref<1x40x128xf32, #tpu.memory_space<vmem>> -> memref<40x128xf32, #tpu.memory_space<vmem>>
      tpu.wait_dma2 semaphore(%dma_wait3A_1408 : memref<!tpu.dma_semaphore, #tpu.memory_space<semaphore_mem>>) src(%dma_wait3A_1416 : memref<40x128xf32, #tpu.memory_space<vmem>>) dst(%dma_wait3A_1412 : memref<40x128xf32, #tpu.memory_space<hbm>>)
      %jit3A_1417 = arith.constant 5 : i32
      %div3A_1418 = arith.divsi %sub3A_1369, %jit3A_1417 : i32
      %sign3A_1419 = arith.constant 0 : i32
      %sign3A_1420 = arith.cmpi sgt, %sub3A_1369, %sign3A_1419 : i32
      %sign3A_1421 = arith.extui %sign3A_1420 : i1 to i32
      %sign3A_1422 = arith.constant 0 : i32
      %sign3A_1423 = arith.cmpi slt, %sub3A_1369, %sign3A_1422 : i32
      %sign3A_1424 = arith.extui %sign3A_1423 : i1 to i32
      %sign3A_1425 = arith.subi %sign3A_1421, %sign3A_1424 : i32
      %sign3A_1426 = arith.constant 0 : i32
      %sign3A_1427 = arith.cmpi sgt, %jit3A_1417, %sign3A_1426 : i32
      %sign3A_1428 = arith.extui %sign3A_1427 : i1 to i32
      %sign3A_1429 = arith.constant 0 : i32
      %sign3A_1430 = arith.cmpi slt, %jit3A_1417, %sign3A_1429 : i32
      %sign3A_1431 = arith.extui %sign3A_1430 : i1 to i32
      %sign3A_1432 = arith.subi %sign3A_1428, %sign3A_1431 : i32
      %ne3A_1433 = arith.cmpi ne, %sign3A_1425, %sign3A_1432 : i32
      %rem3A_1434 = arith.remsi %sub3A_1369, %jit3A_1417 : i32
      %ne3A_1435 = arith.constant 0 : i32
      %ne3A_1436 = arith.cmpi ne, %rem3A_1434, %ne3A_1435 : i32
      %and3A_1437 = arith.andi %ne3A_1433, %ne3A_1436 : i1
      %sub3A_1438 = arith.constant 1 : i32
      %sub3A_1439 = arith.subi %div3A_1418, %sub3A_1438 : i32
      %select_n3A_1440 = arith.select %and3A_1437, %sub3A_1439, %div3A_1418 : i32
      %run_scoped3A_1441 = arith.constant 2 : i32
      "tpu.region"() ({
        %run_scoped3A_1639 = tpu.sem_alloc : memref<!tpu.dma_semaphore, #tpu.memory_space<semaphore_mem>>
        %dma_start3A_1640 = arith.constant 0 : i32
        %dma_start3A_1641 = arith.constant 0 : i32
        %dma_start3A_1642 = tpu.memref_slice %arg7[%run_scoped3A_1441, %dma_start3A_1640, %dma_start3A_1641] : memref<5x40x128xf32, #tpu.memory_space<vmem>> -> memref<1x40x128xf32, #tpu.memory_space<vmem>>
        %dma_start3A_1643 = tpu.memref_squeeze %dma_start3A_1642 : memref<1x40x128xf32, #tpu.memory_space<vmem>> -> memref<40x128xf32, #tpu.memory_space<vmem>>
        %dma_start3A_1644 = arith.constant 80 : i32
        %dma_start3A_1645 = arith.constant 0 : i32
        %dma_start3A_1646 = tpu.memref_slice %arg8[%dma_start3A_1644, %dma_start3A_1645] : memref<200x128xf32, #tpu.memory_space<vmem_shared>> -> memref<40x128xf32, #tpu.memory_space<vmem_shared>>
        %dma_start3A_1647 = arith.constant 0 : i32
        %dma_start3A_1648 = arith.constant 0 : i32
        %dma_start3A_1649 = tpu.memref_slice %arg7[%run_scoped3A_1441, %dma_start3A_1647, %dma_start3A_1648] : memref<5x40x128xf32, #tpu.memory_space<vmem>> -> memref<1x40x128xf32, #tpu.memory_space<vmem>>
        %dma_start3A_1650 = tpu.memref_squeeze %dma_start3A_1649 : memref<1x40x128xf32, #tpu.memory_space<vmem>> -> memref<40x128xf32, #tpu.memory_space<vmem>>
        %dma_start3A_1651 = arith.constant 80 : i32
        %dma_start3A_1652 = arith.constant 0 : i32
        %dma_start3A_1653 = tpu.memref_slice %arg8[%dma_start3A_1651, %dma_start3A_1652] : memref<200x128xf32, #tpu.memory_space<vmem_shared>> -> memref<40x128xf32, #tpu.memory_space<vmem_shared>>
        tpu.enqueue_dma source(%dma_start3A_1653 : memref<40x128xf32, #tpu.memory_space<vmem_shared>>) target(%dma_start3A_1650 : memref<40x128xf32, #tpu.memory_space<vmem>>) target_semaphore(%run_scoped3A_1639 : memref<!tpu.dma_semaphore, #tpu.memory_space<semaphore_mem>>)
        %dma_wait3A_1654 = arith.constant 0 : i32
        %dma_wait3A_1655 = arith.constant 0 : i32
        %dma_wait3A_1656 = tpu.memref_slice %arg7[%run_scoped3A_1441, %dma_wait3A_1654, %dma_wait3A_1655] : memref<5x40x128xf32, #tpu.memory_space<vmem>> -> memref<1x40x128xf32, #tpu.memory_space<vmem>>
        %dma_wait3A_1657 = tpu.memref_squeeze %dma_wait3A_1656 : memref<1x40x128xf32, #tpu.memory_space<vmem>> -> memref<40x128xf32, #tpu.memory_space<vmem>>
        %dma_wait3A_1658 = arith.constant 80 : i32
        %dma_wait3A_1659 = arith.constant 0 : i32
        %dma_wait3A_1660 = tpu.memref_slice %arg8[%dma_wait3A_1658, %dma_wait3A_1659] : memref<200x128xf32, #tpu.memory_space<vmem_shared>> -> memref<40x128xf32, #tpu.memory_space<vmem_shared>>
        %dma_wait3A_1661 = arith.constant 0 : i32
        %dma_wait3A_1662 = arith.constant 0 : i32
        %dma_wait3A_1663 = tpu.memref_slice %arg7[%run_scoped3A_1441, %dma_wait3A_1661, %dma_wait3A_1662] : memref<5x40x128xf32, #tpu.memory_space<vmem>> -> memref<1x40x128xf32, #tpu.memory_space<vmem>>
        %dma_wait3A_1664 = tpu.memref_squeeze %dma_wait3A_1663 : memref<1x40x128xf32, #tpu.memory_space<vmem>> -> memref<40x128xf32, #tpu.memory_space<vmem>>
        %dma_wait3A_1665 = arith.constant 80 : i32
        %dma_wait3A_1666 = arith.constant 0 : i32
        %dma_wait3A_1667 = tpu.memref_slice %arg8[%dma_wait3A_1665, %dma_wait3A_1666] : memref<200x128xf32, #tpu.memory_space<vmem_shared>> -> memref<40x128xf32, #tpu.memory_space<vmem_shared>>
        tpu.wait_dma2 semaphore(%run_scoped3A_1639 : memref<!tpu.dma_semaphore, #tpu.memory_space<semaphore_mem>>) src(%dma_wait3A_1667 : memref<40x128xf32, #tpu.memory_space<vmem_shared>>) dst(%dma_wait3A_1664 : memref<40x128xf32, #tpu.memory_space<vmem>>)
        tpu.yield
      }) : () -> ()
      %mul3A_1442 = arith.constant 200 : i32
      %mul3A_1443 = arith.muli %select_n3A_1440, %mul3A_1442 : i32
      %add3A_1444 = arith.constant 80 : i32
      %add3A_1445 = arith.addi %mul3A_1443, %add3A_1444 : i32
      %dma_start3A_1446 = arith.constant 2 : i32
      %dma_start3A_1447 = arith.constant 2 : i32
      %dma_start3A_1448 = arith.constant 0 : i32
      %dma_start3A_1449 = arith.constant 0 : i32
      %dma_start3A_1450 = tpu.memref_slice %arg7[%dma_start3A_1446, %dma_start3A_1448, %dma_start3A_1449] : memref<5x40x128xf32, #tpu.memory_space<vmem>> -> memref<1x40x128xf32, #tpu.memory_space<vmem>>
      %dma_start3A_1451 = tpu.memref_squeeze %dma_start3A_1450 : memref<1x40x128xf32, #tpu.memory_space<vmem>> -> memref<40x128xf32, #tpu.memory_space<vmem>>
      %dma_start3A_1452 = tpu.memref_slice %arg6[%add3A_1445] : memref<25600xi32, #tpu.memory_space<vmem>> -> memref<40xi32, #tpu.memory_space<vmem>>
      %dma_start3A_1453 = arith.constant 0 : i32
      %dma_start3A_1454 = arith.constant 0 : i32
      %dma_start3A_1455 = tpu.memref_slice %arg3[%dma_start3A_1453, %dma_start3A_1454] : memref<1000000x128xf32, #tpu.memory_space<hbm>> -> memref<1000000x128xf32, #tpu.memory_space<hbm>>
      %dma_start3A_1456 = tpu.memref_slice %arg9[%dma_start3A_1447] : memref<5x!tpu.dma_semaphore, #tpu.memory_space<semaphore_mem>> -> memref<1x!tpu.dma_semaphore, #tpu.memory_space<semaphore_mem>>
      %dma_start3A_1457 = tpu.memref_squeeze %dma_start3A_1456 : memref<1x!tpu.dma_semaphore, #tpu.memory_space<semaphore_mem>> -> memref<!tpu.dma_semaphore, #tpu.memory_space<semaphore_mem>>
      tpu.enqueue_indirect_dma source(%dma_start3A_1455 : memref<1000000x128xf32, #tpu.memory_space<hbm>>) target(%dma_start3A_1451 : memref<40x128xf32, #tpu.memory_space<vmem>>) offsets(%dma_start3A_1452 : memref<40xi32, #tpu.memory_space<vmem>>) semaphore(%dma_start3A_1457 : memref<!tpu.dma_semaphore, #tpu.memory_space<semaphore_mem>>) {add = true}
      %mul3A_1458 = arith.constant 5 : i32
      %mul3A_1459 = arith.muli %scan3A_733, %mul3A_1458 : i32
      %add3A_1460 = arith.constant 4 : i32
      %add3A_1461 = arith.addi %mul3A_1459, %add3A_1460 : i32
      %jit3A_1462 = arith.constant 5 : i32
      %div3A_1463 = arith.divsi %add3A_1461, %jit3A_1462 : i32
      %sign3A_1464 = arith.constant 0 : i32
      %sign3A_1465 = arith.cmpi sgt, %add3A_1461, %sign3A_1464 : i32
      %sign3A_1466 = arith.extui %sign3A_1465 : i1 to i32
      %sign3A_1467 = arith.constant 0 : i32
      %sign3A_1468 = arith.cmpi slt, %add3A_1461, %sign3A_1467 : i32
      %sign3A_1469 = arith.extui %sign3A_1468 : i1 to i32
      %sign3A_1470 = arith.subi %sign3A_1466, %sign3A_1469 : i32
      %sign3A_1471 = arith.constant 0 : i32
      %sign3A_1472 = arith.cmpi sgt, %jit3A_1462, %sign3A_1471 : i32
      %sign3A_1473 = arith.extui %sign3A_1472 : i1 to i32
      %sign3A_1474 = arith.constant 0 : i32
      %sign3A_1475 = arith.cmpi slt, %jit3A_1462, %sign3A_1474 : i32
      %sign3A_1476 = arith.extui %sign3A_1475 : i1 to i32
      %sign3A_1477 = arith.subi %sign3A_1473, %sign3A_1476 : i32
      %ne3A_1478 = arith.cmpi ne, %sign3A_1470, %sign3A_1477 : i32
      %rem3A_1479 = arith.remsi %add3A_1461, %jit3A_1462 : i32
      %ne3A_1480 = arith.constant 0 : i32
      %ne3A_1481 = arith.cmpi ne, %rem3A_1479, %ne3A_1480 : i32
      %and3A_1482 = arith.andi %ne3A_1478, %ne3A_1481 : i1
      %sub3A_1483 = arith.constant 1 : i32
      %sub3A_1484 = arith.subi %div3A_1463, %sub3A_1483 : i32
      %select_n3A_1485 = arith.select %and3A_1482, %sub3A_1484, %div3A_1463 : i32
      %mul3A_1486 = arith.constant 200 : i32
      %mul3A_1487 = arith.muli %select_n3A_1485, %mul3A_1486 : i32
      %add3A_1488 = arith.constant 160 : i32
      %add3A_1489 = arith.addi %mul3A_1487, %add3A_1488 : i32
      %dma_wait3A_1490 = arith.constant 4 : i32
      %dma_wait3A_1491 = arith.constant 4 : i32
      %dma_wait3A_1492 = arith.constant 0 : i32
      %dma_wait3A_1493 = arith.constant 0 : i32
      %dma_wait3A_1494 = tpu.memref_slice %arg7[%dma_wait3A_1490, %dma_wait3A_1492, %dma_wait3A_1493] : memref<5x40x128xf32, #tpu.memory_space<vmem>> -> memref<1x40x128xf32, #tpu.memory_space<vmem>>
      %dma_wait3A_1495 = tpu.memref_squeeze %dma_wait3A_1494 : memref<1x40x128xf32, #tpu.memory_space<vmem>> -> memref<40x128xf32, #tpu.memory_space<vmem>>
      %dma_wait3A_1496 = tpu.memref_slice %arg6[%add3A_1489] : memref<25600xi32, #tpu.memory_space<vmem>> -> memref<40xi32, #tpu.memory_space<vmem>>
      %dma_wait3A_1497 = arith.constant 0 : i32
      %dma_wait3A_1498 = arith.constant 0 : i32
      %dma_wait3A_1499 = tpu.memref_slice %arg3[%dma_wait3A_1497, %dma_wait3A_1498] : memref<1000000x128xf32, #tpu.memory_space<hbm>> -> memref<1000000x128xf32, #tpu.memory_space<hbm>>
      %dma_wait3A_1500 = tpu.memref_slice %arg9[%dma_wait3A_1491] : memref<5x!tpu.dma_semaphore, #tpu.memory_space<semaphore_mem>> -> memref<1x!tpu.dma_semaphore, #tpu.memory_space<semaphore_mem>>
      %dma_wait3A_1501 = tpu.memref_squeeze %dma_wait3A_1500 : memref<1x!tpu.dma_semaphore, #tpu.memory_space<semaphore_mem>> -> memref<!tpu.dma_semaphore, #tpu.memory_space<semaphore_mem>>
      tpu.wait_indirect_dma semaphore(%dma_wait3A_1501 : memref<!tpu.dma_semaphore, #tpu.memory_space<semaphore_mem>>) src(%dma_wait3A_1499 : memref<1000000x128xf32, #tpu.memory_space<hbm>>) dst(%dma_wait3A_1495 : memref<40x128xf32, #tpu.memory_space<vmem>>)
      %jit3A_1502 = arith.constant 5 : i32
      %div3A_1503 = arith.divsi %add3A_1461, %jit3A_1502 : i32
      %sign3A_1504 = arith.constant 0 : i32
      %sign3A_1505 = arith.cmpi sgt, %add3A_1461, %sign3A_1504 : i32
      %sign3A_1506 = arith.extui %sign3A_1505 : i1 to i32
      %sign3A_1507 = arith.constant 0 : i32
      %sign3A_1508 = arith.cmpi slt, %add3A_1461, %sign3A_1507 : i32
      %sign3A_1509 = arith.extui %sign3A_1508 : i1 to i32
      %sign3A_1510 = arith.subi %sign3A_1506, %sign3A_1509 : i32
      %sign3A_1511 = arith.constant 0 : i32
      %sign3A_1512 = arith.cmpi sgt, %jit3A_1502, %sign3A_1511 : i32
      %sign3A_1513 = arith.extui %sign3A_1512 : i1 to i32
      %sign3A_1514 = arith.constant 0 : i32
      %sign3A_1515 = arith.cmpi slt, %jit3A_1502, %sign3A_1514 : i32
      %sign3A_1516 = arith.extui %sign3A_1515 : i1 to i32
      %sign3A_1517 = arith.subi %sign3A_1513, %sign3A_1516 : i32
      %ne3A_1518 = arith.cmpi ne, %sign3A_1510, %sign3A_1517 : i32
      %rem3A_1519 = arith.remsi %add3A_1461, %jit3A_1502 : i32
      %ne3A_1520 = arith.constant 0 : i32
      %ne3A_1521 = arith.cmpi ne, %rem3A_1519, %ne3A_1520 : i32
      %and3A_1522 = arith.andi %ne3A_1518, %ne3A_1521 : i1
      %sub3A_1523 = arith.constant 1 : i32
      %sub3A_1524 = arith.subi %div3A_1503, %sub3A_1523 : i32
      %select_n3A_1525 = arith.select %and3A_1522, %sub3A_1524, %div3A_1503 : i32
      %add3A_1526 = arith.addi %select_n3A, %select_n3A_1525 : i32
      %dma_start3A_1527 = arith.constant 4 : i32
      %dma_start3A_1528 = arith.constant 4 : i32
      %dma_start3A_1529 = arith.constant 0 : i32
      %dma_start3A_1530 = arith.constant 0 : i32
      %dma_start3A_1531 = tpu.memref_slice %arg7[%dma_start3A_1527, %dma_start3A_1529, %dma_start3A_1530] : memref<5x40x128xf32, #tpu.memory_space<vmem>> -> memref<1x40x128xf32, #tpu.memory_space<vmem>>
      %dma_start3A_1532 = tpu.memref_squeeze %dma_start3A_1531 : memref<1x40x128xf32, #tpu.memory_space<vmem>> -> memref<40x128xf32, #tpu.memory_space<vmem>>
      %dma_start3A_1533 = arith.constant 160 : i32
      %dma_start3A_1534 = arith.constant 0 : i32
      %dma_start3A_1535 = tpu.memref_slice %arg5[%add3A_1526, %dma_start3A_1533, %dma_start3A_1534] : memref<4096x200x128xf32, #tpu.memory_space<hbm>> -> memref<1x40x128xf32, #tpu.memory_space<hbm>>
      %dma_start3A_1536 = tpu.memref_squeeze %dma_start3A_1535 : memref<1x40x128xf32, #tpu.memory_space<hbm>> -> memref<40x128xf32, #tpu.memory_space<hbm>>
      %dma_start3A_1537 = tpu.memref_slice %arg10[%dma_start3A_1528] : memref<5x!tpu.dma_semaphore, #tpu.memory_space<semaphore_mem>> -> memref<1x!tpu.dma_semaphore, #tpu.memory_space<semaphore_mem>>
      %dma_start3A_1538 = tpu.memref_squeeze %dma_start3A_1537 : memref<1x!tpu.dma_semaphore, #tpu.memory_space<semaphore_mem>> -> memref<!tpu.dma_semaphore, #tpu.memory_space<semaphore_mem>>
      %dma_start3A_1539 = arith.constant 160 : i32
      %dma_start3A_1540 = arith.constant 0 : i32
      %dma_start3A_1541 = tpu.memref_slice %arg5[%add3A_1526, %dma_start3A_1539, %dma_start3A_1540] : memref<4096x200x128xf32, #tpu.memory_space<hbm>> -> memref<1x40x128xf32, #tpu.memory_space<hbm>>
      %dma_start3A_1542 = tpu.memref_squeeze %dma_start3A_1541 : memref<1x40x128xf32, #tpu.memory_space<hbm>> -> memref<40x128xf32, #tpu.memory_space<hbm>>
      %dma_start3A_1543 = arith.constant 0 : i32
      %dma_start3A_1544 = arith.constant 0 : i32
      %dma_start3A_1545 = tpu.memref_slice %arg7[%dma_start3A_1527, %dma_start3A_1543, %dma_start3A_1544] : memref<5x40x128xf32, #tpu.memory_space<vmem>> -> memref<1x40x128xf32, #tpu.memory_space<vmem>>
      %dma_start3A_1546 = tpu.memref_squeeze %dma_start3A_1545 : memref<1x40x128xf32, #tpu.memory_space<vmem>> -> memref<40x128xf32, #tpu.memory_space<vmem>>
      tpu.enqueue_dma source(%dma_start3A_1546 : memref<40x128xf32, #tpu.memory_space<vmem>>) target(%dma_start3A_1542 : memref<40x128xf32, #tpu.memory_space<hbm>>) target_semaphore(%dma_start3A_1538 : memref<!tpu.dma_semaphore, #tpu.memory_space<semaphore_mem>>)
      %add3A_1547 = arith.constant 5 : i32
      %add3A_1548 = arith.addi %add3A_1461, %add3A_1547 : i32
      %sub3A_1549 = arith.constant 1 : i32
      %sub3A_1550 = arith.subi %add3A_1548, %sub3A_1549 : i32
      %sub3A_1551 = arith.constant 1 : i32
      %sub3A_1552 = arith.subi %add3A_1461, %sub3A_1551 : i32
      %jit3A_1553 = arith.constant 5 : i32
      %div3A_1554 = arith.divsi %sub3A_1552, %jit3A_1553 : i32
      %sign3A_1555 = arith.constant 0 : i32
      %sign3A_1556 = arith.cmpi sgt, %sub3A_1552, %sign3A_1555 : i32
      %sign3A_1557 = arith.extui %sign3A_1556 : i1 to i32
      %sign3A_1558 = arith.constant 0 : i32
      %sign3A_1559 = arith.cmpi slt, %sub3A_1552, %sign3A_1558 : i32
      %sign3A_1560 = arith.extui %sign3A_1559 : i1 to i32
      %sign3A_1561 = arith.subi %sign3A_1557, %sign3A_1560 : i32
      %sign3A_1562 = arith.constant 0 : i32
      %sign3A_1563 = arith.cmpi sgt, %jit3A_1553, %sign3A_1562 : i32
      %sign3A_1564 = arith.extui %sign3A_1563 : i1 to i32
      %sign3A_1565 = arith.constant 0 : i32
      %sign3A_1566 = arith.cmpi slt, %jit3A_1553, %sign3A_1565 : i32
      %sign3A_1567 = arith.extui %sign3A_1566 : i1 to i32
      %sign3A_1568 = arith.subi %sign3A_1564, %sign3A_1567 : i32
      %ne3A_1569 = arith.cmpi ne, %sign3A_1561, %sign3A_1568 : i32
      %rem3A_1570 = arith.remsi %sub3A_1552, %jit3A_1553 : i32
      %ne3A_1571 = arith.constant 0 : i32
      %ne3A_1572 = arith.cmpi ne, %rem3A_1570, %ne3A_1571 : i32
      %and3A_1573 = arith.andi %ne3A_1569, %ne3A_1572 : i1
      %sub3A_1574 = arith.constant 1 : i32
      %sub3A_1575 = arith.subi %div3A_1554, %sub3A_1574 : i32
      %select_n3A_1576 = arith.select %and3A_1573, %sub3A_1575, %div3A_1554 : i32
      %add3A_1577 = arith.addi %select_n3A, %select_n3A_1576 : i32
      %dma_wait3A_1578 = arith.constant 3 : i32
      %dma_wait3A_1579 = arith.constant 3 : i32
      %dma_wait3A_1580 = arith.constant 0 : i32
      %dma_wait3A_1581 = arith.constant 0 : i32
      %dma_wait3A_1582 = tpu.memref_slice %arg7[%dma_wait3A_1578, %dma_wait3A_1580, %dma_wait3A_1581] : memref<5x40x128xf32, #tpu.memory_space<vmem>> -> memref<1x40x128xf32, #tpu.memory_space<vmem>>
      %dma_wait3A_1583 = tpu.memref_squeeze %dma_wait3A_1582 : memref<1x40x128xf32, #tpu.memory_space<vmem>> -> memref<40x128xf32, #tpu.memory_space<vmem>>
      %dma_wait3A_1584 = arith.constant 120 : i32
      %dma_wait3A_1585 = arith.constant 0 : i32
      %dma_wait3A_1586 = tpu.memref_slice %arg5[%add3A_1577, %dma_wait3A_1584, %dma_wait3A_1585] : memref<4096x200x128xf32, #tpu.memory_space<hbm>> -> memref<1x40x128xf32, #tpu.memory_space<hbm>>
      %dma_wait3A_1587 = tpu.memref_squeeze %dma_wait3A_1586 : memref<1x40x128xf32, #tpu.memory_space<hbm>> -> memref<40x128xf32, #tpu.memory_space<hbm>>
      %dma_wait3A_1588 = tpu.memref_slice %arg10[%dma_wait3A_1579] : memref<5x!tpu.dma_semaphore, #tpu.memory_space<semaphore_mem>> -> memref<1x!tpu.dma_semaphore, #tpu.memory_space<semaphore_mem>>
      %dma_wait3A_1589 = tpu.memref_squeeze %dma_wait3A_1588 : memref<1x!tpu.dma_semaphore, #tpu.memory_space<semaphore_mem>> -> memref<!tpu.dma_semaphore, #tpu.memory_space<semaphore_mem>>
      %dma_wait3A_1590 = arith.constant 120 : i32
      %dma_wait3A_1591 = arith.constant 0 : i32
      %dma_wait3A_1592 = tpu.memref_slice %arg5[%add3A_1577, %dma_wait3A_1590, %dma_wait3A_1591] : memref<4096x200x128xf32, #tpu.memory_space<hbm>> -> memref<1x40x128xf32, #tpu.memory_space<hbm>>
      %dma_wait3A_1593 = tpu.memref_squeeze %dma_wait3A_1592 : memref<1x40x128xf32, #tpu.memory_space<hbm>> -> memref<40x128xf32, #tpu.memory_space<hbm>>
      %dma_wait3A_1594 = arith.constant 0 : i32
      %dma_wait3A_1595 = arith.constant 0 : i32
      %dma_wait3A_1596 = tpu.memref_slice %arg7[%dma_wait3A_1578, %dma_wait3A_1594, %dma_wait3A_1595] : memref<5x40x128xf32, #tpu.memory_space<vmem>> -> memref<1x40x128xf32, #tpu.memory_space<vmem>>
      %dma_wait3A_1597 = tpu.memref_squeeze %dma_wait3A_1596 : memref<1x40x128xf32, #tpu.memory_space<vmem>> -> memref<40x128xf32, #tpu.memory_space<vmem>>
      tpu.wait_dma2 semaphore(%dma_wait3A_1589 : memref<!tpu.dma_semaphore, #tpu.memory_space<semaphore_mem>>) src(%dma_wait3A_1597 : memref<40x128xf32, #tpu.memory_space<vmem>>) dst(%dma_wait3A_1593 : memref<40x128xf32, #tpu.memory_space<hbm>>)
      %jit3A_1598 = arith.constant 5 : i32
      %div3A_1599 = arith.divsi %sub3A_1550, %jit3A_1598 : i32
      %sign3A_1600 = arith.constant 0 : i32
      %sign3A_1601 = arith.cmpi sgt, %sub3A_1550, %sign3A_1600 : i32
      %sign3A_1602 = arith.extui %sign3A_1601 : i1 to i32
      %sign3A_1603 = arith.constant 0 : i32
      %sign3A_1604 = arith.cmpi slt, %sub3A_1550, %sign3A_1603 : i32
      %sign3A_1605 = arith.extui %sign3A_1604 : i1 to i32
      %sign3A_1606 = arith.subi %sign3A_1602, %sign3A_1605 : i32
      %sign3A_1607 = arith.constant 0 : i32
      %sign3A_1608 = arith.cmpi sgt, %jit3A_1598, %sign3A_1607 : i32
      %sign3A_1609 = arith.extui %sign3A_1608 : i1 to i32
      %sign3A_1610 = arith.constant 0 : i32
      %sign3A_1611 = arith.cmpi slt, %jit3A_1598, %sign3A_1610 : i32
      %sign3A_1612 = arith.extui %sign3A_1611 : i1 to i32
      %sign3A_1613 = arith.subi %sign3A_1609, %sign3A_1612 : i32
      %ne3A_1614 = arith.cmpi ne, %sign3A_1606, %sign3A_1613 : i32
      %rem3A_1615 = arith.remsi %sub3A_1550, %jit3A_1598 : i32
      %ne3A_1616 = arith.constant 0 : i32
      %ne3A_1617 = arith.cmpi ne, %rem3A_1615, %ne3A_1616 : i32
      %and3A_1618 = arith.andi %ne3A_1614, %ne3A_1617 : i1
      %sub3A_1619 = arith.constant 1 : i32
      %sub3A_1620 = arith.subi %div3A_1599, %sub3A_1619 : i32
      %select_n3A_1621 = arith.select %and3A_1618, %sub3A_1620, %div3A_1599 : i32
      %run_scoped3A_1622 = arith.constant 3 : i32
      "tpu.region"() ({
        %run_scoped3A_1639 = tpu.sem_alloc : memref<!tpu.dma_semaphore, #tpu.memory_space<semaphore_mem>>
        %dma_start3A_1640 = arith.constant 0 : i32
        %dma_start3A_1641 = arith.constant 0 : i32
        %dma_start3A_1642 = tpu.memref_slice %arg7[%run_scoped3A_1622, %dma_start3A_1640, %dma_start3A_1641] : memref<5x40x128xf32, #tpu.memory_space<vmem>> -> memref<1x40x128xf32, #tpu.memory_space<vmem>>
        %dma_start3A_1643 = tpu.memref_squeeze %dma_start3A_1642 : memref<1x40x128xf32, #tpu.memory_space<vmem>> -> memref<40x128xf32, #tpu.memory_space<vmem>>
        %dma_start3A_1644 = arith.constant 120 : i32
        %dma_start3A_1645 = arith.constant 0 : i32
        %dma_start3A_1646 = tpu.memref_slice %arg8[%dma_start3A_1644, %dma_start3A_1645] : memref<200x128xf32, #tpu.memory_space<vmem_shared>> -> memref<40x128xf32, #tpu.memory_space<vmem_shared>>
        %dma_start3A_1647 = arith.constant 0 : i32
        %dma_start3A_1648 = arith.constant 0 : i32
        %dma_start3A_1649 = tpu.memref_slice %arg7[%run_scoped3A_1622, %dma_start3A_1647, %dma_start3A_1648] : memref<5x40x128xf32, #tpu.memory_space<vmem>> -> memref<1x40x128xf32, #tpu.memory_space<vmem>>
        %dma_start3A_1650 = tpu.memref_squeeze %dma_start3A_1649 : memref<1x40x128xf32, #tpu.memory_space<vmem>> -> memref<40x128xf32, #tpu.memory_space<vmem>>
        %dma_start3A_1651 = arith.constant 120 : i32
        %dma_start3A_1652 = arith.constant 0 : i32
        %dma_start3A_1653 = tpu.memref_slice %arg8[%dma_start3A_1651, %dma_start3A_1652] : memref<200x128xf32, #tpu.memory_space<vmem_shared>> -> memref<40x128xf32, #tpu.memory_space<vmem_shared>>
        tpu.enqueue_dma source(%dma_start3A_1653 : memref<40x128xf32, #tpu.memory_space<vmem_shared>>) target(%dma_start3A_1650 : memref<40x128xf32, #tpu.memory_space<vmem>>) target_semaphore(%run_scoped3A_1639 : memref<!tpu.dma_semaphore, #tpu.memory_space<semaphore_mem>>)
        %dma_wait3A_1654 = arith.constant 0 : i32
        %dma_wait3A_1655 = arith.constant 0 : i32
        %dma_wait3A_1656 = tpu.memref_slice %arg7[%run_scoped3A_1622, %dma_wait3A_1654, %dma_wait3A_1655] : memref<5x40x128xf32, #tpu.memory_space<vmem>> -> memref<1x40x128xf32, #tpu.memory_space<vmem>>
        %dma_wait3A_1657 = tpu.memref_squeeze %dma_wait3A_1656 : memref<1x40x128xf32, #tpu.memory_space<vmem>> -> memref<40x128xf32, #tpu.memory_space<vmem>>
        %dma_wait3A_1658 = arith.constant 120 : i32
        %dma_wait3A_1659 = arith.constant 0 : i32
        %dma_wait3A_1660 = tpu.memref_slice %arg8[%dma_wait3A_1658, %dma_wait3A_1659] : memref<200x128xf32, #tpu.memory_space<vmem_shared>> -> memref<40x128xf32, #tpu.memory_space<vmem_shared>>
        %dma_wait3A_1661 = arith.constant 0 : i32
        %dma_wait3A_1662 = arith.constant 0 : i32
        %dma_wait3A_1663 = tpu.memref_slice %arg7[%run_scoped3A_1622, %dma_wait3A_1661, %dma_wait3A_1662] : memref<5x40x128xf32, #tpu.memory_space<vmem>> -> memref<1x40x128xf32, #tpu.memory_space<vmem>>
        %dma_wait3A_1664 = tpu.memref_squeeze %dma_wait3A_1663 : memref<1x40x128xf32, #tpu.memory_space<vmem>> -> memref<40x128xf32, #tpu.memory_space<vmem>>
        %dma_wait3A_1665 = arith.constant 120 : i32
        %dma_wait3A_1666 = arith.constant 0 : i32
        %dma_wait3A_1667 = tpu.memref_slice %arg8[%dma_wait3A_1665, %dma_wait3A_1666] : memref<200x128xf32, #tpu.memory_space<vmem_shared>> -> memref<40x128xf32, #tpu.memory_space<vmem_shared>>
        tpu.wait_dma2 semaphore(%run_scoped3A_1639 : memref<!tpu.dma_semaphore, #tpu.memory_space<semaphore_mem>>) src(%dma_wait3A_1667 : memref<40x128xf32, #tpu.memory_space<vmem_shared>>) dst(%dma_wait3A_1664 : memref<40x128xf32, #tpu.memory_space<vmem>>)
        tpu.yield
      }) : () -> ()
      %mul3A_1623 = arith.constant 200 : i32
      %mul3A_1624 = arith.muli %select_n3A_1621, %mul3A_1623 : i32
      %add3A_1625 = arith.constant 120 : i32
      %add3A_1626 = arith.addi %mul3A_1624, %add3A_1625 : i32
      %dma_start3A_1627 = arith.constant 3 : i32
      %dma_start3A_1628 = arith.constant 3 : i32
      %dma_start3A_1629 = arith.constant 0 : i32
      %dma_start3A_1630 = arith.constant 0 : i32
      %dma_start3A_1631 = tpu.memref_slice %arg7[%dma_start3A_1627, %dma_start3A_1629, %dma_start3A_1630] : memref<5x40x128xf32, #tpu.memory_space<vmem>> -> memref<1x40x128xf32, #tpu.memory_space<vmem>>
      %dma_start3A_1632 = tpu.memref_squeeze %dma_start3A_1631 : memref<1x40x128xf32, #tpu.memory_space<vmem>> -> memref<40x128xf32, #tpu.memory_space<vmem>>
      %dma_start3A_1633 = tpu.memref_slice %arg6[%add3A_1626] : memref<25600xi32, #tpu.memory_space<vmem>> -> memref<40xi32, #tpu.memory_space<vmem>>
      %dma_start3A_1634 = arith.constant 0 : i32
      %dma_start3A_1635 = arith.constant 0 : i32
      %dma_start3A_1636 = tpu.memref_slice %arg3[%dma_start3A_1634, %dma_start3A_1635] : memref<1000000x128xf32, #tpu.memory_space<hbm>> -> memref<1000000x128xf32, #tpu.memory_space<hbm>>
      %dma_start3A_1637 = tpu.memref_slice %arg9[%dma_start3A_1628] : memref<5x!tpu.dma_semaphore, #tpu.memory_space<semaphore_mem>> -> memref<1x!tpu.dma_semaphore, #tpu.memory_space<semaphore_mem>>
      %dma_start3A_1638 = tpu.memref_squeeze %dma_start3A_1637 : memref<1x!tpu.dma_semaphore, #tpu.memory_space<semaphore_mem>> -> memref<!tpu.dma_semaphore, #tpu.memory_space<semaphore_mem>>
      tpu.enqueue_indirect_dma source(%dma_start3A_1636 : memref<1000000x128xf32, #tpu.memory_space<hbm>>) target(%dma_start3A_1632 : memref<40x128xf32, #tpu.memory_space<vmem>>) offsets(%dma_start3A_1633 : memref<40xi32, #tpu.memory_space<vmem>>) semaphore(%dma_start3A_1638 : memref<!tpu.dma_semaphore, #tpu.memory_space<semaphore_mem>>) {add = true}
    }
    %scan3A_411 = arith.constant 126 : i32
    %dma_wait3A_412 = arith.constant 0 : i32
    %dma_wait3A_413 = arith.constant 0 : i32
    %dma_wait3A_414 = arith.constant 0 : i32
    %dma_wait3A_415 = arith.constant 0 : i32
    %dma_wait3A_416 = tpu.memref_slice %arg7[%dma_wait3A_412, %dma_wait3A_414, %dma_wait3A_415] : memref<5x40x128xf32, #tpu.memory_space<vmem>> -> memref<1x40x128xf32, #tpu.memory_space<vmem>>
    %dma_wait3A_417 = tpu.memref_squeeze %dma_wait3A_416 : memref<1x40x128xf32, #tpu.memory_space<vmem>> -> memref<40x128xf32, #tpu.memory_space<vmem>>
    %dma_wait3A_418 = arith.constant 25400 : i32
    %dma_wait3A_419 = tpu.memref_slice %arg6[%dma_wait3A_418] : memref<25600xi32, #tpu.memory_space<vmem>> -> memref<40xi32, #tpu.memory_space<vmem>>
    %dma_wait3A_420 = arith.constant 0 : i32
    %dma_wait3A_421 = arith.constant 0 : i32
    %dma_wait3A_422 = tpu.memref_slice %arg3[%dma_wait3A_420, %dma_wait3A_421] : memref<1000000x128xf32, #tpu.memory_space<hbm>> -> memref<1000000x128xf32, #tpu.memory_space<hbm>>
    %dma_wait3A_423 = tpu.memref_slice %arg9[%dma_wait3A_413] : memref<5x!tpu.dma_semaphore, #tpu.memory_space<semaphore_mem>> -> memref<1x!tpu.dma_semaphore, #tpu.memory_space<semaphore_mem>>
    %dma_wait3A_424 = tpu.memref_squeeze %dma_wait3A_423 : memref<1x!tpu.dma_semaphore, #tpu.memory_space<semaphore_mem>> -> memref<!tpu.dma_semaphore, #tpu.memory_space<semaphore_mem>>
    tpu.wait_indirect_dma semaphore(%dma_wait3A_424 : memref<!tpu.dma_semaphore, #tpu.memory_space<semaphore_mem>>) src(%dma_wait3A_422 : memref<1000000x128xf32, #tpu.memory_space<hbm>>) dst(%dma_wait3A_417 : memref<40x128xf32, #tpu.memory_space<vmem>>)
    %add3A_425 = arith.constant 127 : i32
    %add3A_426 = arith.addi %select_n3A, %add3A_425 : i32
    %dma_start3A_427 = arith.constant 0 : i32
    %dma_start3A_428 = arith.constant 0 : i32
    %dma_start3A_429 = arith.constant 0 : i32
    %dma_start3A_430 = arith.constant 0 : i32
    %dma_start3A_431 = tpu.memref_slice %arg7[%dma_start3A_427, %dma_start3A_429, %dma_start3A_430] : memref<5x40x128xf32, #tpu.memory_space<vmem>> -> memref<1x40x128xf32, #tpu.memory_space<vmem>>
    %dma_start3A_432 = tpu.memref_squeeze %dma_start3A_431 : memref<1x40x128xf32, #tpu.memory_space<vmem>> -> memref<40x128xf32, #tpu.memory_space<vmem>>
    %dma_start3A_433 = arith.constant 0 : i32
    %dma_start3A_434 = arith.constant 0 : i32
    %dma_start3A_435 = tpu.memref_slice %arg5[%add3A_426, %dma_start3A_433, %dma_start3A_434] : memref<4096x200x128xf32, #tpu.memory_space<hbm>> -> memref<1x40x128xf32, #tpu.memory_space<hbm>>
    %dma_start3A_436 = tpu.memref_squeeze %dma_start3A_435 : memref<1x40x128xf32, #tpu.memory_space<hbm>> -> memref<40x128xf32, #tpu.memory_space<hbm>>
    %dma_start3A_437 = tpu.memref_slice %arg10[%dma_start3A_428] : memref<5x!tpu.dma_semaphore, #tpu.memory_space<semaphore_mem>> -> memref<1x!tpu.dma_semaphore, #tpu.memory_space<semaphore_mem>>
    %dma_start3A_438 = tpu.memref_squeeze %dma_start3A_437 : memref<1x!tpu.dma_semaphore, #tpu.memory_space<semaphore_mem>> -> memref<!tpu.dma_semaphore, #tpu.memory_space<semaphore_mem>>
    %dma_start3A_439 = arith.constant 0 : i32
    %dma_start3A_440 = arith.constant 0 : i32
    %dma_start3A_441 = tpu.memref_slice %arg5[%add3A_426, %dma_start3A_439, %dma_start3A_440] : memref<4096x200x128xf32, #tpu.memory_space<hbm>> -> memref<1x40x128xf32, #tpu.memory_space<hbm>>
    %dma_start3A_442 = tpu.memref_squeeze %dma_start3A_441 : memref<1x40x128xf32, #tpu.memory_space<hbm>> -> memref<40x128xf32, #tpu.memory_space<hbm>>
    %dma_start3A_443 = arith.constant 0 : i32
    %dma_start3A_444 = arith.constant 0 : i32
    %dma_start3A_445 = tpu.memref_slice %arg7[%dma_start3A_427, %dma_start3A_443, %dma_start3A_444] : memref<5x40x128xf32, #tpu.memory_space<vmem>> -> memref<1x40x128xf32, #tpu.memory_space<vmem>>
    %dma_start3A_446 = tpu.memref_squeeze %dma_start3A_445 : memref<1x40x128xf32, #tpu.memory_space<vmem>> -> memref<40x128xf32, #tpu.memory_space<vmem>>
    tpu.enqueue_dma source(%dma_start3A_446 : memref<40x128xf32, #tpu.memory_space<vmem>>) target(%dma_start3A_442 : memref<40x128xf32, #tpu.memory_space<hbm>>) target_semaphore(%dma_start3A_438 : memref<!tpu.dma_semaphore, #tpu.memory_space<semaphore_mem>>)
    %add3A_447 = arith.constant 126 : i32
    %add3A_448 = arith.addi %select_n3A, %add3A_447 : i32
    %dma_wait3A_449 = arith.constant 4 : i32
    %dma_wait3A_450 = arith.constant 4 : i32
    %dma_wait3A_451 = arith.constant 0 : i32
    %dma_wait3A_452 = arith.constant 0 : i32
    %dma_wait3A_453 = tpu.memref_slice %arg7[%dma_wait3A_449, %dma_wait3A_451, %dma_wait3A_452] : memref<5x40x128xf32, #tpu.memory_space<vmem>> -> memref<1x40x128xf32, #tpu.memory_space<vmem>>
    %dma_wait3A_454 = tpu.memref_squeeze %dma_wait3A_453 : memref<1x40x128xf32, #tpu.memory_space<vmem>> -> memref<40x128xf32, #tpu.memory_space<vmem>>
    %dma_wait3A_455 = arith.constant 160 : i32
    %dma_wait3A_456 = arith.constant 0 : i32
    %dma_wait3A_457 = tpu.memref_slice %arg5[%add3A_448, %dma_wait3A_455, %dma_wait3A_456] : memref<4096x200x128xf32, #tpu.memory_space<hbm>> -> memref<1x40x128xf32, #tpu.memory_space<hbm>>
    %dma_wait3A_458 = tpu.memref_squeeze %dma_wait3A_457 : memref<1x40x128xf32, #tpu.memory_space<hbm>> -> memref<40x128xf32, #tpu.memory_space<hbm>>
    %dma_wait3A_459 = tpu.memref_slice %arg10[%dma_wait3A_450] : memref<5x!tpu.dma_semaphore, #tpu.memory_space<semaphore_mem>> -> memref<1x!tpu.dma_semaphore, #tpu.memory_space<semaphore_mem>>
    %dma_wait3A_460 = tpu.memref_squeeze %dma_wait3A_459 : memref<1x!tpu.dma_semaphore, #tpu.memory_space<semaphore_mem>> -> memref<!tpu.dma_semaphore, #tpu.memory_space<semaphore_mem>>
    %dma_wait3A_461 = arith.constant 160 : i32
    %dma_wait3A_462 = arith.constant 0 : i32
    %dma_wait3A_463 = tpu.memref_slice %arg5[%add3A_448, %dma_wait3A_461, %dma_wait3A_462] : memref<4096x200x128xf32, #tpu.memory_space<hbm>> -> memref<1x40x128xf32, #tpu.memory_space<hbm>>
    %dma_wait3A_464 = tpu.memref_squeeze %dma_wait3A_463 : memref<1x40x128xf32, #tpu.memory_space<hbm>> -> memref<40x128xf32, #tpu.memory_space<hbm>>
    %dma_wait3A_465 = arith.constant 0 : i32
    %dma_wait3A_466 = arith.constant 0 : i32
    %dma_wait3A_467 = tpu.memref_slice %arg7[%dma_wait3A_449, %dma_wait3A_465, %dma_wait3A_466] : memref<5x40x128xf32, #tpu.memory_space<vmem>> -> memref<1x40x128xf32, #tpu.memory_space<vmem>>
    %dma_wait3A_468 = tpu.memref_squeeze %dma_wait3A_467 : memref<1x40x128xf32, #tpu.memory_space<vmem>> -> memref<40x128xf32, #tpu.memory_space<vmem>>
    tpu.wait_dma2 semaphore(%dma_wait3A_460 : memref<!tpu.dma_semaphore, #tpu.memory_space<semaphore_mem>>) src(%dma_wait3A_468 : memref<40x128xf32, #tpu.memory_space<vmem>>) dst(%dma_wait3A_464 : memref<40x128xf32, #tpu.memory_space<hbm>>)
    %run_scoped3A_469 = arith.constant 4 : i32
    "tpu.region"() ({
      %run_scoped3A_733 = tpu.sem_alloc : memref<!tpu.dma_semaphore, #tpu.memory_space<semaphore_mem>>
      %dma_start3A_734 = arith.constant 0 : i32
      %dma_start3A_735 = arith.constant 0 : i32
      %dma_start3A_736 = tpu.memref_slice %arg7[%run_scoped3A_469, %dma_start3A_734, %dma_start3A_735] : memref<5x40x128xf32, #tpu.memory_space<vmem>> -> memref<1x40x128xf32, #tpu.memory_space<vmem>>
      %dma_start3A_737 = tpu.memref_squeeze %dma_start3A_736 : memref<1x40x128xf32, #tpu.memory_space<vmem>> -> memref<40x128xf32, #tpu.memory_space<vmem>>
      %dma_start3A_738 = arith.constant 160 : i32
      %dma_start3A_739 = arith.constant 0 : i32
      %dma_start3A_740 = tpu.memref_slice %arg8[%dma_start3A_738, %dma_start3A_739] : memref<200x128xf32, #tpu.memory_space<vmem_shared>> -> memref<40x128xf32, #tpu.memory_space<vmem_shared>>
      %dma_start3A_741 = arith.constant 0 : i32
      %dma_start3A_742 = arith.constant 0 : i32
      %dma_start3A_743 = tpu.memref_slice %arg7[%run_scoped3A_469, %dma_start3A_741, %dma_start3A_742] : memref<5x40x128xf32, #tpu.memory_space<vmem>> -> memref<1x40x128xf32, #tpu.memory_space<vmem>>
      %dma_start3A_744 = tpu.memref_squeeze %dma_start3A_743 : memref<1x40x128xf32, #tpu.memory_space<vmem>> -> memref<40x128xf32, #tpu.memory_space<vmem>>
      %dma_start3A_745 = arith.constant 160 : i32
      %dma_start3A_746 = arith.constant 0 : i32
      %dma_start3A_747 = tpu.memref_slice %arg8[%dma_start3A_745, %dma_start3A_746] : memref<200x128xf32, #tpu.memory_space<vmem_shared>> -> memref<40x128xf32, #tpu.memory_space<vmem_shared>>
      tpu.enqueue_dma source(%dma_start3A_747 : memref<40x128xf32, #tpu.memory_space<vmem_shared>>) target(%dma_start3A_744 : memref<40x128xf32, #tpu.memory_space<vmem>>) target_semaphore(%run_scoped3A_733 : memref<!tpu.dma_semaphore, #tpu.memory_space<semaphore_mem>>)
      %dma_wait3A_748 = arith.constant 0 : i32
      %dma_wait3A_749 = arith.constant 0 : i32
      %dma_wait3A_750 = tpu.memref_slice %arg7[%run_scoped3A_469, %dma_wait3A_748, %dma_wait3A_749] : memref<5x40x128xf32, #tpu.memory_space<vmem>> -> memref<1x40x128xf32, #tpu.memory_space<vmem>>
      %dma_wait3A_751 = tpu.memref_squeeze %dma_wait3A_750 : memref<1x40x128xf32, #tpu.memory_space<vmem>> -> memref<40x128xf32, #tpu.memory_space<vmem>>
      %dma_wait3A_752 = arith.constant 160 : i32
      %dma_wait3A_753 = arith.constant 0 : i32
      %dma_wait3A_754 = tpu.memref_slice %arg8[%dma_wait3A_752, %dma_wait3A_753] : memref<200x128xf32, #tpu.memory_space<vmem_shared>> -> memref<40x128xf32, #tpu.memory_space<vmem_shared>>
      %dma_wait3A_755 = arith.constant 0 : i32
      %dma_wait3A_756 = arith.constant 0 : i32
      %dma_wait3A_757 = tpu.memref_slice %arg7[%run_scoped3A_469, %dma_wait3A_755, %dma_wait3A_756] : memref<5x40x128xf32, #tpu.memory_space<vmem>> -> memref<1x40x128xf32, #tpu.memory_space<vmem>>
      %dma_wait3A_758 = tpu.memref_squeeze %dma_wait3A_757 : memref<1x40x128xf32, #tpu.memory_space<vmem>> -> memref<40x128xf32, #tpu.memory_space<vmem>>
      %dma_wait3A_759 = arith.constant 160 : i32
      %dma_wait3A_760 = arith.constant 0 : i32
      %dma_wait3A_761 = tpu.memref_slice %arg8[%dma_wait3A_759, %dma_wait3A_760] : memref<200x128xf32, #tpu.memory_space<vmem_shared>> -> memref<40x128xf32, #tpu.memory_space<vmem_shared>>
      tpu.wait_dma2 semaphore(%run_scoped3A_733 : memref<!tpu.dma_semaphore, #tpu.memory_space<semaphore_mem>>) src(%dma_wait3A_761 : memref<40x128xf32, #tpu.memory_space<vmem_shared>>) dst(%dma_wait3A_758 : memref<40x128xf32, #tpu.memory_space<vmem>>)
      tpu.yield
    }) : () -> ()
    %dma_start3A_470 = arith.constant 4 : i32
    %dma_start3A_471 = arith.constant 4 : i32
    %dma_start3A_472 = arith.constant 0 : i32
    %dma_start3A_473 = arith.constant 0 : i32
    %dma_start3A_474 = tpu.memref_slice %arg7[%dma_start3A_470, %dma_start3A_472, %dma_start3A_473] : memref<5x40x128xf32, #tpu.memory_space<vmem>> -> memref<1x40x128xf32, #tpu.memory_space<vmem>>
    %dma_start3A_475 = tpu.memref_squeeze %dma_start3A_474 : memref<1x40x128xf32, #tpu.memory_space<vmem>> -> memref<40x128xf32, #tpu.memory_space<vmem>>
    %dma_start3A_476 = arith.constant 25560 : i32
    %dma_start3A_477 = tpu.memref_slice %arg6[%dma_start3A_476] : memref<25600xi32, #tpu.memory_space<vmem>> -> memref<40xi32, #tpu.memory_space<vmem>>
    %dma_start3A_478 = arith.constant 0 : i32
    %dma_start3A_479 = arith.constant 0 : i32
    %dma_start3A_480 = tpu.memref_slice %arg3[%dma_start3A_478, %dma_start3A_479] : memref<1000000x128xf32, #tpu.memory_space<hbm>> -> memref<1000000x128xf32, #tpu.memory_space<hbm>>
    %dma_start3A_481 = tpu.memref_slice %arg9[%dma_start3A_471] : memref<5x!tpu.dma_semaphore, #tpu.memory_space<semaphore_mem>> -> memref<1x!tpu.dma_semaphore, #tpu.memory_space<semaphore_mem>>
    %dma_start3A_482 = tpu.memref_squeeze %dma_start3A_481 : memref<1x!tpu.dma_semaphore, #tpu.memory_space<semaphore_mem>> -> memref<!tpu.dma_semaphore, #tpu.memory_space<semaphore_mem>>
    tpu.enqueue_indirect_dma source(%dma_start3A_480 : memref<1000000x128xf32, #tpu.memory_space<hbm>>) target(%dma_start3A_475 : memref<40x128xf32, #tpu.memory_space<vmem>>) offsets(%dma_start3A_477 : memref<40xi32, #tpu.memory_space<vmem>>) semaphore(%dma_start3A_482 : memref<!tpu.dma_semaphore, #tpu.memory_space<semaphore_mem>>) {add = true}
    %dma_wait3A_483 = arith.constant 1 : i32
    %dma_wait3A_484 = arith.constant 1 : i32
    %dma_wait3A_485 = arith.constant 0 : i32
    %dma_wait3A_486 = arith.constant 0 : i32
    %dma_wait3A_487 = tpu.memref_slice %arg7[%dma_wait3A_483, %dma_wait3A_485, %dma_wait3A_486] : memref<5x40x128xf32, #tpu.memory_space<vmem>> -> memref<1x40x128xf32, #tpu.memory_space<vmem>>
    %dma_wait3A_488 = tpu.memref_squeeze %dma_wait3A_487 : memref<1x40x128xf32, #tpu.memory_space<vmem>> -> memref<40x128xf32, #tpu.memory_space<vmem>>
    %dma_wait3A_489 = arith.constant 25440 : i32
    %dma_wait3A_490 = tpu.memref_slice %arg6[%dma_wait3A_489] : memref<25600xi32, #tpu.memory_space<vmem>> -> memref<40xi32, #tpu.memory_space<vmem>>
    %dma_wait3A_491 = arith.constant 0 : i32
    %dma_wait3A_492 = arith.constant 0 : i32
    %dma_wait3A_493 = tpu.memref_slice %arg3[%dma_wait3A_491, %dma_wait3A_492] : memref<1000000x128xf32, #tpu.memory_space<hbm>> -> memref<1000000x128xf32, #tpu.memory_space<hbm>>
    %dma_wait3A_494 = tpu.memref_slice %arg9[%dma_wait3A_484] : memref<5x!tpu.dma_semaphore, #tpu.memory_space<semaphore_mem>> -> memref<1x!tpu.dma_semaphore, #tpu.memory_space<semaphore_mem>>
    %dma_wait3A_495 = tpu.memref_squeeze %dma_wait3A_494 : memref<1x!tpu.dma_semaphore, #tpu.memory_space<semaphore_mem>> -> memref<!tpu.dma_semaphore, #tpu.memory_space<semaphore_mem>>
    tpu.wait_indirect_dma semaphore(%dma_wait3A_495 : memref<!tpu.dma_semaphore, #tpu.memory_space<semaphore_mem>>) src(%dma_wait3A_493 : memref<1000000x128xf32, #tpu.memory_space<hbm>>) dst(%dma_wait3A_488 : memref<40x128xf32, #tpu.memory_space<vmem>>)
    %add3A_496 = arith.constant 127 : i32
    %add3A_497 = arith.addi %select_n3A, %add3A_496 : i32
    %dma_start3A_498 = arith.constant 1 : i32
    %dma_start3A_499 = arith.constant 1 : i32
    %dma_start3A_500 = arith.constant 0 : i32
    %dma_start3A_501 = arith.constant 0 : i32
    %dma_start3A_502 = tpu.memref_slice %arg7[%dma_start3A_498, %dma_start3A_500, %dma_start3A_501] : memref<5x40x128xf32, #tpu.memory_space<vmem>> -> memref<1x40x128xf32, #tpu.memory_space<vmem>>
    %dma_start3A_503 = tpu.memref_squeeze %dma_start3A_502 : memref<1x40x128xf32, #tpu.memory_space<vmem>> -> memref<40x128xf32, #tpu.memory_space<vmem>>
    %dma_start3A_504 = arith.constant 40 : i32
    %dma_start3A_505 = arith.constant 0 : i32
    %dma_start3A_506 = tpu.memref_slice %arg5[%add3A_497, %dma_start3A_504, %dma_start3A_505] : memref<4096x200x128xf32, #tpu.memory_space<hbm>> -> memref<1x40x128xf32, #tpu.memory_space<hbm>>
    %dma_start3A_507 = tpu.memref_squeeze %dma_start3A_506 : memref<1x40x128xf32, #tpu.memory_space<hbm>> -> memref<40x128xf32, #tpu.memory_space<hbm>>
    %dma_start3A_508 = tpu.memref_slice %arg10[%dma_start3A_499] : memref<5x!tpu.dma_semaphore, #tpu.memory_space<semaphore_mem>> -> memref<1x!tpu.dma_semaphore, #tpu.memory_space<semaphore_mem>>
    %dma_start3A_509 = tpu.memref_squeeze %dma_start3A_508 : memref<1x!tpu.dma_semaphore, #tpu.memory_space<semaphore_mem>> -> memref<!tpu.dma_semaphore, #tpu.memory_space<semaphore_mem>>
    %dma_start3A_510 = arith.constant 40 : i32
    %dma_start3A_511 = arith.constant 0 : i32
    %dma_start3A_512 = tpu.memref_slice %arg5[%add3A_497, %dma_start3A_510, %dma_start3A_511] : memref<4096x200x128xf32, #tpu.memory_space<hbm>> -> memref<1x40x128xf32, #tpu.memory_space<hbm>>
    %dma_start3A_513 = tpu.memref_squeeze %dma_start3A_512 : memref<1x40x128xf32, #tpu.memory_space<hbm>> -> memref<40x128xf32, #tpu.memory_space<hbm>>
    %dma_start3A_514 = arith.constant 0 : i32
    %dma_start3A_515 = arith.constant 0 : i32
    %dma_start3A_516 = tpu.memref_slice %arg7[%dma_start3A_498, %dma_start3A_514, %dma_start3A_515] : memref<5x40x128xf32, #tpu.memory_space<vmem>> -> memref<1x40x128xf32, #tpu.memory_space<vmem>>
    %dma_start3A_517 = tpu.memref_squeeze %dma_start3A_516 : memref<1x40x128xf32, #tpu.memory_space<vmem>> -> memref<40x128xf32, #tpu.memory_space<vmem>>
    tpu.enqueue_dma source(%dma_start3A_517 : memref<40x128xf32, #tpu.memory_space<vmem>>) target(%dma_start3A_513 : memref<40x128xf32, #tpu.memory_space<hbm>>) target_semaphore(%dma_start3A_509 : memref<!tpu.dma_semaphore, #tpu.memory_space<semaphore_mem>>)
    %dma_wait3A_518 = arith.constant 2 : i32
    %dma_wait3A_519 = arith.constant 2 : i32
    %dma_wait3A_520 = arith.constant 0 : i32
    %dma_wait3A_521 = arith.constant 0 : i32
    %dma_wait3A_522 = tpu.memref_slice %arg7[%dma_wait3A_518, %dma_wait3A_520, %dma_wait3A_521] : memref<5x40x128xf32, #tpu.memory_space<vmem>> -> memref<1x40x128xf32, #tpu.memory_space<vmem>>
    %dma_wait3A_523 = tpu.memref_squeeze %dma_wait3A_522 : memref<1x40x128xf32, #tpu.memory_space<vmem>> -> memref<40x128xf32, #tpu.memory_space<vmem>>
    %dma_wait3A_524 = arith.constant 25480 : i32
    %dma_wait3A_525 = tpu.memref_slice %arg6[%dma_wait3A_524] : memref<25600xi32, #tpu.memory_space<vmem>> -> memref<40xi32, #tpu.memory_space<vmem>>
    %dma_wait3A_526 = arith.constant 0 : i32
    %dma_wait3A_527 = arith.constant 0 : i32
    %dma_wait3A_528 = tpu.memref_slice %arg3[%dma_wait3A_526, %dma_wait3A_527] : memref<1000000x128xf32, #tpu.memory_space<hbm>> -> memref<1000000x128xf32, #tpu.memory_space<hbm>>
    %dma_wait3A_529 = tpu.memref_slice %arg9[%dma_wait3A_519] : memref<5x!tpu.dma_semaphore, #tpu.memory_space<semaphore_mem>> -> memref<1x!tpu.dma_semaphore, #tpu.memory_space<semaphore_mem>>
    %dma_wait3A_530 = tpu.memref_squeeze %dma_wait3A_529 : memref<1x!tpu.dma_semaphore, #tpu.memory_space<semaphore_mem>> -> memref<!tpu.dma_semaphore, #tpu.memory_space<semaphore_mem>>
    tpu.wait_indirect_dma semaphore(%dma_wait3A_530 : memref<!tpu.dma_semaphore, #tpu.memory_space<semaphore_mem>>) src(%dma_wait3A_528 : memref<1000000x128xf32, #tpu.memory_space<hbm>>) dst(%dma_wait3A_523 : memref<40x128xf32, #tpu.memory_space<vmem>>)
    %add3A_531 = arith.constant 127 : i32
    %add3A_532 = arith.addi %select_n3A, %add3A_531 : i32
    %dma_start3A_533 = arith.constant 2 : i32
    %dma_start3A_534 = arith.constant 2 : i32
    %dma_start3A_535 = arith.constant 0 : i32
    %dma_start3A_536 = arith.constant 0 : i32
    %dma_start3A_537 = tpu.memref_slice %arg7[%dma_start3A_533, %dma_start3A_535, %dma_start3A_536] : memref<5x40x128xf32, #tpu.memory_space<vmem>> -> memref<1x40x128xf32, #tpu.memory_space<vmem>>
    %dma_start3A_538 = tpu.memref_squeeze %dma_start3A_537 : memref<1x40x128xf32, #tpu.memory_space<vmem>> -> memref<40x128xf32, #tpu.memory_space<vmem>>
    %dma_start3A_539 = arith.constant 80 : i32
    %dma_start3A_540 = arith.constant 0 : i32
    %dma_start3A_541 = tpu.memref_slice %arg5[%add3A_532, %dma_start3A_539, %dma_start3A_540] : memref<4096x200x128xf32, #tpu.memory_space<hbm>> -> memref<1x40x128xf32, #tpu.memory_space<hbm>>
    %dma_start3A_542 = tpu.memref_squeeze %dma_start3A_541 : memref<1x40x128xf32, #tpu.memory_space<hbm>> -> memref<40x128xf32, #tpu.memory_space<hbm>>
    %dma_start3A_543 = tpu.memref_slice %arg10[%dma_start3A_534] : memref<5x!tpu.dma_semaphore, #tpu.memory_space<semaphore_mem>> -> memref<1x!tpu.dma_semaphore, #tpu.memory_space<semaphore_mem>>
    %dma_start3A_544 = tpu.memref_squeeze %dma_start3A_543 : memref<1x!tpu.dma_semaphore, #tpu.memory_space<semaphore_mem>> -> memref<!tpu.dma_semaphore, #tpu.memory_space<semaphore_mem>>
    %dma_start3A_545 = arith.constant 80 : i32
    %dma_start3A_546 = arith.constant 0 : i32
    %dma_start3A_547 = tpu.memref_slice %arg5[%add3A_532, %dma_start3A_545, %dma_start3A_546] : memref<4096x200x128xf32, #tpu.memory_space<hbm>> -> memref<1x40x128xf32, #tpu.memory_space<hbm>>
    %dma_start3A_548 = tpu.memref_squeeze %dma_start3A_547 : memref<1x40x128xf32, #tpu.memory_space<hbm>> -> memref<40x128xf32, #tpu.memory_space<hbm>>
    %dma_start3A_549 = arith.constant 0 : i32
    %dma_start3A_550 = arith.constant 0 : i32
    %dma_start3A_551 = tpu.memref_slice %arg7[%dma_start3A_533, %dma_start3A_549, %dma_start3A_550] : memref<5x40x128xf32, #tpu.memory_space<vmem>> -> memref<1x40x128xf32, #tpu.memory_space<vmem>>
    %dma_start3A_552 = tpu.memref_squeeze %dma_start3A_551 : memref<1x40x128xf32, #tpu.memory_space<vmem>> -> memref<40x128xf32, #tpu.memory_space<vmem>>
    tpu.enqueue_dma source(%dma_start3A_552 : memref<40x128xf32, #tpu.memory_space<vmem>>) target(%dma_start3A_548 : memref<40x128xf32, #tpu.memory_space<hbm>>) target_semaphore(%dma_start3A_544 : memref<!tpu.dma_semaphore, #tpu.memory_space<semaphore_mem>>)
    %dma_wait3A_553 = arith.constant 3 : i32
    %dma_wait3A_554 = arith.constant 3 : i32
    %dma_wait3A_555 = arith.constant 0 : i32
    %dma_wait3A_556 = arith.constant 0 : i32
    %dma_wait3A_557 = tpu.memref_slice %arg7[%dma_wait3A_553, %dma_wait3A_555, %dma_wait3A_556] : memref<5x40x128xf32, #tpu.memory_space<vmem>> -> memref<1x40x128xf32, #tpu.memory_space<vmem>>
    %dma_wait3A_558 = tpu.memref_squeeze %dma_wait3A_557 : memref<1x40x128xf32, #tpu.memory_space<vmem>> -> memref<40x128xf32, #tpu.memory_space<vmem>>
    %dma_wait3A_559 = arith.constant 25520 : i32
    %dma_wait3A_560 = tpu.memref_slice %arg6[%dma_wait3A_559] : memref<25600xi32, #tpu.memory_space<vmem>> -> memref<40xi32, #tpu.memory_space<vmem>>
    %dma_wait3A_561 = arith.constant 0 : i32
    %dma_wait3A_562 = arith.constant 0 : i32
    %dma_wait3A_563 = tpu.memref_slice %arg3[%dma_wait3A_561, %dma_wait3A_562] : memref<1000000x128xf32, #tpu.memory_space<hbm>> -> memref<1000000x128xf32, #tpu.memory_space<hbm>>
    %dma_wait3A_564 = tpu.memref_slice %arg9[%dma_wait3A_554] : memref<5x!tpu.dma_semaphore, #tpu.memory_space<semaphore_mem>> -> memref<1x!tpu.dma_semaphore, #tpu.memory_space<semaphore_mem>>
    %dma_wait3A_565 = tpu.memref_squeeze %dma_wait3A_564 : memref<1x!tpu.dma_semaphore, #tpu.memory_space<semaphore_mem>> -> memref<!tpu.dma_semaphore, #tpu.memory_space<semaphore_mem>>
    tpu.wait_indirect_dma semaphore(%dma_wait3A_565 : memref<!tpu.dma_semaphore, #tpu.memory_space<semaphore_mem>>) src(%dma_wait3A_563 : memref<1000000x128xf32, #tpu.memory_space<hbm>>) dst(%dma_wait3A_558 : memref<40x128xf32, #tpu.memory_space<vmem>>)
    %add3A_566 = arith.constant 127 : i32
    %add3A_567 = arith.addi %select_n3A, %add3A_566 : i32
    %dma_start3A_568 = arith.constant 3 : i32
    %dma_start3A_569 = arith.constant 3 : i32
    %dma_start3A_570 = arith.constant 0 : i32
    %dma_start3A_571 = arith.constant 0 : i32
    %dma_start3A_572 = tpu.memref_slice %arg7[%dma_start3A_568, %dma_start3A_570, %dma_start3A_571] : memref<5x40x128xf32, #tpu.memory_space<vmem>> -> memref<1x40x128xf32, #tpu.memory_space<vmem>>
    %dma_start3A_573 = tpu.memref_squeeze %dma_start3A_572 : memref<1x40x128xf32, #tpu.memory_space<vmem>> -> memref<40x128xf32, #tpu.memory_space<vmem>>
    %dma_start3A_574 = arith.constant 120 : i32
    %dma_start3A_575 = arith.constant 0 : i32
    %dma_start3A_576 = tpu.memref_slice %arg5[%add3A_567, %dma_start3A_574, %dma_start3A_575] : memref<4096x200x128xf32, #tpu.memory_space<hbm>> -> memref<1x40x128xf32, #tpu.memory_space<hbm>>
    %dma_start3A_577 = tpu.memref_squeeze %dma_start3A_576 : memref<1x40x128xf32, #tpu.memory_space<hbm>> -> memref<40x128xf32, #tpu.memory_space<hbm>>
    %dma_start3A_578 = tpu.memref_slice %arg10[%dma_start3A_569] : memref<5x!tpu.dma_semaphore, #tpu.memory_space<semaphore_mem>> -> memref<1x!tpu.dma_semaphore, #tpu.memory_space<semaphore_mem>>
    %dma_start3A_579 = tpu.memref_squeeze %dma_start3A_578 : memref<1x!tpu.dma_semaphore, #tpu.memory_space<semaphore_mem>> -> memref<!tpu.dma_semaphore, #tpu.memory_space<semaphore_mem>>
    %dma_start3A_580 = arith.constant 120 : i32
    %dma_start3A_581 = arith.constant 0 : i32
    %dma_start3A_582 = tpu.memref_slice %arg5[%add3A_567, %dma_start3A_580, %dma_start3A_581] : memref<4096x200x128xf32, #tpu.memory_space<hbm>> -> memref<1x40x128xf32, #tpu.memory_space<hbm>>
    %dma_start3A_583 = tpu.memref_squeeze %dma_start3A_582 : memref<1x40x128xf32, #tpu.memory_space<hbm>> -> memref<40x128xf32, #tpu.memory_space<hbm>>
    %dma_start3A_584 = arith.constant 0 : i32
    %dma_start3A_585 = arith.constant 0 : i32
    %dma_start3A_586 = tpu.memref_slice %arg7[%dma_start3A_568, %dma_start3A_584, %dma_start3A_585] : memref<5x40x128xf32, #tpu.memory_space<vmem>> -> memref<1x40x128xf32, #tpu.memory_space<vmem>>
    %dma_start3A_587 = tpu.memref_squeeze %dma_start3A_586 : memref<1x40x128xf32, #tpu.memory_space<vmem>> -> memref<40x128xf32, #tpu.memory_space<vmem>>
    tpu.enqueue_dma source(%dma_start3A_587 : memref<40x128xf32, #tpu.memory_space<vmem>>) target(%dma_start3A_583 : memref<40x128xf32, #tpu.memory_space<hbm>>) target_semaphore(%dma_start3A_579 : memref<!tpu.dma_semaphore, #tpu.memory_space<semaphore_mem>>)
    %dma_wait3A_588 = arith.constant 4 : i32
    %dma_wait3A_589 = arith.constant 4 : i32
    %dma_wait3A_590 = arith.constant 0 : i32
    %dma_wait3A_591 = arith.constant 0 : i32
    %dma_wait3A_592 = tpu.memref_slice %arg7[%dma_wait3A_588, %dma_wait3A_590, %dma_wait3A_591] : memref<5x40x128xf32, #tpu.memory_space<vmem>> -> memref<1x40x128xf32, #tpu.memory_space<vmem>>
    %dma_wait3A_593 = tpu.memref_squeeze %dma_wait3A_592 : memref<1x40x128xf32, #tpu.memory_space<vmem>> -> memref<40x128xf32, #tpu.memory_space<vmem>>
    %dma_wait3A_594 = arith.constant 25560 : i32
    %dma_wait3A_595 = tpu.memref_slice %arg6[%dma_wait3A_594] : memref<25600xi32, #tpu.memory_space<vmem>> -> memref<40xi32, #tpu.memory_space<vmem>>
    %dma_wait3A_596 = arith.constant 0 : i32
    %dma_wait3A_597 = arith.constant 0 : i32
    %dma_wait3A_598 = tpu.memref_slice %arg3[%dma_wait3A_596, %dma_wait3A_597] : memref<1000000x128xf32, #tpu.memory_space<hbm>> -> memref<1000000x128xf32, #tpu.memory_space<hbm>>
    %dma_wait3A_599 = tpu.memref_slice %arg9[%dma_wait3A_589] : memref<5x!tpu.dma_semaphore, #tpu.memory_space<semaphore_mem>> -> memref<1x!tpu.dma_semaphore, #tpu.memory_space<semaphore_mem>>
    %dma_wait3A_600 = tpu.memref_squeeze %dma_wait3A_599 : memref<1x!tpu.dma_semaphore, #tpu.memory_space<semaphore_mem>> -> memref<!tpu.dma_semaphore, #tpu.memory_space<semaphore_mem>>
    tpu.wait_indirect_dma semaphore(%dma_wait3A_600 : memref<!tpu.dma_semaphore, #tpu.memory_space<semaphore_mem>>) src(%dma_wait3A_598 : memref<1000000x128xf32, #tpu.memory_space<hbm>>) dst(%dma_wait3A_593 : memref<40x128xf32, #tpu.memory_space<vmem>>)
    %add3A_601 = arith.constant 127 : i32
    %add3A_602 = arith.addi %select_n3A, %add3A_601 : i32
    %dma_start3A_603 = arith.constant 4 : i32
    %dma_start3A_604 = arith.constant 4 : i32
    %dma_start3A_605 = arith.constant 0 : i32
    %dma_start3A_606 = arith.constant 0 : i32
    %dma_start3A_607 = tpu.memref_slice %arg7[%dma_start3A_603, %dma_start3A_605, %dma_start3A_606] : memref<5x40x128xf32, #tpu.memory_space<vmem>> -> memref<1x40x128xf32, #tpu.memory_space<vmem>>
    %dma_start3A_608 = tpu.memref_squeeze %dma_start3A_607 : memref<1x40x128xf32, #tpu.memory_space<vmem>> -> memref<40x128xf32, #tpu.memory_space<vmem>>
    %dma_start3A_609 = arith.constant 160 : i32
    %dma_start3A_610 = arith.constant 0 : i32
    %dma_start3A_611 = tpu.memref_slice %arg5[%add3A_602, %dma_start3A_609, %dma_start3A_610] : memref<4096x200x128xf32, #tpu.memory_space<hbm>> -> memref<1x40x128xf32, #tpu.memory_space<hbm>>
    %dma_start3A_612 = tpu.memref_squeeze %dma_start3A_611 : memref<1x40x128xf32, #tpu.memory_space<hbm>> -> memref<40x128xf32, #tpu.memory_space<hbm>>
    %dma_start3A_613 = tpu.memref_slice %arg10[%dma_start3A_604] : memref<5x!tpu.dma_semaphore, #tpu.memory_space<semaphore_mem>> -> memref<1x!tpu.dma_semaphore, #tpu.memory_space<semaphore_mem>>
    %dma_start3A_614 = tpu.memref_squeeze %dma_start3A_613 : memref<1x!tpu.dma_semaphore, #tpu.memory_space<semaphore_mem>> -> memref<!tpu.dma_semaphore, #tpu.memory_space<semaphore_mem>>
    %dma_start3A_615 = arith.constant 160 : i32
    %dma_start3A_616 = arith.constant 0 : i32
    %dma_start3A_617 = tpu.memref_slice %arg5[%add3A_602, %dma_start3A_615, %dma_start3A_616] : memref<4096x200x128xf32, #tpu.memory_space<hbm>> -> memref<1x40x128xf32, #tpu.memory_space<hbm>>
    %dma_start3A_618 = tpu.memref_squeeze %dma_start3A_617 : memref<1x40x128xf32, #tpu.memory_space<hbm>> -> memref<40x128xf32, #tpu.memory_space<hbm>>
    %dma_start3A_619 = arith.constant 0 : i32
    %dma_start3A_620 = arith.constant 0 : i32
    %dma_start3A_621 = tpu.memref_slice %arg7[%dma_start3A_603, %dma_start3A_619, %dma_start3A_620] : memref<5x40x128xf32, #tpu.memory_space<vmem>> -> memref<1x40x128xf32, #tpu.memory_space<vmem>>
    %dma_start3A_622 = tpu.memref_squeeze %dma_start3A_621 : memref<1x40x128xf32, #tpu.memory_space<vmem>> -> memref<40x128xf32, #tpu.memory_space<vmem>>
    tpu.enqueue_dma source(%dma_start3A_622 : memref<40x128xf32, #tpu.memory_space<vmem>>) target(%dma_start3A_618 : memref<40x128xf32, #tpu.memory_space<hbm>>) target_semaphore(%dma_start3A_614 : memref<!tpu.dma_semaphore, #tpu.memory_space<semaphore_mem>>)
    %add3A_623 = arith.constant 127 : i32
    %add3A_624 = arith.addi %select_n3A, %add3A_623 : i32
    %dma_wait3A_625 = arith.constant 0 : i32
    %dma_wait3A_626 = arith.constant 0 : i32
    %dma_wait3A_627 = arith.constant 0 : i32
    %dma_wait3A_628 = arith.constant 0 : i32
    %dma_wait3A_629 = tpu.memref_slice %arg7[%dma_wait3A_625, %dma_wait3A_627, %dma_wait3A_628] : memref<5x40x128xf32, #tpu.memory_space<vmem>> -> memref<1x40x128xf32, #tpu.memory_space<vmem>>
    %dma_wait3A_630 = tpu.memref_squeeze %dma_wait3A_629 : memref<1x40x128xf32, #tpu.memory_space<vmem>> -> memref<40x128xf32, #tpu.memory_space<vmem>>
    %dma_wait3A_631 = arith.constant 0 : i32
    %dma_wait3A_632 = arith.constant 0 : i32
    %dma_wait3A_633 = tpu.memref_slice %arg5[%add3A_624, %dma_wait3A_631, %dma_wait3A_632] : memref<4096x200x128xf32, #tpu.memory_space<hbm>> -> memref<1x40x128xf32, #tpu.memory_space<hbm>>
    %dma_wait3A_634 = tpu.memref_squeeze %dma_wait3A_633 : memref<1x40x128xf32, #tpu.memory_space<hbm>> -> memref<40x128xf32, #tpu.memory_space<hbm>>
    %dma_wait3A_635 = tpu.memref_slice %arg10[%dma_wait3A_626] : memref<5x!tpu.dma_semaphore, #tpu.memory_space<semaphore_mem>> -> memref<1x!tpu.dma_semaphore, #tpu.memory_space<semaphore_mem>>
    %dma_wait3A_636 = tpu.memref_squeeze %dma_wait3A_635 : memref<1x!tpu.dma_semaphore, #tpu.memory_space<semaphore_mem>> -> memref<!tpu.dma_semaphore, #tpu.memory_space<semaphore_mem>>
    %dma_wait3A_637 = arith.constant 0 : i32
    %dma_wait3A_638 = arith.constant 0 : i32
    %dma_wait3A_639 = tpu.memref_slice %arg5[%add3A_624, %dma_wait3A_637, %dma_wait3A_638] : memref<4096x200x128xf32, #tpu.memory_space<hbm>> -> memref<1x40x128xf32, #tpu.memory_space<hbm>>
    %dma_wait3A_640 = tpu.memref_squeeze %dma_wait3A_639 : memref<1x40x128xf32, #tpu.memory_space<hbm>> -> memref<40x128xf32, #tpu.memory_space<hbm>>
    %dma_wait3A_641 = arith.constant 0 : i32
    %dma_wait3A_642 = arith.constant 0 : i32
    %dma_wait3A_643 = tpu.memref_slice %arg7[%dma_wait3A_625, %dma_wait3A_641, %dma_wait3A_642] : memref<5x40x128xf32, #tpu.memory_space<vmem>> -> memref<1x40x128xf32, #tpu.memory_space<vmem>>
    %dma_wait3A_644 = tpu.memref_squeeze %dma_wait3A_643 : memref<1x40x128xf32, #tpu.memory_space<vmem>> -> memref<40x128xf32, #tpu.memory_space<vmem>>
    tpu.wait_dma2 semaphore(%dma_wait3A_636 : memref<!tpu.dma_semaphore, #tpu.memory_space<semaphore_mem>>) src(%dma_wait3A_644 : memref<40x128xf32, #tpu.memory_space<vmem>>) dst(%dma_wait3A_640 : memref<40x128xf32, #tpu.memory_space<hbm>>)
    %add3A_645 = arith.constant 127 : i32
    %add3A_646 = arith.addi %select_n3A, %add3A_645 : i32
    %dma_wait3A_647 = arith.constant 1 : i32
    %dma_wait3A_648 = arith.constant 1 : i32
    %dma_wait3A_649 = arith.constant 0 : i32
    %dma_wait3A_650 = arith.constant 0 : i32
    %dma_wait3A_651 = tpu.memref_slice %arg7[%dma_wait3A_647, %dma_wait3A_649, %dma_wait3A_650] : memref<5x40x128xf32, #tpu.memory_space<vmem>> -> memref<1x40x128xf32, #tpu.memory_space<vmem>>
    %dma_wait3A_652 = tpu.memref_squeeze %dma_wait3A_651 : memref<1x40x128xf32, #tpu.memory_space<vmem>> -> memref<40x128xf32, #tpu.memory_space<vmem>>
    %dma_wait3A_653 = arith.constant 40 : i32
    %dma_wait3A_654 = arith.constant 0 : i32
    %dma_wait3A_655 = tpu.memref_slice %arg5[%add3A_646, %dma_wait3A_653, %dma_wait3A_654] : memref<4096x200x128xf32, #tpu.memory_space<hbm>> -> memref<1x40x128xf32, #tpu.memory_space<hbm>>
    %dma_wait3A_656 = tpu.memref_squeeze %dma_wait3A_655 : memref<1x40x128xf32, #tpu.memory_space<hbm>> -> memref<40x128xf32, #tpu.memory_space<hbm>>
    %dma_wait3A_657 = tpu.memref_slice %arg10[%dma_wait3A_648] : memref<5x!tpu.dma_semaphore, #tpu.memory_space<semaphore_mem>> -> memref<1x!tpu.dma_semaphore, #tpu.memory_space<semaphore_mem>>
    %dma_wait3A_658 = tpu.memref_squeeze %dma_wait3A_657 : memref<1x!tpu.dma_semaphore, #tpu.memory_space<semaphore_mem>> -> memref<!tpu.dma_semaphore, #tpu.memory_space<semaphore_mem>>
    %dma_wait3A_659 = arith.constant 40 : i32
    %dma_wait3A_660 = arith.constant 0 : i32
    %dma_wait3A_661 = tpu.memref_slice %arg5[%add3A_646, %dma_wait3A_659, %dma_wait3A_660] : memref<4096x200x128xf32, #tpu.memory_space<hbm>> -> memref<1x40x128xf32, #tpu.memory_space<hbm>>
    %dma_wait3A_662 = tpu.memref_squeeze %dma_wait3A_661 : memref<1x40x128xf32, #tpu.memory_space<hbm>> -> memref<40x128xf32, #tpu.memory_space<hbm>>
    %dma_wait3A_663 = arith.constant 0 : i32
    %dma_wait3A_664 = arith.constant 0 : i32
    %dma_wait3A_665 = tpu.memref_slice %arg7[%dma_wait3A_647, %dma_wait3A_663, %dma_wait3A_664] : memref<5x40x128xf32, #tpu.memory_space<vmem>> -> memref<1x40x128xf32, #tpu.memory_space<vmem>>
    %dma_wait3A_666 = tpu.memref_squeeze %dma_wait3A_665 : memref<1x40x128xf32, #tpu.memory_space<vmem>> -> memref<40x128xf32, #tpu.memory_space<vmem>>
    tpu.wait_dma2 semaphore(%dma_wait3A_658 : memref<!tpu.dma_semaphore, #tpu.memory_space<semaphore_mem>>) src(%dma_wait3A_666 : memref<40x128xf32, #tpu.memory_space<vmem>>) dst(%dma_wait3A_662 : memref<40x128xf32, #tpu.memory_space<hbm>>)
    %add3A_667 = arith.constant 127 : i32
    %add3A_668 = arith.addi %select_n3A, %add3A_667 : i32
    %dma_wait3A_669 = arith.constant 2 : i32
    %dma_wait3A_670 = arith.constant 2 : i32
    %dma_wait3A_671 = arith.constant 0 : i32
    %dma_wait3A_672 = arith.constant 0 : i32
    %dma_wait3A_673 = tpu.memref_slice %arg7[%dma_wait3A_669, %dma_wait3A_671, %dma_wait3A_672] : memref<5x40x128xf32, #tpu.memory_space<vmem>> -> memref<1x40x128xf32, #tpu.memory_space<vmem>>
    %dma_wait3A_674 = tpu.memref_squeeze %dma_wait3A_673 : memref<1x40x128xf32, #tpu.memory_space<vmem>> -> memref<40x128xf32, #tpu.memory_space<vmem>>
    %dma_wait3A_675 = arith.constant 80 : i32
    %dma_wait3A_676 = arith.constant 0 : i32
    %dma_wait3A_677 = tpu.memref_slice %arg5[%add3A_668, %dma_wait3A_675, %dma_wait3A_676] : memref<4096x200x128xf32, #tpu.memory_space<hbm>> -> memref<1x40x128xf32, #tpu.memory_space<hbm>>
    %dma_wait3A_678 = tpu.memref_squeeze %dma_wait3A_677 : memref<1x40x128xf32, #tpu.memory_space<hbm>> -> memref<40x128xf32, #tpu.memory_space<hbm>>
    %dma_wait3A_679 = tpu.memref_slice %arg10[%dma_wait3A_670] : memref<5x!tpu.dma_semaphore, #tpu.memory_space<semaphore_mem>> -> memref<1x!tpu.dma_semaphore, #tpu.memory_space<semaphore_mem>>
    %dma_wait3A_680 = tpu.memref_squeeze %dma_wait3A_679 : memref<1x!tpu.dma_semaphore, #tpu.memory_space<semaphore_mem>> -> memref<!tpu.dma_semaphore, #tpu.memory_space<semaphore_mem>>
    %dma_wait3A_681 = arith.constant 80 : i32
    %dma_wait3A_682 = arith.constant 0 : i32
    %dma_wait3A_683 = tpu.memref_slice %arg5[%add3A_668, %dma_wait3A_681, %dma_wait3A_682] : memref<4096x200x128xf32, #tpu.memory_space<hbm>> -> memref<1x40x128xf32, #tpu.memory_space<hbm>>
    %dma_wait3A_684 = tpu.memref_squeeze %dma_wait3A_683 : memref<1x40x128xf32, #tpu.memory_space<hbm>> -> memref<40x128xf32, #tpu.memory_space<hbm>>
    %dma_wait3A_685 = arith.constant 0 : i32
    %dma_wait3A_686 = arith.constant 0 : i32
    %dma_wait3A_687 = tpu.memref_slice %arg7[%dma_wait3A_669, %dma_wait3A_685, %dma_wait3A_686] : memref<5x40x128xf32, #tpu.memory_space<vmem>> -> memref<1x40x128xf32, #tpu.memory_space<vmem>>
    %dma_wait3A_688 = tpu.memref_squeeze %dma_wait3A_687 : memref<1x40x128xf32, #tpu.memory_space<vmem>> -> memref<40x128xf32, #tpu.memory_space<vmem>>
    tpu.wait_dma2 semaphore(%dma_wait3A_680 : memref<!tpu.dma_semaphore, #tpu.memory_space<semaphore_mem>>) src(%dma_wait3A_688 : memref<40x128xf32, #tpu.memory_space<vmem>>) dst(%dma_wait3A_684 : memref<40x128xf32, #tpu.memory_space<hbm>>)
    %add3A_689 = arith.constant 127 : i32
    %add3A_690 = arith.addi %select_n3A, %add3A_689 : i32
    %dma_wait3A_691 = arith.constant 3 : i32
    %dma_wait3A_692 = arith.constant 3 : i32
    %dma_wait3A_693 = arith.constant 0 : i32
    %dma_wait3A_694 = arith.constant 0 : i32
    %dma_wait3A_695 = tpu.memref_slice %arg7[%dma_wait3A_691, %dma_wait3A_693, %dma_wait3A_694] : memref<5x40x128xf32, #tpu.memory_space<vmem>> -> memref<1x40x128xf32, #tpu.memory_space<vmem>>
    %dma_wait3A_696 = tpu.memref_squeeze %dma_wait3A_695 : memref<1x40x128xf32, #tpu.memory_space<vmem>> -> memref<40x128xf32, #tpu.memory_space<vmem>>
    %dma_wait3A_697 = arith.constant 120 : i32
    %dma_wait3A_698 = arith.constant 0 : i32
    %dma_wait3A_699 = tpu.memref_slice %arg5[%add3A_690, %dma_wait3A_697, %dma_wait3A_698] : memref<4096x200x128xf32, #tpu.memory_space<hbm>> -> memref<1x40x128xf32, #tpu.memory_space<hbm>>
    %dma_wait3A_700 = tpu.memref_squeeze %dma_wait3A_699 : memref<1x40x128xf32, #tpu.memory_space<hbm>> -> memref<40x128xf32, #tpu.memory_space<hbm>>
    %dma_wait3A_701 = tpu.memref_slice %arg10[%dma_wait3A_692] : memref<5x!tpu.dma_semaphore, #tpu.memory_space<semaphore_mem>> -> memref<1x!tpu.dma_semaphore, #tpu.memory_space<semaphore_mem>>
    %dma_wait3A_702 = tpu.memref_squeeze %dma_wait3A_701 : memref<1x!tpu.dma_semaphore, #tpu.memory_space<semaphore_mem>> -> memref<!tpu.dma_semaphore, #tpu.memory_space<semaphore_mem>>
    %dma_wait3A_703 = arith.constant 120 : i32
    %dma_wait3A_704 = arith.constant 0 : i32
    %dma_wait3A_705 = tpu.memref_slice %arg5[%add3A_690, %dma_wait3A_703, %dma_wait3A_704] : memref<4096x200x128xf32, #tpu.memory_space<hbm>> -> memref<1x40x128xf32, #tpu.memory_space<hbm>>
    %dma_wait3A_706 = tpu.memref_squeeze %dma_wait3A_705 : memref<1x40x128xf32, #tpu.memory_space<hbm>> -> memref<40x128xf32, #tpu.memory_space<hbm>>
    %dma_wait3A_707 = arith.constant 0 : i32
    %dma_wait3A_708 = arith.constant 0 : i32
    %dma_wait3A_709 = tpu.memref_slice %arg7[%dma_wait3A_691, %dma_wait3A_707, %dma_wait3A_708] : memref<5x40x128xf32, #tpu.memory_space<vmem>> -> memref<1x40x128xf32, #tpu.memory_space<vmem>>
    %dma_wait3A_710 = tpu.memref_squeeze %dma_wait3A_709 : memref<1x40x128xf32, #tpu.memory_space<vmem>> -> memref<40x128xf32, #tpu.memory_space<vmem>>
    tpu.wait_dma2 semaphore(%dma_wait3A_702 : memref<!tpu.dma_semaphore, #tpu.memory_space<semaphore_mem>>) src(%dma_wait3A_710 : memref<40x128xf32, #tpu.memory_space<vmem>>) dst(%dma_wait3A_706 : memref<40x128xf32, #tpu.memory_space<hbm>>)
    %add3A_711 = arith.constant 127 : i32
    %add3A_712 = arith.addi %select_n3A, %add3A_711 : i32
    %dma_wait3A_713 = arith.constant 4 : i32
    %dma_wait3A_714 = arith.constant 4 : i32
    %dma_wait3A_715 = arith.constant 0 : i32
    %dma_wait3A_716 = arith.constant 0 : i32
    %dma_wait3A_717 = tpu.memref_slice %arg7[%dma_wait3A_713, %dma_wait3A_715, %dma_wait3A_716] : memref<5x40x128xf32, #tpu.memory_space<vmem>> -> memref<1x40x128xf32, #tpu.memory_space<vmem>>
    %dma_wait3A_718 = tpu.memref_squeeze %dma_wait3A_717 : memref<1x40x128xf32, #tpu.memory_space<vmem>> -> memref<40x128xf32, #tpu.memory_space<vmem>>
    %dma_wait3A_719 = arith.constant 160 : i32
    %dma_wait3A_720 = arith.constant 0 : i32
    %dma_wait3A_721 = tpu.memref_slice %arg5[%add3A_712, %dma_wait3A_719, %dma_wait3A_720] : memref<4096x200x128xf32, #tpu.memory_space<hbm>> -> memref<1x40x128xf32, #tpu.memory_space<hbm>>
    %dma_wait3A_722 = tpu.memref_squeeze %dma_wait3A_721 : memref<1x40x128xf32, #tpu.memory_space<hbm>> -> memref<40x128xf32, #tpu.memory_space<hbm>>
    %dma_wait3A_723 = tpu.memref_slice %arg10[%dma_wait3A_714] : memref<5x!tpu.dma_semaphore, #tpu.memory_space<semaphore_mem>> -> memref<1x!tpu.dma_semaphore, #tpu.memory_space<semaphore_mem>>
    %dma_wait3A_724 = tpu.memref_squeeze %dma_wait3A_723 : memref<1x!tpu.dma_semaphore, #tpu.memory_space<semaphore_mem>> -> memref<!tpu.dma_semaphore, #tpu.memory_space<semaphore_mem>>
    %dma_wait3A_725 = arith.constant 160 : i32
    %dma_wait3A_726 = arith.constant 0 : i32
    %dma_wait3A_727 = tpu.memref_slice %arg5[%add3A_712, %dma_wait3A_725, %dma_wait3A_726] : memref<4096x200x128xf32, #tpu.memory_space<hbm>> -> memref<1x40x128xf32, #tpu.memory_space<hbm>>
    %dma_wait3A_728 = tpu.memref_squeeze %dma_wait3A_727 : memref<1x40x128xf32, #tpu.memory_space<hbm>> -> memref<40x128xf32, #tpu.memory_space<hbm>>
    %dma_wait3A_729 = arith.constant 0 : i32
    %dma_wait3A_730 = arith.constant 0 : i32
    %dma_wait3A_731 = tpu.memref_slice %arg7[%dma_wait3A_713, %dma_wait3A_729, %dma_wait3A_730] : memref<5x40x128xf32, #tpu.memory_space<vmem>> -> memref<1x40x128xf32, #tpu.memory_space<vmem>>
    %dma_wait3A_732 = tpu.memref_squeeze %dma_wait3A_731 : memref<1x40x128xf32, #tpu.memory_space<vmem>> -> memref<40x128xf32, #tpu.memory_space<vmem>>
    tpu.wait_dma2 semaphore(%dma_wait3A_724 : memref<!tpu.dma_semaphore, #tpu.memory_space<semaphore_mem>>) src(%dma_wait3A_732 : memref<40x128xf32, #tpu.memory_space<vmem>>) dst(%dma_wait3A_728 : memref<40x128xf32, #tpu.memory_space<hbm>>)
    return
  }
}

</mosaic_0001>

<sc_bundles>
// kernel: kernel.3.cloned.1.call-start
scs
__scs_entry_jumppad:
0x0: {  	(pc) =	sbr.rel $0x88, $3  }
0x1: {  	(tag) =	ssettag $0x0;
	lr =	simm.s32 $0x1  }
0x2: {  	[smem:$0x3F9E] =	sst lr;
	_ =	strace $0xD0000000  }
0x3: {  	_ = 	snop  }
0x4: {  	_ = 	snop  }
0x5: {  	_ = 	snop  }
0x6: {  	_ = 	snop  }
0x7: {  	_ = 	snop  }
__scs_overlays_trampoline_lowered:
0x8: {  	[smem:$0x3FAD] =	sst s0  }
0x9: {  	[smem:$0x3FAE] =	sst s1  }
0xa: {  	[smem:$0x3FAF] =	sst s2  }
0xb: {  	[smem:$0x3FB0] =	sst s3  }
0xc: {  	[smem:$0x3FB1] =	sst s4  }
0xd: {  	[smem:$0x3FB2] =	sst s5  }
0xe: {  	[smem:$0x3FB3] =	sst s6  }
0xf: {  	[smem:$0x3FB4] =	sst s7  }
0x10: {  	[smem:$0x3FB5] =	sst s8  }
0x11: {  	[smem:$0x3FB6] =	sst s9;
	s0 =	simm.s32 @!p0 $0x0  }
0x12: {  	s1 =	sld [smem:$0x3F9C];
	s0 =	simm.s32 @p0 $0x1  }
0x13: {  	[smem:$0x3FB7] =	sst s0;
	s0 =	simm.s32 @!p1 $0x0  }
0x14: {  	s2 =	sld [smem:$0x3F9B];
	s0 =	simm.s32 @p1 $0x1  }
0x15: {  	[smem:$0x3FB8] =	sst s0;
	s0 =	simm.s32 @!p2 $0x0  }
0x16: {  	s3 =	sld [smem:$0x3FDB];
	s0 =	simm.s32 @p2 $0x1  }
0x17: {  	s4 =	simm.s32 $0x1BF5;
	[smem:$0x3FBA] =	sst s0  }
0x18: {  	s0 =	sld [smem:$0x3F9D];
	_ =	swait.ge [sflag:s4], $0x0  }
0x19: {  	s7 =	sld [smem:$0x3F9E]  }
0x1a: {  	s8 =	sadd.s32 $0xFFFFE003, lr  }
0x1b: {  	s9 =	sadd.s32 $0xFFFFFEF7, lr;
	s5 =	simm.s32 $0xFFFFFFFF;
	p2 =	slt.u32 s8, $0xFFFFF086  }
0x1c: {  	p1 =	slt.u32 s9, $0xF7A;
	s5 =	simm.s32 @!p2 $0x0  }
0x1d: {  	s5 =	simm.s32 @p1 $0x1;
	p0 =	seq.s32 s7, s2  }
0x1e: {  	s7 =	smul.u32 @!p0 $0xF7A, s2;
	p2 =	seq.s32 @!p0 s5, $0x0  }
0x1f: {  	s9 =	smul.u32 $0xF7A, s1;
	s8 =	simm.s32 @!p0 $0x1BF5;
	p2 =	por !p2, p0  }
0x20: {  	[sflag:s8] =	ssyncset.s32 @!p0 $0xFFFFF086;
	s6 =	sadd.s32 @!p0 s3, s7;
	s7 =	simm.s32 @!p0 $0x108  }
0x21: {  	s3 =	sadd.s32 s3, s9;
	s6 =	sadd.s32 @!p0 $0x88, s6;
	s7 =	simm.s32 @p2 $0x1082  }
0x22: {  	[simem:s7], [sflag:s8] =	dma.local @!p0 [hbm:s6], $0xF7A  }
0x23: {  	s9 =	sor.u32 $0xD0000000, s2;
	s6 =	simm.s32 $0x108;
	_ =	swait.ge @!p0 [sflag:s8], $0x0  }
0x24: {  	s3 =	sadd.s32 $0x88, s3;
	s6 =	simm.s32 @!p1 $0x1082;
	[sflag:s4] =	ssyncset.s32 $0xFFFFF086  }
0x25: {  	[simem:s6], [sflag:s4] =	dma.local [hbm:s3], $0xF7A  }
0x26: {  	[smem:$0x3F9E] =	sst s1;
	(tag) =	ssettag s2;
	_ =	strace s9  }
0x27: {  	s1 =	sld [smem:$0x3FAE]  }
0x28: {  	s2 =	sld [smem:$0x3FAF]  }
0x29: {  	s4 =	sld [smem:$0x3FB1]  }
0x2a: {  	p0 =	seq.s32 s5, $0x0;
	s5 =	sld [smem:$0x3FB2]  }
0x2b: {  	s6 =	sld [smem:$0x3FB3]  }
0x2c: {  	s7 =	sld [smem:$0x3FB4]  }
0x2d: {  	s3 =	simm.s32 $0x108;
	s8 =	sld [smem:$0x3FB5]  }
0x2e: {  	s3 =	simm.s32 @!p0 $0x1082;
	s9 =	sld [smem:$0x3FB6]  }
0x2f: {  	lr =	sadd.s32 s0, s3;
	s0 =	sld [smem:$0x3FAD]  }
0x30: {  	s3 =	sld [smem:$0x3FB0]  }
0x31: {  	[smem:$0x3FB9] =	sst s10  }
0x32: {  	s10 =	sld [smem:$0x3FB7];
	_ =	sdelay $0x3  }
0x33: {  	p0 =	seq.s32 s10, $0x1;
	s10 =	sld [smem:$0x3FB9];
	_ =	sdelay $0x3  }
0x34: {  	[smem:$0x3FB9] =	sst s10  }
0x35: {  	s10 =	sld [smem:$0x3FB8];
	_ =	sdelay $0x3  }
0x36: {  	p1 =	seq.s32 s10, $0x1;
	s10 =	sld [smem:$0x3FB9];
	_ =	sdelay $0x3  }
0x37: {  	[smem:$0x3FB9] =	sst s10  }
0x38: {  	s10 =	sld [smem:$0x3FBA]  }
0x39: {  	_ = 	snop;
	(pc) =	sbr.ind lr, $3  }
0x3a: {  	_ = 	snop  }
0x3b: {  	_ = 	snop  }
0x3c: {  	p2 =	seq.s32 s10, $0x1;
	s10 =	sld [smem:$0x3FB9]  }
0x3d: {  	_ =	shalt  }
0x3e: {  	_ =	shalt  }
0x3f: {  	_ =	shalt  }
0x40: {  	_ =	shalt  }
0x41: {  	_ =	shalt  }
0x42: {  	_ =	shalt  }
0x43: {  	_ =	shalt  }
0x44: {  	_ =	shalt  }
0x45: {  	_ =	shalt  }
0x46: {  	_ =	shalt  }
0x47: {  	_ =	shalt  }
0x48: {  	_ =	shalt  }
0x49: {  	_ =	shalt  }
0x4a: {  	_ =	shalt  }
0x4b: {  	_ =	shalt  }
0x4c: {  	_ =	shalt  }
0x4d: {  	_ =	shalt  }
0x4e: {  	_ =	shalt  }
0x4f: {  	_ =	shalt  }
0x50: {  	_ =	shalt  }
0x51: {  	_ =	shalt  }
0x52: {  	_ =	shalt  }
0x53: {  	_ =	shalt  }
0x54: {  	_ =	shalt  }
0x55: {  	_ =	shalt  }
0x56: {  	_ =	shalt  }
0x57: {  	_ =	shalt  }
0x58: {  	_ =	shalt  }
0x59: {  	_ =	shalt  }
0x5a: {  	_ =	shalt  }
0x5b: {  	_ =	shalt  }
0x5c: {  	_ =	shalt  }
0x5d: {  	_ =	shalt  }
0x5e: {  	_ =	shalt  }
0x5f: {  	_ =	shalt  }
0x60: {  	_ =	shalt  }
0x61: {  	_ =	shalt  }
0x62: {  	_ =	shalt  }
0x63: {  	_ =	shalt  }
0x64: {  	_ =	shalt  }
0x65: {  	_ =	shalt  }
0x66: {  	_ =	shalt  }
0x67: {  	_ =	shalt  }
0x68: {  	_ =	shalt  }
0x69: {  	_ =	shalt  }
0x6a: {  	_ =	shalt  }
0x6b: {  	_ =	shalt  }
0x6c: {  	_ =	shalt  }
0x6d: {  	_ =	shalt  }
0x6e: {  	_ =	shalt  }
0x6f: {  	_ =	shalt  }
0x70: {  	_ =	shalt  }
0x71: {  	_ =	shalt  }
0x72: {  	_ =	shalt  }
0x73: {  	_ =	shalt  }
0x74: {  	_ =	shalt  }
0x75: {  	_ =	shalt  }
0x76: {  	_ =	shalt  }
0x77: {  	_ =	shalt  }
0x78: {  	_ =	shalt  }
0x79: {  	_ =	shalt  }
0x7a: {  	_ =	shalt  }
0x7b: {  	_ =	shalt  }
0x7c: {  	_ =	shalt  }
0x7d: {  	_ =	shalt  }
0x7e: {  	_ =	shalt  }
0x7f: {  	_ =	shalt  }
0x80: {  	_ =	shalt  }
0x81: {  	_ =	shalt  }
0x82: {  	_ =	shalt  }
0x83: {  	_ =	shalt  }
0x84: {  	_ =	shalt  }
0x85: {  	_ =	shalt  }
0x86: {  	_ =	shalt  }
0x87: {  	_ =	shalt  }
.Lfunc_end0:
.L_simem_size_0:
called_computation.1_lowered:
.L_overlay_start_0:
0x88: {  	s2 =	sld [smem:$0x3FD9]  }
0x89: {  	s3 =	sld [smem:$0x3FFE];
	_ =	sdelay $0x1  }
0x8a: {  	s1 =	srdreg.scid  }
0x8b: {  	s0 =	sand.u32 $0x1, s1  }
0x8c: {  	s17 =	sshll.u32 s0, $0xA;
	s2 =	sadd.s32 s3, s2  }
0x8d: {  	s2 =	sadd.s32 s2, s17  }
0x8e: {  	[smem:$0x3FC5] =	sst s2  }
0x8f: {  	_ = 	snop  }
0x90: {  	s2 =	sld [smem:$0x3FD0];
	(tm) =	ssettm $0x1  }
0x91: {  	s18 =	sld [smem:$0x3FFB];
	_ =	sdelay $0x3  }
0x92: {  	_ =	strace s18  }
0x93: {  	s3 =	sld [smem:$0x3FFC];
	_ =	sdelay $0x3  }
0x94: {  	_ =	strace s3  }
0x95: {  	s3 =	sld [smem:$0x3FFD];
	_ =	sdelay $0x3  }
0x96: {  	_ =	strace s3  }
0x97: {  	_ =	strace $0x8FFFFFFF  }
0x98: {  	s19 =	sld [smem:$0x3FDB];
	_ =	sdelay $0x1  }
0x99: {  	s4 =	simm.s32 $_scs_section_size  }
0x9a: {  	s5 =	simm.s32 $_size__tile_overlayer_lowered;
	s6 =	simm.s32 $_tile_overlayer_lowered  }
0x9b: {  	s22 =	simm.s32 $0x1BFF;
	s21 =	sshll.u32 s6, $0x1;
	s3 =	sadd.s32 s4, s19  }
0x9c: {  	s7 =	simm.s32 $0x0;
	s20 =	sshll.u32 s5, $0x1;
	s5 =	sadd.s32 s21, s3  }
0x9d: {  	[timem:s7], [sflag:s22] =	dma.local [hbm:s5], s20  }
0x9e: {  	_ =	swait.ge [sflag:s22], s20  }
0x9f: {  	s4 =	ssub.s32 $0x0, s20;
	[sflag:s22] =	ssyncset.done $0x0  }
0xa0: {  	[sflag:s22] =	ssyncadd.s32 s4;
	_ =	sdelay $0x1  }
0xa1: {  	s23 =	simm.s32 $0x1B8B  }
0xa2: {  	_ =	swait.ge [sflag:s23], $0x1  }
0xa3: {  	[sflag:s23] =	ssyncset.done $0x0  }
0xa4: {  	s25 =	simm.s32 $0x1B8E;
	s24 =	sld [smem:$0x3FFE];
	[sflag:s23] =	ssyncadd.s32 $0xFFFFFFFF  }
0xa5: {  	s26 =	simm.s32 $execute0_lowered;
	[smem:$0x3FD2] =	sst s25  }
0xa6: {  	s5 =	sshll.u32 s26, $0x1;
	_ =	strace $0x80000046;
	[dreg:$0x1] =	wrdreg $0xFFFFFFFF  }
0xa7: {  	s28 =	simm.s32 $_size_execute0_lowered;
	s3 =	sadd.s32 s3, s5;
	[dreg:$0x0] =	wrdreg $0x0  }
0xa8: {  	s5 =	sshll.u32 s28, $0x1;
	[dreg:$0x2] =	wrdreg s3  }
0xa9: {  	[dreg:$0x3] =	wrdreg s5  }
0xaa: {  	[dreg:$0x4] =	wrdreg $0xC0  }
0xab: {  	_ =	task [dreg:s7], $0x5FFFF  }
0xac: {  	[dreg:$0x1] =	wrdreg $0xFFFFFFFF  }
0xad: {  	[dreg:$0x0] =	wrdreg $0x60  }
0xae: {  	[dreg:$0x2] =	wrdreg s2  }
0xaf: {  	[dreg:$0x3] =	wrdreg s24  }
0xb0: {  	[dreg:$0x4] =	wrdreg $0xC8000  }
0xb1: {  	[dreg:$0x5] =	wrdreg $0x9  }
0xb2: {  	_ =	task.clear_ibuf [dreg:s7], $0x6FFFF;
	_ =	strace $0x90000046  }
0xb3: {  	s29 =	simm.s32 $0x9;
	_ =	strace $0x80000048  }
0xb4: {  	_ =	swait.ge [sflag:s29], $0x1  }
0xb5: {  	[sflag:s29] =	ssyncadd.s32 $0xFFFFFFFF  }
0xb6: {  	_ =	strace $0x90000048  }
0xb7: {  	_ =	sfence  }
0xb8: {  	s30 =	sld [smem:$0x0];
	_ =	sdelay $0x2  }
0xb9: {  	s31 =	sshll.u32 s1, $0xD;
	s1 =	sshrl.u32 s1, $0x2  }
0xba: {  	s3 =	sand.u32 $0x4000, s31;
	s1 =	sadd.s32 s1, s30  }
0xbb: {  	s0 =	sor.u32 s3, s0;
	s1 =	sshll.u32 s1, $0x11  }
0xbc: {  	s0 =	sor.u32 s1, s0  }
0xbd: {  	s0 =	sadd.s32 $0x8F2B, s0  }
0xbe: {  	[sflag:s0] =	ssyncadd.remote.s32 $0x1  }
0xbf: {  	_ =	sfence.sel $0xFFFF  }
0xc0: {  	[dreg:$0x0] =	wrdreg $0xFFFFFFFF;
	(pc) =	sbr.abs _section_cstart, $3  }
0xc1: {  	[dreg:$0x1] =	wrdreg $0xFFFFFFFF  }
0xc2: {  	_ =	task.clear_ibuf [dreg:s7], $0x2FFFF;
	_ =	strace $0x9FFFFFFF  }
0xc3: {  	(tm) =	ssettm $0x7FFFFFFF  }
tec
execute0_lowered:
.L_overlay_start_1:
0x0: {  	(tag) =	ssettag $0x1  }
0x1: {  	s0 =	rddreg [dreg:$0x0]  }
0x2: {  	s4 =	rddreg [dreg:$0x1]  }
0x3: {  	s1 =	rddreg [dreg:$0x2];
	s2 =	simm.s32 $0x0  }
0x4: {  	s3 =	srdreg.scid;
	s5 =	stileid.u32;
	s28 =	simm.s32 $0x6400  }
0x5: {  	s29 =	simm.s32 $0x28;
	s30 =	simm.s32 $0x7800;
	s31 =	simm.s32 $0x8C00  }
0x6: {  	[smem:$0x7FF] =	sst s2;
	s9 =	sand.u32 $0x1, s3;
	s16 =	sshll.u32 s5, $0x1  }
0x7: {  	s3 =	sadd.s32 $0xF44000, s4;
	s10 =	sadd.s32 $0xE00, s4;
	s4 =	sadd.s32 $0x1C00, s4  }
0x8: {  	s19 =	sadd.s32 $0x1400, s1;
	s20 =	smul.u32 $0x640000, s5;
	s21 =	sadd.s32 $0x5000, s1  }
0x9: {  	p0 =	sne.s32 s5, $0x0;
	s6 =	sor.u32 s9, s16;
	s23 =	smul.u32 $0x320000, s9  }
0xa: {  	_ =	strace $0x80000047;
	s7 =	ssub.s32 $0x2, s9;
	s8 =	smul.u32 $0xC80, s6  }
0xb: {  	[dreg:$0x5] =	wrdreg s10;
	s17 =	sshrl.u32 s7, $0x1;
	s11 =	smul.u32 $0x320000, s6  }
0xc: {  	[dreg:$0x4] =	wrdreg s21;
	s9 =	smul.u32 $0x64000, s9;
	s12 =	ssub.s32 s7, s17  }
0xd: {  	s7 =	sadd.s32 $0x2800, s1;
	s0 =	sadd.s32 s0, s8;
	s18 =	sshrl.u32 s11, $0x3  }
0xe: {  	s8 =	sadd.s32 $0x3C00, s1;
	[dreg:$0x6] =	wrdreg s0;
	s6 =	sadd.s32 s4, s18  }
0xf: {  	s0 =	sadd.s32 s23, s20;
	s22 =	sadd.s32 $0x280, s6;
	[dreg:$0x7] =	wrdreg s6  }
0x10: {  	s24 =	sadd.s32 $0x500, s6;
	s25 =	sadd.s32 $0x780, s6;
	[dreg:$0x8] =	wrdreg s22  }
0x11: {  	s26 =	sadd.s32 $0xA00, s6;
	s13 =	sadd.s32 $0x63380, s6;
	[dreg:$0x9] =	wrdreg s24  }
0x12: {  	s14 =	sadd.s32 $0x63600, s6;
	s11 =	sor.u32 $0xB400, s0;
	[dreg:$0xa] =	wrdreg s25  }
0x13: {  	s15 =	sadd.s32 $0x63880, s6;
	s17 =	sor.u32 $0xA000, s0;
	[dreg:$0xb] =	wrdreg s26  }
0x14: {  	s18 =	sor.u32 $0x8C00, s0;
	s0 =	sor.u32 $0x7800, s0;
	[dreg:$0xc] =	wrdreg s13  }
0x15: {  	s23 =	sadd.s32 $0x63B00, s6;
	s13 =	smul.u32 $0xC8000, s5;
	[dreg:$0xd] =	wrdreg s14  }
0x16: {  	[dreg:$0xe] =	wrdreg s15;
	s11 =	sshrl.u32 s11, $0x3;
	s21 =	sshrl.u32 s18, $0x3  }
0x17: {  	s0 =	sshrl.u32 s0, $0x3;
	[dreg:$0x13] =	wrdreg s23;
	s24 =	sadd.s32 $0x63D80, s6  }
0x18: {  	s25 =	smax.u32 s12, $0x1;
	s5 =	simm.s32 $0xB400;
	s12 =	simm.s32 $0x6  }
0x19: {  	s14 =	simm.s32 $0x7;
	s15 =	simm.s32 $0x4;
	[dreg:$0x14] =	wrdreg s24  }
0x1a: {  	s23 =	simm.s32 $0xA;
	s16 =	sadd.s32 s11, s4;
	[dreg:$0x15] =	wrdreg s25  }
0x1b: {  	s11 =	sshrl.u32 s17, $0x3;
	s22 =	sadd.s32 s21, s4;
	[dreg:$0xf] =	wrdreg s16  }
0x1c: {  	s0 =	sadd.s32 s0, s4;
	s17 =	simm.s32 $0x5;
	[dreg:$0x11] =	wrdreg s22  }
0x1d: {  	s13 =	sadd.s32 s13, s4;
	s20 =	sadd.s32 s11, s4;
	[dreg:$0x12] =	wrdreg s0  }
0x1e: {  	s0 =	simm.s32 $0xA000;
	s4 =	simm.s32 $0x1;
	s11 =	simm.s32 $0x2  }
0x1f: {  	s16 =	simm.s32 $0x8;
	s22 =	simm.s32 $0x9;
	s9 =	sadd.s32 s9, s13  }
0x20: {  	[dreg:$0x10] =	wrdreg s20;
	s13 =	simm.s32 $0x3;
	s26 =	sadd.s32 $0xC80, s9  }
0x21: {  	s9 =	simm.s32 $0x0;
	[dreg:$0x16] =	wrdreg s26;
	s26 =	simm.s32 $0xB  }
.LBB2_1:
0x22: {  	[dreg:$0x17] =	wrdreg s9  }
0x23: {  	s6 =	rddreg [dreg:$0x6]  }
0x24: {  	[tilespmem:s2], [sflag:$0xB] =	stream.linear.gather [hbm4b:s6+s2], $0x6400, $0x38;
	[tilespmem:$0xCE40] =	vst v63  }
0x25: {  	_ =	swait.ge [sflag:s26], $0x6400  }
0x26: {  	s9 =	sshrl.u32 @!p0 s1, $0x3;
	[sflag:s26] =	ssyncset.done $0x0  }
0x27: {  	s18 =	simm.s32 @!p0 $0x1C0B;
	s6 =	rddreg [dreg:$0x5];
	[sflag:s26] =	ssyncadd.s32 $0xFFFF9C00  }
0x28: {  	[spmem:s9], [sflag:s18] =	dma.local @!p0 [hbm:s6], $0xC80  }
0x29: {  	s9 =	simm.s32 @!p0 $0xB  }
0x2a: {  	_ =	swait.ge @!p0 [sflag:s9], $0xC80  }
0x2b: {  	[sflag:s9] =	ssyncset.done @!p0 $0x0  }
0x2c: {  	[sflag:s9] =	ssyncadd.s32 @!p0 $0xFFFFF380  }
0x2d: {  	[bflag:$0x0] =	sbarrier.arrive $0xFFFF  }
0x2e: {  	[tilespmem:s28], [sflag:$0xB] =	stream.linear.gather [spmem:s1], $0x1400, $0x38;
	[tilespmem:$0xCE40] =	vst v63  }
0x2f: {  	_ =	swait.ge [sflag:s26], $0x1400  }
0x30: {  	[sflag:s26] =	ssyncset.done $0x0  }
0x31: {  	[sflag:s26] =	ssyncadd.s32 $0xFFFFEC00  }
0x32: {  	[tilespmem:s28], [sflag:$0x1] =	stream.indirect.gather.add.f32 [hbm:s3], $0x80, s2, s29, $0xb8;
	[tilespmem:$0xCE40] =	vst v63  }
0x33: {  	_ = 	snop  }
0x34: {  	[tilespmem:s30], [sflag:$0xB] =	stream.linear.gather [spmem:s19], $0x1400, $0x38;
	[tilespmem:$0xCE40] =	vst v63  }
0x35: {  	_ =	swait.ge [sflag:s26], $0x1400  }
0x36: {  	[sflag:s26] =	ssyncset.done $0x0  }
0x37: {  	[sflag:s26] =	ssyncadd.s32 $0xFFFFEC00  }
0x38: {  	[tilespmem:s30], [sflag:$0x2] =	stream.indirect.gather.add.f32 [hbm:s3], $0x80, s29, s29, $0xb8;
	[tilespmem:$0xCE40] =	vst v63  }
0x39: {  	_ = 	snop  }
0x3a: {  	[tilespmem:s31], [sflag:$0xB] =	stream.linear.gather [spmem:s7], $0x1400, $0x38;
	[tilespmem:$0xCE40] =	vst v63  }
0x3b: {  	_ =	swait.ge [sflag:s26], $0x1400  }
0x3c: {  	[sflag:s26] =	ssyncset.done $0x0  }
0x3d: {  	s24 =	simm.s32 $0x50;
	[sflag:s26] =	ssyncadd.s32 $0xFFFFEC00  }
0x3e: {  	[tilespmem:s31], [sflag:$0x3] =	stream.indirect.gather.add.f32 [hbm:s3], $0x80, s24, s29, $0xb8;
	[tilespmem:$0xCE40] =	vst v63  }
0x3f: {  	_ = 	snop  }
0x40: {  	[tilespmem:s0], [sflag:$0xB] =	stream.linear.gather [spmem:s8], $0x1400, $0x38;
	[tilespmem:$0xCE40] =	vst v63  }
0x41: {  	_ =	swait.ge [sflag:s26], $0x1400  }
0x42: {  	[sflag:s26] =	ssyncset.done $0x0  }
0x43: {  	s25 =	simm.s32 $0x78;
	[sflag:s26] =	ssyncadd.s32 $0xFFFFEC00  }
0x44: {  	[tilespmem:s0], [sflag:$0x4] =	stream.indirect.gather.add.f32 [hbm:s3], $0x80, s25, s29, $0xb8;
	[tilespmem:$0xCE40] =	vst v63  }
0x45: {  	_ =	swait.ge [sflag:s4], $0x1400  }
0x46: {  	[sflag:s4] =	ssyncset.done $0x0  }
0x47: {  	s9 =	rddreg [dreg:$0x7];
	[sflag:s4] =	ssyncadd.s32 $0xFFFFEC00  }
0x48: {  	[hbm4b:s9+s2] =	stream.linear.scatter [tilespmem:s28], [sflag:$0x6], $0x1400, $0x38;
	[tilespmem:$0xCE40] =	vst v63  }
0x49: {  	s6 =	rddreg [dreg:$0x4]  }
0x4a: {  	[tilespmem:s5], [sflag:$0xB] =	stream.linear.gather [spmem:s6], $0x1400, $0x38;
	[tilespmem:$0xCE40] =	vst v63  }
0x4b: {  	_ =	swait.ge [sflag:s26], $0x1400  }
0x4c: {  	[sflag:s26] =	ssyncset.done $0x0  }
0x4d: {  	s10 =	simm.s32 $0xA0;
	[sflag:s26] =	ssyncadd.s32 $0xFFFFEC00  }
0x4e: {  	[tilespmem:s5], [sflag:$0x5] =	stream.indirect.gather.add.f32 [hbm:s3], $0x80, s10, s29, $0xb8;
	[tilespmem:$0xCE40] =	vst v63  }
0x4f: {  	_ =	swait.ge [sflag:s11], $0x1400  }
0x50: {  	[sflag:s11] =	ssyncset.done $0x0  }
0x51: {  	s18 =	rddreg [dreg:$0x8];
	[sflag:s11] =	ssyncadd.s32 $0xFFFFEC00  }
0x52: {  	[hbm4b:s18+s2] =	stream.linear.scatter [tilespmem:s30], [sflag:$0x7], $0x1400, $0x38;
	[tilespmem:$0xCE40] =	vst v63  }
0x53: {  	_ =	swait.ge [sflag:s12], $0x1400  }
0x54: {  	[sflag:s12] =	ssyncset.done $0x0  }
0x55: {  	[sflag:s12] =	ssyncadd.s32 $0xFFFFEC00  }
0x56: {  	[tilespmem:s28], [sflag:$0xB] =	stream.linear.gather [spmem:s1], $0x1400, $0x38;
	[tilespmem:$0xCE40] =	vst v63  }
0x57: {  	_ =	swait.ge [sflag:s26], $0x1400  }
0x58: {  	[sflag:s26] =	ssyncset.done $0x0  }
0x59: {  	s20 =	simm.s32 $0xC8;
	[sflag:s26] =	ssyncadd.s32 $0xFFFFEC00  }
0x5a: {  	[tilespmem:s28], [sflag:$0x1] =	stream.indirect.gather.add.f32 [hbm:s3], $0x80, s20, s29, $0xb8;
	[tilespmem:$0xCE40] =	vst v63  }
0x5b: {  	_ =	swait.ge [sflag:s13], $0x1400  }
0x5c: {  	[sflag:s13] =	ssyncset.done $0x0  }
0x5d: {  	s21 =	rddreg [dreg:$0x9];
	[sflag:s13] =	ssyncadd.s32 $0xFFFFEC00  }
0x5e: {  	[hbm4b:s21+s2] =	stream.linear.scatter [tilespmem:s31], [sflag:$0x8], $0x1400, $0x38;
	[tilespmem:$0xCE40] =	vst v63  }
0x5f: {  	_ =	swait.ge [sflag:s14], $0x1400  }
0x60: {  	[sflag:s14] =	ssyncset.done $0x0  }
0x61: {  	[sflag:s14] =	ssyncadd.s32 $0xFFFFEC00  }
0x62: {  	[tilespmem:s30], [sflag:$0xB] =	stream.linear.gather [spmem:s19], $0x1400, $0x38;
	[tilespmem:$0xCE40] =	vst v63  }
0x63: {  	_ =	swait.ge [sflag:s26], $0x1400  }
0x64: {  	[sflag:s26] =	ssyncset.done $0x0  }
0x65: {  	s24 =	simm.s32 $0xF0;
	[sflag:s26] =	ssyncadd.s32 $0xFFFFEC00  }
0x66: {  	[tilespmem:s30], [sflag:$0x2] =	stream.indirect.gather.add.f32 [hbm:s3], $0x80, s24, s29, $0xb8;
	[tilespmem:$0xCE40] =	vst v63  }
0x67: {  	_ =	swait.ge [sflag:s15], $0x1400  }
0x68: {  	[sflag:s15] =	ssyncset.done $0x0  }
0x69: {  	s25 =	rddreg [dreg:$0xa];
	[sflag:s15] =	ssyncadd.s32 $0xFFFFEC00  }
0x6a: {  	[hbm4b:s25+s2] =	stream.linear.scatter [tilespmem:s0], [sflag:$0x9], $0x1400, $0x38;
	[tilespmem:$0xCE40] =	vst v63  }
0x6b: {  	_ =	swait.ge [sflag:s16], $0x1400  }
0x6c: {  	[sflag:s16] =	ssyncset.done $0x0  }
0x6d: {  	[sflag:s16] =	ssyncadd.s32 $0xFFFFEC00  }
0x6e: {  	[tilespmem:s31], [sflag:$0xB] =	stream.linear.gather [spmem:s7], $0x1400, $0x38;
	[tilespmem:$0xCE40] =	vst v63  }
0x6f: {  	_ =	swait.ge [sflag:s26], $0x1400  }
0x70: {  	[sflag:s26] =	ssyncset.done $0x0  }
0x71: {  	s10 =	simm.s32 $0x118;
	[sflag:s26] =	ssyncadd.s32 $0xFFFFEC00  }
0x72: {  	[tilespmem:s31], [sflag:$0x3] =	stream.indirect.gather.add.f32 [hbm:s3], $0x80, s10, s29, $0xb8;
	[tilespmem:$0xCE40] =	vst v63  }
0x73: {  	_ =	swait.ge [sflag:s17], $0x1400  }
0x74: {  	[sflag:s17] =	ssyncset.done $0x0  }
0x75: {  	s18 =	rddreg [dreg:$0xb];
	[sflag:s17] =	ssyncadd.s32 $0xFFFFEC00  }
0x76: {  	[hbm4b:s18+s2] =	stream.linear.scatter [tilespmem:s5], [sflag:$0xA], $0x1400, $0x38;
	[tilespmem:$0xCE40] =	vst v63  }
0x77: {  	_ =	swait.ge [sflag:s22], $0x1400  }
0x78: {  	[sflag:s22] =	ssyncset.done $0x0  }
0x79: {  	[sflag:s22] =	ssyncadd.s32 $0xFFFFEC00  }
0x7a: {  	[tilespmem:s0], [sflag:$0xB] =	stream.linear.gather [spmem:s8], $0x1400, $0x38;
	[tilespmem:$0xCE40] =	vst v63  }
0x7b: {  	_ =	swait.ge [sflag:s26], $0x1400  }
0x7c: {  	[sflag:s26] =	ssyncset.done $0x0  }
0x7d: {  	s20 =	simm.s32 $0x140;
	[sflag:s26] =	ssyncadd.s32 $0xFFFFEC00  }
0x7e: {  	[tilespmem:s0], [sflag:$0x4] =	stream.indirect.gather.add.f32 [hbm:s3], $0x80, s20, s29, $0xb8;
	[tilespmem:$0xCE40] =	vst v63  }
0x7f: {  	_ =	swait.ge [sflag:s4], $0x1400  }
0x80: {  	[sflag:s4] =	ssyncset.done $0x0  }
0x81: {  	s25 =	rddreg [dreg:$0x16];
	[sflag:s4] =	ssyncadd.s32 $0xFFFFEC00  }
0x82: {  	[hbm4b:s25+s2] =	stream.linear.scatter [tilespmem:s28], [sflag:$0x6], $0x1400, $0x38;
	[tilespmem:$0xCE40] =	vst v63  }
0x83: {  	_ =	swait.ge [sflag:s23], $0x1400  }
0x84: {  	[sflag:s23] =	ssyncset.done $0x0  }
0x85: {  	[sflag:s23] =	ssyncadd.s32 $0xFFFFEC00  }
0x86: {  	[tilespmem:s5], [sflag:$0xB] =	stream.linear.gather [spmem:s6], $0x1400, $0x38;
	[tilespmem:$0xCE40] =	vst v63  }
0x87: {  	_ =	swait.ge [sflag:s26], $0x1400  }
0x88: {  	[sflag:s26] =	ssyncset.done $0x0  }
0x89: {  	s21 =	simm.s32 $0x168;
	[sflag:s26] =	ssyncadd.s32 $0xFFFFEC00  }
0x8a: {  	[tilespmem:s5], [sflag:$0x5] =	stream.indirect.gather.add.f32 [hbm:s3], $0x80, s21, s29, $0xb8;
	[tilespmem:$0xCE40] =	vst v63  }
0x8b: {  	_ =	swait.ge [sflag:s11], $0x1400  }
0x8c: {  	[sflag:s11] =	ssyncset.done $0x0  }
0x8d: {  	s20 =	rddreg [dreg:$0x12];
	[sflag:s11] =	ssyncadd.s32 $0xFFFFEC00  }
0x8e: {  	[hbm4b:s20+s2] =	stream.linear.scatter [tilespmem:s30], [sflag:$0x7], $0x1400, $0x38;
	[tilespmem:$0xCE40] =	vst v63  }
0x8f: {  	_ =	swait.ge [sflag:s12], $0x1400  }
0x90: {  	[sflag:s12] =	ssyncset.done $0x0  }
0x91: {  	[sflag:s12] =	ssyncadd.s32 $0xFFFFEC00  }
0x92: {  	[tilespmem:s28], [sflag:$0xB] =	stream.linear.gather [spmem:s1], $0x1400, $0x38;
	[tilespmem:$0xCE40] =	vst v63  }
0x93: {  	_ =	swait.ge [sflag:s26], $0x1400  }
0x94: {  	[sflag:s26] =	ssyncset.done $0x0  }
0x95: {  	s24 =	simm.s32 $0x190;
	[sflag:s26] =	ssyncadd.s32 $0xFFFFEC00  }
0x96: {  	[tilespmem:s28], [sflag:$0x1] =	stream.indirect.gather.add.f32 [hbm:s3], $0x80, s24, s29, $0xb8;
	[tilespmem:$0xCE40] =	vst v63  }
0x97: {  	_ =	swait.ge [sflag:s13], $0x1400  }
0x98: {  	[sflag:s13] =	ssyncset.done $0x0  }
0x99: {  	s10 =	rddreg [dreg:$0x11];
	[sflag:s13] =	ssyncadd.s32 $0xFFFFEC00  }
0x9a: {  	[hbm4b:s10+s2] =	stream.linear.scatter [tilespmem:s31], [sflag:$0x8], $0x1400, $0x38;
	[tilespmem:$0xCE40] =	vst v63  }
0x9b: {  	_ =	swait.ge [sflag:s14], $0x1400  }
0x9c: {  	[sflag:s14] =	ssyncset.done $0x0  }
0x9d: {  	[sflag:s14] =	ssyncadd.s32 $0xFFFFEC00  }
0x9e: {  	[tilespmem:s30], [sflag:$0xB] =	stream.linear.gather [spmem:s19], $0x1400, $0x38;
	[tilespmem:$0xCE40] =	vst v63  }
0x9f: {  	_ =	swait.ge [sflag:s26], $0x1400  }
0xa0: {  	[sflag:s26] =	ssyncset.done $0x0  }
0xa1: {  	s6 =	simm.s32 $0x1B8;
	[sflag:s26] =	ssyncadd.s32 $0xFFFFEC00  }
0xa2: {  	[tilespmem:s30], [sflag:$0x2] =	stream.indirect.gather.add.f32 [hbm:s3], $0x80, s6, s29, $0xb8;
	[tilespmem:$0xCE40] =	vst v63  }
0xa3: {  	_ =	swait.ge [sflag:s15], $0x1400  }
0xa4: {  	[sflag:s15] =	ssyncset.done $0x0  }
0xa5: {  	s21 =	rddreg [dreg:$0x10];
	[sflag:s15] =	ssyncadd.s32 $0xFFFFEC00  }
0xa6: {  	[hbm4b:s21+s2] =	stream.linear.scatter [tilespmem:s0], [sflag:$0x9], $0x1400, $0x38;
	[tilespmem:$0xCE40] =	vst v63  }
0xa7: {  	_ =	swait.ge [sflag:s16], $0x1400  }
0xa8: {  	[sflag:s16] =	ssyncset.done $0x0  }
0xa9: {  	[sflag:s16] =	ssyncadd.s32 $0xFFFFEC00  }
0xaa: {  	[tilespmem:s31], [sflag:$0xB] =	stream.linear.gather [spmem:s7], $0x1400, $0x38;
	[tilespmem:$0xCE40] =	vst v63  }
0xab: {  	_ =	swait.ge [sflag:s26], $0x1400  }
0xac: {  	[sflag:s26] =	ssyncset.done $0x0  }
0xad: {  	s18 =	simm.s32 $0x1E0;
	[sflag:s26] =	ssyncadd.s32 $0xFFFFEC00  }
0xae: {  	[tilespmem:s31], [sflag:$0x3] =	stream.indirect.gather.add.f32 [hbm:s3], $0x80, s18, s29, $0xb8;
	[tilespmem:$0xCE40] =	vst v63  }
0xaf: {  	_ =	swait.ge [sflag:s17], $0x1400  }
0xb0: {  	[sflag:s17] =	ssyncset.done $0x0  }
0xb1: {  	s24 =	rddreg [dreg:$0xf];
	[sflag:s17] =	ssyncadd.s32 $0xFFFFEC00  }
0xb2: {  	[hbm4b:s24+s2] =	stream.linear.scatter [tilespmem:s5], [sflag:$0xA], $0x1400, $0x38;
	[tilespmem:$0xCE40] =	vst v63  }
0xb3: {  	s9 =	simm.s32 $0x320;
	_ =	swait.ge [sflag:s22], $0x1400  }
0xb4: {  	s25 =	sadd.s32 $0xC80, s25;
	s6 =	smov.u32 s1;
	[sflag:s22] =	ssyncset.done $0x0  }
0xb5: {  	s21 =	sadd.s32 $0xC80, s21;
	s18 =	sadd.s32 $0xC80, s10;
	[sflag:s22] =	ssyncadd.s32 $0xFFFFEC00  }
0xb6: {  	[tilespmem:s0], [sflag:$0xB] =	stream.linear.gather [spmem:s8], $0x1400, $0x38;
	[tilespmem:$0xCE40] =	vst v63  }
0xb7: {  	s10 =	smov.u32 s8;
	s8 =	smov.u32 s7;
	_ =	swait.ge [sflag:s26], $0x1400  }
0xb8: {  	s7 =	smov.u32 s19;
	s19 =	sadd.s32 $0xC80, s20;
	[sflag:s26] =	ssyncset.done $0x0  }
0xb9: {  	s20 =	sadd.s32 $0xC80, s24;
	s24 =	simm.s32 $0x208;
	[sflag:s26] =	ssyncadd.s32 $0xFFFFEC00  }
.LBB2_2:
0xba: {  	[tilespmem:s0], [sflag:$0x4] =	stream.indirect.gather.add.f32 [hbm:s3], $0x80, s24, s29, $0xb8;
	[tilespmem:$0xCE40] =	vst v63  }
0xbb: {  	_ =	swait.ge [sflag:s4], $0x1400  }
0xbc: {  	[sflag:s4] =	ssyncset.done $0x0  }
0xbd: {  	[sflag:s4] =	ssyncadd.s32 $0xFFFFEC00  }
0xbe: {  	[hbm4b:s25+s2] =	stream.linear.scatter [tilespmem:s28], [sflag:$0x6], $0x1400, $0x38;
	[tilespmem:$0xCE40] =	vst v63  }
0xbf: {  	_ =	swait.ge [sflag:s23], $0x1400  }
0xc0: {  	[sflag:s23] =	ssyncset.done $0x0  }
0xc1: {  	s1 =	rddreg [dreg:$0x4];
	[sflag:s23] =	ssyncadd.s32 $0xFFFFEC00  }
0xc2: {  	[tilespmem:s5], [sflag:$0xB] =	stream.linear.gather [spmem:s1], $0x1400, $0x38;
	[tilespmem:$0xCE40] =	vst v63  }
0xc3: {  	s24 =	smov.u32 s9;
	_ =	swait.ge [sflag:s26], $0x1400  }
0xc4: {  	s24 =	sshra.s32 s24, $0x2;
	[sflag:s26] =	ssyncset.done $0x0  }
0xc5: {  	s1 =	sadd.s32 $0x168, s24;
	[sflag:s26] =	ssyncadd.s32 $0xFFFFEC00  }
0xc6: {  	[tilespmem:s5], [sflag:$0x5] =	stream.indirect.gather.add.f32 [hbm:s3], $0x80, s1, s29, $0xb8;
	[tilespmem:$0xCE40] =	vst v63  }
0xc7: {  	_ =	swait.ge [sflag:s11], $0x1400  }
0xc8: {  	[sflag:s11] =	ssyncset.done $0x0  }
0xc9: {  	[sflag:s11] =	ssyncadd.s32 $0xFFFFEC00  }
0xca: {  	[hbm4b:s19+s2] =	stream.linear.scatter [tilespmem:s30], [sflag:$0x7], $0x1400, $0x38;
	[tilespmem:$0xCE40] =	vst v63  }
0xcb: {  	_ =	swait.ge [sflag:s12], $0x1400  }
0xcc: {  	[sflag:s12] =	ssyncset.done $0x0  }
0xcd: {  	[sflag:s12] =	ssyncadd.s32 $0xFFFFEC00  }
0xce: {  	[tilespmem:s28], [sflag:$0xB] =	stream.linear.gather [spmem:s6], $0x1400, $0x38;
	[tilespmem:$0xCE40] =	vst v63  }
0xcf: {  	_ =	swait.ge [sflag:s26], $0x1400  }
0xd0: {  	[sflag:s26] =	ssyncset.done $0x0  }
0xd1: {  	s1 =	sadd.s32 $0x190, s24;
	[sflag:s26] =	ssyncadd.s32 $0xFFFFEC00  }
0xd2: {  	[tilespmem:s28], [sflag:$0x1] =	stream.indirect.gather.add.f32 [hbm:s3], $0x80, s1, s29, $0xb8;
	[tilespmem:$0xCE40] =	vst v63  }
0xd3: {  	_ =	swait.ge [sflag:s13], $0x1400  }
0xd4: {  	[sflag:s13] =	ssyncset.done $0x0  }
0xd5: {  	[sflag:s13] =	ssyncadd.s32 $0xFFFFEC00  }
0xd6: {  	[hbm4b:s18+s2] =	stream.linear.scatter [tilespmem:s31], [sflag:$0x8], $0x1400, $0x38;
	[tilespmem:$0xCE40] =	vst v63  }
0xd7: {  	_ =	swait.ge [sflag:s14], $0x1400  }
0xd8: {  	[sflag:s14] =	ssyncset.done $0x0  }
0xd9: {  	[sflag:s14] =	ssyncadd.s32 $0xFFFFEC00  }
0xda: {  	[tilespmem:s30], [sflag:$0xB] =	stream.linear.gather [spmem:s7], $0x1400, $0x38;
	[tilespmem:$0xCE40] =	vst v63  }
0xdb: {  	_ =	swait.ge [sflag:s26], $0x1400  }
0xdc: {  	[sflag:s26] =	ssyncset.done $0x0  }
0xdd: {  	s1 =	sadd.s32 $0x1B8, s24;
	[sflag:s26] =	ssyncadd.s32 $0xFFFFEC00  }
0xde: {  	[tilespmem:s30], [sflag:$0x2] =	stream.indirect.gather.add.f32 [hbm:s3], $0x80, s1, s29, $0xb8;
	[tilespmem:$0xCE40] =	vst v63  }
0xdf: {  	_ =	swait.ge [sflag:s15], $0x1400  }
0xe0: {  	[sflag:s15] =	ssyncset.done $0x0  }
0xe1: {  	[sflag:s15] =	ssyncadd.s32 $0xFFFFEC00  }
0xe2: {  	[hbm4b:s21+s2] =	stream.linear.scatter [tilespmem:s0], [sflag:$0x9], $0x1400, $0x38;
	[tilespmem:$0xCE40] =	vst v63  }
0xe3: {  	_ =	swait.ge [sflag:s16], $0x1400  }
0xe4: {  	[sflag:s16] =	ssyncset.done $0x0  }
0xe5: {  	[sflag:s16] =	ssyncadd.s32 $0xFFFFEC00  }
0xe6: {  	[tilespmem:s31], [sflag:$0xB] =	stream.linear.gather [spmem:s8], $0x1400, $0x38;
	[tilespmem:$0xCE40] =	vst v63  }
0xe7: {  	_ =	swait.ge [sflag:s26], $0x1400  }
0xe8: {  	[sflag:s26] =	ssyncset.done $0x0  }
0xe9: {  	s1 =	sadd.s32 $0x1E0, s24;
	[sflag:s26] =	ssyncadd.s32 $0xFFFFEC00  }
0xea: {  	[tilespmem:s31], [sflag:$0x3] =	stream.indirect.gather.add.f32 [hbm:s3], $0x80, s1, s29, $0xb8;
	[tilespmem:$0xCE40] =	vst v63  }
0xeb: {  	_ =	swait.ge [sflag:s17], $0x1400  }
0xec: {  	[sflag:s17] =	ssyncset.done $0x0  }
0xed: {  	[sflag:s17] =	ssyncadd.s32 $0xFFFFEC00  }
0xee: {  	[hbm4b:s20+s2] =	stream.linear.scatter [tilespmem:s5], [sflag:$0xA], $0x1400, $0x38;
	[tilespmem:$0xCE40] =	vst v63  }
0xef: {  	_ =	swait.ge [sflag:s22], $0x1400  }
0xf0: {  	p1 =	sne.s32 s9, $0x186A0;
	[sflag:s22] =	ssyncset.done $0x0  }
.Ltmp0:
0xf1: {  	s9 =	sadd.s32 $0x320, s9;
	[sflag:s22] =	ssyncadd.s32 $0xFFFFEC00;
	(pc) =	sbr.rel @p1 .LBB2_2-.Ltmp0, $4  }
0xf2: {  	[tilespmem:s0], [sflag:$0xB] =	stream.linear.gather [spmem:s10], $0x1400, $0x38;
	[tilespmem:$0xCE40] =	vst v63  }
0xf3: {  	s25 =	sadd.s32 $0xC80, s25;
	s19 =	sadd.s32 $0xC80, s19;
	_ =	swait.ge [sflag:s26], $0x1400  }
0xf4: {  	s18 =	sadd.s32 $0xC80, s18;
	s24 =	sadd.s32 $0x208, s24;
	[sflag:s26] =	ssyncset.done $0x0  }
0xf5: {  	s21 =	sadd.s32 $0xC80, s21;
	s20 =	sadd.s32 $0xC80, s20;
	[sflag:s26] =	ssyncadd.s32 $0xFFFFEC00  }
0xf6: {  	[tilespmem:s0], [sflag:$0x4] =	stream.indirect.gather.add.f32 [hbm:s3], $0x80, s24, s29, $0xb8;
	[tilespmem:$0xCE40] =	vst v63  }
0xf7: {  	_ =	swait.ge [sflag:s4], $0x1400  }
0xf8: {  	[sflag:s4] =	ssyncset.done $0x0  }
0xf9: {  	s1 =	rddreg [dreg:$0xc];
	[sflag:s4] =	ssyncadd.s32 $0xFFFFEC00  }
0xfa: {  	[hbm4b:s1+s2] =	stream.linear.scatter [tilespmem:s28], [sflag:$0x6], $0x1400, $0x38;
	[tilespmem:$0xCE40] =	vst v63  }
0xfb: {  	_ =	swait.ge [sflag:s23], $0x1400  }
0xfc: {  	[sflag:s23] =	ssyncset.done $0x0  }
0xfd: {  	s9 =	rddreg [dreg:$0x4];
	[sflag:s23] =	ssyncadd.s32 $0xFFFFEC00  }
0xfe: {  	[tilespmem:s5], [sflag:$0xB] =	stream.linear.gather [spmem:s9], $0x1400, $0x38;
	[tilespmem:$0xCE40] =	vst v63  }
0xff: {  	_ =	swait.ge [sflag:s26], $0x1400  }
0x100: {  	[sflag:s26] =	ssyncset.done $0x0  }
0x101: {  	s18 =	simm.s32 $0x63D8;
	[sflag:s26] =	ssyncadd.s32 $0xFFFFEC00  }
0x102: {  	[tilespmem:s5], [sflag:$0x5] =	stream.indirect.gather.add.f32 [hbm:s3], $0x80, s18, s29, $0xb8;
	[tilespmem:$0xCE40] =	vst v63  }
0x103: {  	_ =	swait.ge [sflag:s11], $0x1400  }
0x104: {  	[sflag:s11] =	ssyncset.done $0x0  }
0x105: {  	s19 =	rddreg [dreg:$0xd];
	[sflag:s11] =	ssyncadd.s32 $0xFFFFEC00  }
0x106: {  	[hbm4b:s19+s2] =	stream.linear.scatter [tilespmem:s30], [sflag:$0x7], $0x1400, $0x38;
	[tilespmem:$0xCE40] =	vst v63  }
0x107: {  	_ =	swait.ge [sflag:s13], $0x1400  }
0x108: {  	[sflag:s13] =	ssyncset.done $0x0  }
0x109: {  	s20 =	rddreg [dreg:$0xe];
	[sflag:s13] =	ssyncadd.s32 $0xFFFFEC00  }
0x10a: {  	[hbm4b:s20+s2] =	stream.linear.scatter [tilespmem:s31], [sflag:$0x8], $0x1400, $0x38;
	[tilespmem:$0xCE40] =	vst v63  }
0x10b: {  	_ =	swait.ge [sflag:s15], $0x1400  }
0x10c: {  	[sflag:s15] =	ssyncset.done $0x0  }
0x10d: {  	s21 =	rddreg [dreg:$0x13];
	[sflag:s15] =	ssyncadd.s32 $0xFFFFEC00  }
0x10e: {  	[hbm4b:s21+s2] =	stream.linear.scatter [tilespmem:s0], [sflag:$0x9], $0x1400, $0x38;
	[tilespmem:$0xCE40] =	vst v63  }
0x10f: {  	_ =	swait.ge [sflag:s17], $0x1400  }
0x110: {  	[sflag:s17] =	ssyncset.done $0x0  }
0x111: {  	s24 =	rddreg [dreg:$0x14];
	[sflag:s17] =	ssyncadd.s32 $0xFFFFEC00  }
0x112: {  	[hbm4b:s24+s2] =	stream.linear.scatter [tilespmem:s5], [sflag:$0xA], $0x1400, $0x38;
	[tilespmem:$0xCE40] =	vst v63  }
0x113: {  	_ =	swait.ge [sflag:s12], $0x1400  }
0x114: {  	[sflag:s12] =	ssyncset.done $0x0  }
0x115: {  	[sflag:s12] =	ssyncadd.s32 $0xFFFFEC00  }
0x116: {  	_ =	swait.ge [sflag:s14], $0x1400  }
0x117: {  	[sflag:s14] =	ssyncset.done $0x0  }
0x118: {  	[sflag:s14] =	ssyncadd.s32 $0xFFFFEC00  }
0x119: {  	_ =	swait.ge [sflag:s16], $0x1400  }
0x11a: {  	[sflag:s16] =	ssyncset.done $0x0  }
0x11b: {  	[sflag:s16] =	ssyncadd.s32 $0xFFFFEC00  }
0x11c: {  	_ =	swait.ge [sflag:s22], $0x1400  }
0x11d: {  	[sflag:s22] =	ssyncset.done $0x0  }
0x11e: {  	[sflag:s22] =	ssyncadd.s32 $0xFFFFEC00  }
0x11f: {  	_ =	swait.ge [sflag:s23], $0x1400  }
0x120: {  	s9 =	rddreg [dreg:$0x17]  }
0x121: {  	s25 =	rddreg [dreg:$0x15];
	s9 =	sadd.s32 $0x1, s9  }
0x122: {  	p1 =	sne.s32 s9, s25  }
.Ltmp1:
0x123: {  	_ = 	snop;
	(pc) =	sbr.rel @p1 .LBB2_1-.Ltmp1, $3  }
0x124: {  	_ =	sdelay $0x1  }
0x125: {  	s1 =	smov.u32 s6;
	s19 =	smov.u32 s7;
	[sflag:s23] =	ssyncset.done $0x0  }
0x126: {  	s7 =	smov.u32 s8;
	s8 =	smov.u32 s10;
	[sflag:s23] =	ssyncadd.s32 $0xFFFFEC00  }
0x127: {  	_ =	sfence.sel $0x180000  }
0x128: {  	[bflag:$0x0] =	sbarrier.arrive $0xFFFF  }
0x129: {  	_ =	strace $0x90000047  }
0x12a: {  	[bflag:$0x2] =	sbarrier.arrive $0xFFFF  }
0x12b: {  	s0 =	rddreg [dreg:$0x3]  }
0x12c: {  	s0 =	sadd.s32 @!p0 $0x100000, s0  }
0x12d: {  	[sflag:s0] =	ssyncadd.tile.s32 @!p0 $0x1;
	_ =	shalt  }
.Lfunc_end2:
_tile_overlayer_lowered:
.L_overlay_start_2:
0x12e: {  	(tag) =	ssettag $0x2  }
0x12f: {  	s0 =	rddreg [dreg:$0x0];
	s2 =	stileid.u32  }
0x130: {  	s1 =	rddreg [dreg:$0x1];
	p0 =	sne.s32 s2, $0x0  }
0x131: {  	s3 =	rddreg [dreg:$0x2];
	[bflag:$0x3] =	sbarrier.arrive $0xFFFF;
	s2 =	simm.s32 @!p0 $0x1C0B  }
0x132: {  	[timem:s3], [sflag:s2] =	dma.local @!p0 [hbm:s0], s1  }
0x133: {  	s0 =	simm.s32 @!p0 $0xB  }
0x134: {  	_ =	swait.ge @!p0 [sflag:s0], s1  }
0x135: {  	s1 =	ssub.s32 @!p0 $0x0, s1;
	[sflag:s0] =	ssyncset.done @!p0 $0x0  }
0x136: {  	[sflag:s0] =	ssyncadd.s32 @!p0 s1  }
0x137: {  	[bflag:$0x3] =	sbarrier.arrive $0xFFFF  }
0x138: {  	_ =	shalt  }

// kernel: sparse-core-data-format-call.cloned.1.call-start
scs
called_computation_lowered:
.L_overlay_start_0:
0x0: {  	s2 =	sld [smem:$0x3FD9]  }
0x1: {  	s3 =	sld [smem:$0x3FFE];
	_ =	sdelay $0x1  }
0x2: {  	s1 =	srdreg.scid  }
0x3: {  	s0 =	sand.u32 $0x1, s1  }
0x4: {  	s18 =	sshll.u32 s0, $0xA;
	s2 =	sadd.s32 s3, s2  }
0x5: {  	s2 =	sadd.s32 s2, s18  }
0x6: {  	[smem:$0x3FC5] =	sst s2  }
0x7: {  	_ = 	snop  }
0x8: {  	s2 =	sld [smem:$0x3FD0];
	(tm) =	ssettm $0x1  }
0x9: {  	s19 =	sld [smem:$0x3FFB];
	_ =	sdelay $0x3  }
0xa: {  	_ =	strace s19  }
0xb: {  	s3 =	sld [smem:$0x3FFC];
	_ =	sdelay $0x3  }
0xc: {  	_ =	strace s3  }
0xd: {  	s3 =	sld [smem:$0x3FFD];
	_ =	sdelay $0x3  }
0xe: {  	_ =	strace s3  }
0xf: {  	_ =	strace $0x8FFFFFFF  }
0x10: {  	s20 =	sld [smem:$0x3FDB];
	_ =	sdelay $0x1  }
0x11: {  	s4 =	simm.s32 $_scs_section_size  }
0x12: {  	s5 =	simm.s32 $_size__tile_overlayer_lowered;
	s6 =	simm.s32 $_tile_overlayer_lowered  }
0x13: {  	s23 =	simm.s32 $0x1BFF;
	s22 =	sshll.u32 s6, $0x1;
	s3 =	sadd.s32 s4, s20  }
0x14: {  	s7 =	simm.s32 $0x0;
	s21 =	sshll.u32 s5, $0x1;
	s5 =	sadd.s32 s22, s3  }
0x15: {  	[timem:s7], [sflag:s23] =	dma.local [hbm:s5], s21  }
0x16: {  	_ =	swait.ge [sflag:s23], s21  }
0x17: {  	s4 =	ssub.s32 $0x0, s21;
	[sflag:s23] =	ssyncset.done $0x0  }
0x18: {  	[sflag:s23] =	ssyncadd.s32 s4;
	_ =	sdelay $0x1  }
0x19: {  	s24 =	simm.s32 $0x1B8B  }
0x1a: {  	_ =	swait.ge [sflag:s24], $0x1  }
0x1b: {  	[sflag:s24] =	ssyncset.done $0x0  }
0x1c: {  	s26 =	simm.s32 $0x1B8E;
	s25 =	sld [smem:$0x3FFE];
	[sflag:s24] =	ssyncadd.s32 $0xFFFFFFFF  }
0x1d: {  	s27 =	simm.s32 $execute0_lowered;
	[smem:$0x3FD2] =	sst s26  }
0x1e: {  	s5 =	sshll.u32 s27, $0x1;
	_ =	strace $0x80000049;
	[dreg:$0x1] =	wrdreg $0xFFFFFFFF  }
0x1f: {  	s28 =	simm.s32 $_size_execute0_lowered;
	s3 =	sadd.s32 s3, s5;
	[dreg:$0x0] =	wrdreg $0x0  }
0x20: {  	s5 =	sshll.u32 s28, $0x1;
	[dreg:$0x2] =	wrdreg s3  }
0x21: {  	[dreg:$0x3] =	wrdreg s5  }
0x22: {  	[dreg:$0x4] =	wrdreg $0xC0  }
0x23: {  	_ =	task [dreg:s7], $0x5FFFF  }
0x24: {  	[dreg:$0x1] =	wrdreg $0xFFFFFFFF  }
0x25: {  	[dreg:$0x0] =	wrdreg $0x60  }
0x26: {  	[dreg:$0x2] =	wrdreg s25  }
0x27: {  	[dreg:$0x3] =	wrdreg s2  }
0x28: {  	[dreg:$0x4] =	wrdreg $0x9  }
0x29: {  	_ =	task.clear_ibuf [dreg:s7], $0x5FFFF;
	_ =	strace $0x90000049  }
0x2a: {  	s29 =	simm.s32 $0x9;
	_ =	strace $0x8000004B  }
0x2b: {  	_ =	swait.ge [sflag:s29], $0x1  }
0x2c: {  	[sflag:s29] =	ssyncadd.s32 $0xFFFFFFFF  }
0x2d: {  	_ =	strace $0x9000004B  }
0x2e: {  	_ =	sfence  }
0x2f: {  	s30 =	sld [smem:$0x0];
	_ =	sdelay $0x2  }
0x30: {  	s31 =	sshll.u32 s1, $0xD;
	s1 =	sshrl.u32 s1, $0x2  }
0x31: {  	s3 =	sand.u32 $0x4000, s31;
	s1 =	sadd.s32 s1, s30  }
0x32: {  	s0 =	sor.u32 s3, s0;
	s1 =	sshll.u32 s1, $0x11  }
0x33: {  	s0 =	sor.u32 s1, s0  }
0x34: {  	s0 =	sadd.s32 $0x8F2B, s0  }
0x35: {  	[sflag:s0] =	ssyncadd.remote.s32 $0x1  }
0x36: {  	_ =	sfence.sel $0xFFFF  }
0x37: {  	[dreg:$0x0] =	wrdreg $0xFFFFFFFF;
	(pc) =	sbr.abs _section_cstart, $3  }
0x38: {  	[dreg:$0x1] =	wrdreg $0xFFFFFFFF  }
0x39: {  	_ =	task.clear_ibuf [dreg:s7], $0x2FFFF;
	_ =	strace $0x9FFFFFFF  }
0x3a: {  	(tm) =	ssettm $0x7FFFFFFF  }
0x3b: {  	_ =	shalt  }
tec
execute0_lowered:
.L_overlay_start_1:
0x0: {  	(tag) =	ssettag $0x1  }
0x1: {  	s0 =	srdreg.scid  }
0x2: {  	s1 =	sshll.u32 s0, $0x4  }
0x3: {  	s0 =	stileid.u32;
	s1 =	sand.u32 $0x10, s1  }
0x4: {  	s1 =	sor.u32 s0, s1  }
0x5: {  	s6 =	rddreg [dreg:$0x0];
	s4 =	simm.s32 $0x1;
	s2 =	sshll.u32 s1, $0x7  }
0x6: {  	s7 =	simm.s32 $0x2;
	s12 =	simm.s32 $0x0;
	s1 =	ssub.s32 $0x1000, s2  }
0x7: {  	s8 =	simm.s32 $0x8000;
	s13 =	simm.s32 $0x0;
	s3 =	sand.u32 $0xF80, s1  }
0x8: {  	s9 =	simm.s32 $0x0;
	s5 =	sshrl.u32 s1, $0xC;
	p0 =	sne.s32 s3, $0x0  }
.Ltmp0:
0x9: {  	s1 =	rddreg [dreg:$0x2];
	s4 =	simm.s32 @!p0 $0x0;
	(pc) =	sbr.rel .LBB1_1-.Ltmp0, $4  }
0xa: {  	s11 =	simm.s32 $0x0;
	s3 =	rddreg [dreg:$0x1];
	s5 =	sadd.s32 s4, s5  }
0xb: {  	_ =	strace $0x8000004A;
	s4 =	simm.s32 $0x1;
	s5 =	smul.u32 $0xC8, s5  }
0xc: {  	s6 =	sadd.s32 $0x1C00, s6;
	s10 =	smov.u32 s2;
	[sflag:s4] =	ssyncpa.u1 $0x0  }
0xd: {  	p0 =	por $0x0, $0x0;
	[sflag:s7] =	ssyncpa.u1 $0x0;
	s7 =	sor.u32 $0x1, s5  }
.LBB1_4:
0xe: {  	s16 =	sshll.u32 s13, $0x3;
	s17 =	sand.u32 $0x78, s13  }
0xf: {  	s30 =	sand.u32 $0x7E00, s13;
	s12 =	sshll.u32 s12, $0xF;
	s16 =	sand.u32 $0xC00, s16  }
0x10: {  	[tilespmem:s15+$0x810 ss:$0x81] =	vst.msk $0xffff, v2;
	s31 =	sand.u32 $0x7, s13;
	s16 =	sor.u32 s17, s16;
	s17 =	sadd.s32 s3, s30  }
0x11: {  	[tilespmem:s15+$0x1020 ss:$0x81] =	vst.msk $0xffff, v0;
	s13 =	sshll.u32 s31, $0x12;
	s12 =	sadd.s32 s12, s17;
	s16 =	sshrl.u32 s16, $0x3  }
0x12: {  	[tilespmem:s15+$0x0 ss:$0x81] =	vst.msk $0xffff, v1;
	s13 =	sor.u32 $0x400, s13;
	s12 =	sadd.s32 s16, s12  }
0x13: {  	[hbm4b:s12+s13] =	stream.strided.scatter [tilespmem:s14], [sflag:$0x2], $0x2000, s8, s13, $0x20;
	[tilespmem:$0x8080] =	vst v63  }
.LBB1_5:
0x14: {  	s14 =	sadd.s32 $0x1, s9  }
0x15: {  	s12 =	sadd.s32 $0x1000, s10;
	s16 =	smov.u32 s10;
	p2 =	sgt.s32 s14, $0xC7  }
0x16: {  	s16 =	smov.u32 @p2 s12  }
0x17: {  	s14 =	simm.s32 @p2 $0x0;
	p2 =	sgt.s32 s16, $0xFFF  }
0x18: {  	s16 =	smov.u32 @p2 s2;
	p2 =	sne.s32 s11, s7  }
.Ltmp1:
0x19: {  	p1 =	slt.u32 s11, $0x2;
	(pc) =	sbr.rel @!p2 .LBB1_6-.Ltmp1, $4  }
0x1a: {  	s15 =	simm.s32 @!p1 $0x2  }
0x1b: {  	s13 =	smov.u32 s10;
	p0 =	por !p0, !p0;
	_ =	swait.ge @!p1 [sflag:s15], $0x2000  }
0x1c: {  	s12 =	smov.u32 s9;
	[sflag:s15] =	ssyncset.done @!p1 $0x0;
	s9 =	smov.u32 s14  }
0x1d: {  	s11 =	sadd.s32 $0x1, s11;
	[sflag:s15] =	ssyncadd.s32 @!p1 $0xFFFFE000;
	s10 =	smov.u32 s16  }
.LBB1_1:
0x1e: {  	p1 =	sge.u32 s11, s5  }
0x1f: {  	s14 =	sand.u32 @!p1 $0x1FFFFFF, s9  }
0x20: {  	s15 =	smulhi.u32 @!p1 $0x147AE15, s14;
	_ =	sdelay $0x1  }
0x21: {  	s15 =	smul.u32 @!p1 $0xC8, s15  }
0x22: {  	s16 =	sxor.u32 @!p1 $0xFFFFFFFF, s11;
	s17 =	smul.u32 @!p1 $0xC80, s10  }
0x23: {  	s31 =	sadd.s32 $0xFFFFFFFF, s11;
	s16 =	sshll.u32 @!p1 s16, $0xD;
	s14 =	ssub.s32 @!p1 s14, s15  }
0x24: {  	s15 =	sand.u32 @!p1 $0x2000, s16;
	s16 =	sadd.s32 @!p1 s6, s17;
	s14 =	sshll.u32 @!p1 s14, $0x4  }
0x25: {  	s17 =	simm.s32 @!p1 $0x6400;
	s14 =	sadd.s32 @!p1 s14, s16;
	s16 =	simm.s32 @!p1 $0x40  }
0x26: {  	[tilespmem:s15], [sflag:$0x1] =	stream.strided.gather @!p1 [hbm4b:s14+s16], $0x2000, s17, s16, $0x38;
	[tilespmem:$0x8080] =	vst v63  }
0x27: {  	p1 =	sge.u32 s31, s5  }
.Ltmp2:
0x28: {  	_ = 	snop;
	(pc) =	sbr.rel @p1 .LBB1_5-.Ltmp2, $1  }
0x29: {  	_ =	sdelay $0x3  }
0x2a: {  	s14 =	simm.s32 $0x1  }
0x2b: {  	_ =	swait.ge [sflag:s4], $0x2000;
	s14 =	simm.s32 @!p0 $0x0  }
0x2c: {  	[sflag:s4] =	ssyncset.done $0x0;
	s15 =	sshll.u32 s14, $0xD  }
0x2d: {  	[sflag:s4] =	ssyncadd.s32 $0xFFFFE000;
	s18 =	sor.u32 $0x20, s15  }
0x2e: {  	s14 =	smul.u32 $0x8100, s14;
	v3 =	vld [tilespmem:s18+$0x10]  }
0x2f: {  	s30 =	sand.u32 $0x1, s11;
	v2 =	vld [tilespmem:s18+$0xFFFFFFF0]  }
0x30: {  	s15 =	smul.u32 $0x8100, s30;
	s14 =	sshrl.u32 s14, $0x2;
	v0 =	vld [tilespmem:s18+$0x0]  }
0x31: {  	v1 =	vld [tilespmem:s18+$0xFFFFFFE0];
	s16 =	sor.u32 $0x4000, s14  }
0x32: {  	s31 =	sshrl.u32 s15, $0x2;
	s15 =	sadd.s32 $0x0, s16  }
0x33: {  	s17 =	simm.s32 $0x4;
	s18 =	sadd.s32 $0x40, s18;
	s14 =	sor.u32 $0x4000, s31;
	[tilespmem:s15+$0x1830 ss:$0x81] =	vst.msk $0xffff, v3  }
.LBB1_3:
0x34: {  	v3 =	vld [tilespmem:s18+$0x10];
	p1 =	sne.s32 s17, $0x1FC;
	[tilespmem:s15+$0x810 ss:$0x81] =	vst.msk $0xffff, v2;
	s19 =	smov.u32 s17;
	s17 =	sadd.s32 $0x4, s17  }
.Ltmp3:
0x35: {  	v2 =	vld [tilespmem:s18+$0xFFFFFFF0];
	[tilespmem:s15+$0x1020 ss:$0x81] =	vst.msk $0xffff, v0;
	(pc) =	sbr.rel @p1 .LBB1_3-.Ltmp3, $4  }
0x36: {  	v0 =	vld [tilespmem:s18+$0x0];
	[tilespmem:s15+$0x0 ss:$0x81] =	vst.msk $0xffff, v1  }
0x37: {  	s15 =	sshra.s32 s19, $0x2;
	v1 =	vld [tilespmem:s18+$0xFFFFFFE0]  }
0x38: {  	s15 =	sadd.s32 s15, s16  }
0x39: {  	s18 =	sadd.s32 $0x40, s18;
	[tilespmem:s15+$0x1830 ss:$0x81] =	vst.msk $0xffff, v3  }
.Ltmp4:
0x3a: {  	_ = 	snop;
	(pc) =	sbr.rel .LBB1_4-.Ltmp4, $1  }
0x3b: {  	_ =	sdelay $0x3  }
.LBB1_6:
0x3c: {  	_ =	sfence.sel $0x180000  }
0x3d: {  	s2 =	simm.s32 $0x1;
	[bflag:$0x0] =	sbarrier.arrive $0xFFFF  }
0x3e: {  	s31 =	simm.s32 $0x2;
	[sflag:s2] =	ssyncpa.u1 $0x1  }
0x3f: {  	[sflag:s31] =	ssyncpa.u1 $0x1  }
0x40: {  	p0 =	sne.s32 s0, $0x0;
	_ =	strace $0x9000004A  }
0x41: {  	s0 =	sadd.s32 @!p0 $0x100000, s1;
	[bflag:$0x2] =	sbarrier.arrive $0xFFFF  }
0x42: {  	[sflag:s0] =	ssyncadd.tile.s32 @!p0 $0x1;
	_ =	shalt  }
.Lfunc_end1:
_tile_overlayer_lowered:
.L_overlay_start_2:
0x43: {  	(tag) =	ssettag $0x2  }
0x44: {  	s0 =	rddreg [dreg:$0x0];
	s2 =	stileid.u32  }
0x45: {  	s1 =	rddreg [dreg:$0x1];
	p0 =	sne.s32 s2, $0x0  }
0x46: {  	s3 =	rddreg [dreg:$0x2];
	[bflag:$0x3] =	sbarrier.arrive $0xFFFF;
	s2 =	simm.s32 @!p0 $0x1C01  }
0x47: {  	[timem:s3], [sflag:s2] =	dma.local @!p0 [hbm:s0], s1  }
0x48: {  	s0 =	simm.s32 @!p0 $0x1  }
0x49: {  	_ =	swait.ge @!p0 [sflag:s0], s1  }
0x4a: {  	s1 =	ssub.s32 @!p0 $0x0, s1;
	[sflag:s0] =	ssyncset.done @!p0 $0x0  }
0x4b: {  	[sflag:s0] =	ssyncadd.s32 @!p0 s1  }
0x4c: {  	[bflag:$0x3] =	sbarrier.arrive $0xFFFF  }
0x4d: {  	_ =	shalt  }

</sc_bundles>
